<compile_context>
chip_gen: v7x
topology: tpu7x:2x2x1
jax: 0.10.2.dev20260603
libtpu: 0.0.44.dev20260713+nightly
codegen_flags: <defaults>
</compile_context>

<pallas_src>
import functools

import jax
import jax.numpy as jnp
from jax import lax
from jax.experimental import pallas as pl
from jax.experimental.pallas import tpu as pltpu
from jax.experimental.pallas import tpu_sc as plsc

_B, _TOPK, _D, _V, _C = 4096, 16, 64, 64, 100000
_BT = 1024
_L = 4096
_NCB = (_C + _L - 1) // _L
_NEG = float("-inf")


_CH = _L // 128
_BIG = 2 ** 30


def _fold(v, g):
    w = 128
    while w > _TOPK:
        h = w // 2
        av, bv = v[:, :h], v[:, h:]
        ag, bg = g[:, :h], g[:, h:]
        take = (bv > av) | ((bv == av) & (bg < ag))
        v = jnp.where(take, bv, av)
        g = jnp.where(take, bg, ag)
        w = h
    t = g
    while t.shape[1] < 128:
        t = jnp.concatenate([t, t], axis=1)
    return v, g, t


def _merge16_t(rvt, rit, cv, ci):
    vals = jnp.concatenate([rvt, cv.T], axis=0)
    gidx = jnp.concatenate([rit, ci.T], axis=0)
    out_v, out_i = [], []
    for _ in range(_TOPK):
        m = jnp.max(vals, axis=0, keepdims=True)
        hit = vals == m
        s = jnp.min(jnp.where(hit, gidx, _BIG), axis=0, keepdims=True)
        out_v.append(m)
        out_i.append(s)
        vals = jnp.where(hit & (gidx == s), _NEG, vals)
    return jnp.concatenate(out_v, axis=0), jnp.concatenate(out_i, axis=0)


def _topk_body(q_ref, k_ref, scores_ref, idx_ref, x_ref, rv_ref, ri_ref,
               t_ref):
    j = pl.program_id(1)

    @pl.when(j == 0)
    def _init():
        rv_ref[...] = jnp.full((_TOPK, _BT), _NEG, jnp.float32)
        ri_ref[...] = jnp.zeros((_TOPK, _BT), jnp.int32)
        t_ref[...] = jnp.full((_BT, 1), _NEG, jnp.float32)

    sim = lax.dot_general(q_ref[...], k_ref[...], (((1,), (1,)), ((), ())),
                          preferred_element_type=jnp.float32)
    col = j * _L + lax.broadcasted_iota(jnp.int32, (_BT, _L), 1)
    sim = jnp.where(col < _C, sim, _NEG)

    lane = lax.broadcasted_iota(jnp.int32, (_BT, 128), 1)

    m0 = sim[:, 0:128]
    s0 = jnp.zeros((_BT, 128), jnp.int32)
    for c in range(1, _CH):
        xc = sim[:, c * 128:(c + 1) * 128]
        upd = xc > m0
        m0 = jnp.where(upd, xc, m0)
        s0 = jnp.where(upd, c, s0)

    x_ref[...] = sim

    def cond(carry):
        return carry[2]

    def body(carry):
        m, sel, _ = carry
        g = j * _L + sel * 128 + lane
        cv, ci, wt = _fold(m, g)
        m2 = jnp.full((_BT, 128), _NEG, jnp.float32)
        s2 = jnp.zeros((_BT, 128), jnp.int32)
        for c in range(_CH):
            xc = x_ref[:, c * 128:(c + 1) * 128]
            xc = jnp.where((sel == c) & (g == wt), _NEG, xc)
            x_ref[:, c * 128:(c + 1) * 128] = xc
            upd = xc > m2
            m2 = jnp.where(upd, xc, m2)
            s2 = jnp.where(upd, c, s2)
        rvt, rit = _merge16_t(rv_ref[...], ri_ref[...], cv, ci)
        rv_ref[...] = rvt
        ri_ref[...] = rit
        t15 = rvt[_TOPK - 1:_TOPK, :].T
        t_ref[...] = t15
        return m2, s2, jnp.any(m2 >= t15)

    lax.while_loop(cond, body, (m0, s0, jnp.any(m0 >= t_ref[...])))

    @pl.when(j == _NCB - 1)
    def _fin():
        scores_ref[...] = rv_ref[...].T
        idx_ref[...] = ri_ref[...].T


def _topk_call(qn, kn):
    return pl.pallas_call(
        _topk_body,
        grid=(_B // _BT, _NCB),
        in_specs=[
            pl.BlockSpec((_BT, _D), lambda i, j: (i, 0)),
            pl.BlockSpec((_L, _D), lambda i, j: (j, 0)),
        ],
        out_specs=[
            pl.BlockSpec((_BT, _TOPK), lambda i, j: (i, 0)),
            pl.BlockSpec((_BT, _TOPK), lambda i, j: (i, 0)),
        ],
        out_shape=[jax.ShapeDtypeStruct((_B, _TOPK), jnp.float32),
                   jax.ShapeDtypeStruct((_B, _TOPK), jnp.int32)],
        scratch_shapes=[pltpu.VMEM((_BT, _L), jnp.float32),
                        pltpu.VMEM((_TOPK, _BT), jnp.float32),
                        pltpu.VMEM((_TOPK, _BT), jnp.int32),
                        pltpu.VMEM((_BT, 1), jnp.float32)],
        compiler_params=pltpu.CompilerParams(
            dimension_semantics=("parallel", "arbitrary")),
    )(qn, kn)


def _gather_values(values, idx_flat):
    info = plsc.get_sparse_core_info()
    nw = info.num_cores * info.num_subcores
    n = idx_flat.shape[0]
    per_w = n // nw
    ch = 128
    n_ch = per_w // ch
    mesh = plsc.VectorSubcoreMesh(core_axis_name="c", subcore_axis_name="s")

    @functools.partial(
        pl.kernel, mesh=mesh,
        out_type=jax.ShapeDtypeStruct((n, _V), jnp.float32),
        scratch_types=[pltpu.VMEM((ch,), jnp.int32),
                       pltpu.VMEM((ch, _V), jnp.float32),
                       pltpu.SemaphoreType.DMA],
        compiler_params=pltpu.CompilerParams(use_tc_tiling_on_sc=False),
    )
    def k(table_hbm, idx_hbm, out_hbm, idx_v, rows_v, sem):
        wid = lax.axis_index("s") * info.num_cores + lax.axis_index("c")
        base = wid * per_w
        for t in range(n_ch):
            off = base + t * ch
            pltpu.sync_copy(idx_hbm.at[pl.ds(off, ch)], idx_v)
            pltpu.async_copy(table_hbm.at[idx_v], rows_v, sem).wait()
            pltpu.sync_copy(rows_v, out_hbm.at[pl.ds(off, ch)])

    return k(values, idx_flat)


def kernel(query, keys, values, W, b, top_k):
    del top_k
    q = query @ W.T + b
    qn = q / jnp.maximum(jnp.linalg.norm(q, axis=-1, keepdims=True), 1e-12)
    kn = keys / jnp.maximum(jnp.linalg.norm(keys, axis=-1, keepdims=True), 1e-12)
    scores, indices = _topk_call(qn.astype(jnp.bfloat16), kn.astype(jnp.bfloat16))
    retrieved = _gather_values(values, indices.reshape(-1))
    return retrieved.reshape(_B, _TOPK, _V), scores

# --- scband reference (transcript-rebuilt; emitter-appended) ---
"""Pipeline reference for scband-semantic-memory-9294309228837 (READ-ONLY COPY).

The authoritative reference and input builder live on the scoring server;
editing this copy changes nothing except your own understanding.
"""

import jax, jax.numpy as jnp
import numpy as np

B, TOPK, D, V, C = 4096, 16, 64, 64, 100000

def setup_inputs(seed: int = 0) -> dict:
    key = jax.random.key(seed)
    ks = jax.random.split(key, 5)
    return {
        "query": jax.random.normal(ks[0], (B, D), dtype=jnp.float32),
        "keys": jax.random.normal(ks[1], (C, D), dtype=jnp.float32),
        "values": jax.random.normal(ks[2], (C, V), dtype=jnp.float32),
        "W": jax.random.normal(ks[3], (D, D), dtype=jnp.float32) * (1.0 / np.sqrt(D)),
        "b": jax.random.normal(ks[4], (D,), dtype=jnp.float32) * 0.01,
        "top_k": TOPK,
    }

def _normalize(x, eps=1e-12):
    n = jnp.linalg.norm(x, axis=-1, keepdims=True)
    return x / jnp.maximum(n, eps)

def reference(query, keys, values, W, b, top_k):
    # q = self.query_transform(query)  (nn.Linear)
    q = query @ W.T + b
    # cosine similarity between transformed queries and all stored keys
    q_norm = _normalize(q)
    k_norm = _normalize(keys)
    sim = q_norm @ k_norm.T  # (B, C)
    scores, indices = jax.lax.top_k(sim, TOPK)  # (B, top_k)
    scores = scores + 0.0 * jnp.asarray(top_k, dtype=scores.dtype)
    retrieved_values = jnp.take(values, indices, axis=0)  # (B, top_k, V)
    return retrieved_values, scores

if __name__ == "__main__":
    import jax
    _d = setup_inputs()
    print(jax.jit(kernel)(*tuple(_d.values())))

</pallas_src>

<mosaic_0001>
#map = affine_map<(d0, d1) -> (0, 0)>
#map1 = affine_map<(d0, d1) -> (0)>
module attributes {stable_mosaic.version = 14 : i64} {
  func.func @k(%arg0: i32, %arg1: i32, %arg2: memref<100000x64xf32, #tpu.memory_space<hbm>>, %arg3: memref<65536xi32, #tpu.memory_space<hbm>>, %arg4: memref<65536x64xf32, #tpu.memory_space<hbm>>, %arg5: memref<128xi32, #tpu.memory_space<vmem>>, %arg6: memref<128x64xf32, #tpu.memory_space<vmem>>, %arg7: memref<!tpu.dma_semaphore, #tpu.memory_space<semaphore_mem>>) attributes {dimension_semantics = [#tpu.dimension_semantics<core_parallel>, #tpu.dimension_semantics<subcore_parallel>], iteration_bounds = array<i64: 2, 16>, scalar_prefetch = 0 : i64, scratch_operands = 3 : i64, tpu.core_type = #tpu.core_type<sc_vector_subcore>, window_params = [{transform_indices = #map}, {transform_indices = #map1}, {transform_indices = #map}]} {
    %mul3A = arith.constant 2 : i32
    %mul3A_0 = arith.muli %arg1, %mul3A : i32
    %add3A = arith.addi %mul3A_0, %arg0 : i32
    %mul3A_1 = arith.constant 2048 : i32
    %mul3A_2 = arith.muli %add3A, %mul3A_1 : i32
    %add3A_3 = arith.constant 0 : i32
    %add3A_4 = arith.addi %mul3A_2, %add3A_3 : i32
    "tpu.region"() ({
      %run_scoped3A = tpu.sem_alloc : memref<!tpu.dma_semaphore, #tpu.memory_space<semaphore_mem>>
      %dma_start3A_129 = tpu.memref_slice %arg3[%add3A_4] : memref<65536xi32, #tpu.memory_space<hbm>> -> memref<128xi32, #tpu.memory_space<hbm>>
      %dma_start3A_130 = tpu.memref_slice %arg3[%add3A_4] : memref<65536xi32, #tpu.memory_space<hbm>> -> memref<128xi32, #tpu.memory_space<hbm>>
      tpu.enqueue_dma source(%dma_start3A_130 : memref<128xi32, #tpu.memory_space<hbm>>) target(%arg5 : memref<128xi32, #tpu.memory_space<vmem>>) target_semaphore(%run_scoped3A : memref<!tpu.dma_semaphore, #tpu.memory_space<semaphore_mem>>)
      %dma_wait3A_131 = tpu.memref_slice %arg3[%add3A_4] : memref<65536xi32, #tpu.memory_space<hbm>> -> memref<128xi32, #tpu.memory_space<hbm>>
      %dma_wait3A_132 = tpu.memref_slice %arg3[%add3A_4] : memref<65536xi32, #tpu.memory_space<hbm>> -> memref<128xi32, #tpu.memory_space<hbm>>
      tpu.wait_dma2 semaphore(%run_scoped3A : memref<!tpu.dma_semaphore, #tpu.memory_space<semaphore_mem>>) src(%dma_wait3A_132 : memref<128xi32, #tpu.memory_space<hbm>>) dst(%arg5 : memref<128xi32, #tpu.memory_space<vmem>>)
      tpu.yield
    }) : () -> ()
    %dma_start3A = arith.constant 0 : i32
    %dma_start3A_5 = arith.constant 0 : i32
    %dma_start3A_6 = tpu.memref_slice %arg2[%dma_start3A, %dma_start3A_5] : memref<100000x64xf32, #tpu.memory_space<hbm>> -> memref<100000x64xf32, #tpu.memory_space<hbm>>
    tpu.enqueue_indirect_dma source(%dma_start3A_6 : memref<100000x64xf32, #tpu.memory_space<hbm>>) target(%arg6 : memref<128x64xf32, #tpu.memory_space<vmem>>) offsets(%arg5 : memref<128xi32, #tpu.memory_space<vmem>>) semaphore(%arg7 : memref<!tpu.dma_semaphore, #tpu.memory_space<semaphore_mem>>)
    %dma_wait3A = arith.constant 0 : i32
    %dma_wait3A_7 = arith.constant 0 : i32
    %dma_wait3A_8 = tpu.memref_slice %arg2[%dma_wait3A, %dma_wait3A_7] : memref<100000x64xf32, #tpu.memory_space<hbm>> -> memref<100000x64xf32, #tpu.memory_space<hbm>>
    tpu.wait_indirect_dma semaphore(%arg7 : memref<!tpu.dma_semaphore, #tpu.memory_space<semaphore_mem>>) src(%dma_wait3A_8 : memref<100000x64xf32, #tpu.memory_space<hbm>>) dst(%arg6 : memref<128x64xf32, #tpu.memory_space<vmem>>)
    "tpu.region"() ({
      %run_scoped3A = tpu.sem_alloc : memref<!tpu.dma_semaphore, #tpu.memory_space<semaphore_mem>>
      %dma_start3A_129 = arith.constant 0 : i32
      %dma_start3A_130 = tpu.memref_slice %arg4[%add3A_4, %dma_start3A_129] : memref<65536x64xf32, #tpu.memory_space<hbm>> -> memref<128x64xf32, #tpu.memory_space<hbm>>
      %dma_start3A_131 = arith.constant 0 : i32
      %dma_start3A_132 = tpu.memref_slice %arg4[%add3A_4, %dma_start3A_131] : memref<65536x64xf32, #tpu.memory_space<hbm>> -> memref<128x64xf32, #tpu.memory_space<hbm>>
      tpu.enqueue_dma source(%arg6 : memref<128x64xf32, #tpu.memory_space<vmem>>) target(%dma_start3A_132 : memref<128x64xf32, #tpu.memory_space<hbm>>) target_semaphore(%run_scoped3A : memref<!tpu.dma_semaphore, #tpu.memory_space<semaphore_mem>>)
      %dma_wait3A_133 = arith.constant 0 : i32
      %dma_wait3A_134 = tpu.memref_slice %arg4[%add3A_4, %dma_wait3A_133] : memref<65536x64xf32, #tpu.memory_space<hbm>> -> memref<128x64xf32, #tpu.memory_space<hbm>>
      %dma_wait3A_135 = arith.constant 0 : i32
      %dma_wait3A_136 = tpu.memref_slice %arg4[%add3A_4, %dma_wait3A_135] : memref<65536x64xf32, #tpu.memory_space<hbm>> -> memref<128x64xf32, #tpu.memory_space<hbm>>
      tpu.wait_dma2 semaphore(%run_scoped3A : memref<!tpu.dma_semaphore, #tpu.memory_space<semaphore_mem>>) src(%arg6 : memref<128x64xf32, #tpu.memory_space<vmem>>) dst(%dma_wait3A_136 : memref<128x64xf32, #tpu.memory_space<hbm>>)
      tpu.yield
    }) : () -> ()
    %add3A_9 = arith.constant 128 : i32
    %add3A_10 = arith.addi %mul3A_2, %add3A_9 : i32
    "tpu.region"() ({
      %run_scoped3A = tpu.sem_alloc : memref<!tpu.dma_semaphore, #tpu.memory_space<semaphore_mem>>
      %dma_start3A_129 = tpu.memref_slice %arg3[%add3A_10] : memref<65536xi32, #tpu.memory_space<hbm>> -> memref<128xi32, #tpu.memory_space<hbm>>
      %dma_start3A_130 = tpu.memref_slice %arg3[%add3A_10] : memref<65536xi32, #tpu.memory_space<hbm>> -> memref<128xi32, #tpu.memory_space<hbm>>
      tpu.enqueue_dma source(%dma_start3A_130 : memref<128xi32, #tpu.memory_space<hbm>>) target(%arg5 : memref<128xi32, #tpu.memory_space<vmem>>) target_semaphore(%run_scoped3A : memref<!tpu.dma_semaphore, #tpu.memory_space<semaphore_mem>>)
      %dma_wait3A_131 = tpu.memref_slice %arg3[%add3A_10] : memref<65536xi32, #tpu.memory_space<hbm>> -> memref<128xi32, #tpu.memory_space<hbm>>
      %dma_wait3A_132 = tpu.memref_slice %arg3[%add3A_10] : memref<65536xi32, #tpu.memory_space<hbm>> -> memref<128xi32, #tpu.memory_space<hbm>>
      tpu.wait_dma2 semaphore(%run_scoped3A : memref<!tpu.dma_semaphore, #tpu.memory_space<semaphore_mem>>) src(%dma_wait3A_132 : memref<128xi32, #tpu.memory_space<hbm>>) dst(%arg5 : memref<128xi32, #tpu.memory_space<vmem>>)
      tpu.yield
    }) : () -> ()
    %dma_start3A_11 = arith.constant 0 : i32
    %dma_start3A_12 = arith.constant 0 : i32
    %dma_start3A_13 = tpu.memref_slice %arg2[%dma_start3A_11, %dma_start3A_12] : memref<100000x64xf32, #tpu.memory_space<hbm>> -> memref<100000x64xf32, #tpu.memory_space<hbm>>
    tpu.enqueue_indirect_dma source(%dma_start3A_13 : memref<100000x64xf32, #tpu.memory_space<hbm>>) target(%arg6 : memref<128x64xf32, #tpu.memory_space<vmem>>) offsets(%arg5 : memref<128xi32, #tpu.memory_space<vmem>>) semaphore(%arg7 : memref<!tpu.dma_semaphore, #tpu.memory_space<semaphore_mem>>)
    %dma_wait3A_14 = arith.constant 0 : i32
    %dma_wait3A_15 = arith.constant 0 : i32
    %dma_wait3A_16 = tpu.memref_slice %arg2[%dma_wait3A_14, %dma_wait3A_15] : memref<100000x64xf32, #tpu.memory_space<hbm>> -> memref<100000x64xf32, #tpu.memory_space<hbm>>
    tpu.wait_indirect_dma semaphore(%arg7 : memref<!tpu.dma_semaphore, #tpu.memory_space<semaphore_mem>>) src(%dma_wait3A_16 : memref<100000x64xf32, #tpu.memory_space<hbm>>) dst(%arg6 : memref<128x64xf32, #tpu.memory_space<vmem>>)
    "tpu.region"() ({
      %run_scoped3A = tpu.sem_alloc : memref<!tpu.dma_semaphore, #tpu.memory_space<semaphore_mem>>
      %dma_start3A_129 = arith.constant 0 : i32
      %dma_start3A_130 = tpu.memref_slice %arg4[%add3A_10, %dma_start3A_129] : memref<65536x64xf32, #tpu.memory_space<hbm>> -> memref<128x64xf32, #tpu.memory_space<hbm>>
      %dma_start3A_131 = arith.constant 0 : i32
      %dma_start3A_132 = tpu.memref_slice %arg4[%add3A_10, %dma_start3A_131] : memref<65536x64xf32, #tpu.memory_space<hbm>> -> memref<128x64xf32, #tpu.memory_space<hbm>>
      tpu.enqueue_dma source(%arg6 : memref<128x64xf32, #tpu.memory_space<vmem>>) target(%dma_start3A_132 : memref<128x64xf32, #tpu.memory_space<hbm>>) target_semaphore(%run_scoped3A : memref<!tpu.dma_semaphore, #tpu.memory_space<semaphore_mem>>)
      %dma_wait3A_133 = arith.constant 0 : i32
      %dma_wait3A_134 = tpu.memref_slice %arg4[%add3A_10, %dma_wait3A_133] : memref<65536x64xf32, #tpu.memory_space<hbm>> -> memref<128x64xf32, #tpu.memory_space<hbm>>
      %dma_wait3A_135 = arith.constant 0 : i32
      %dma_wait3A_136 = tpu.memref_slice %arg4[%add3A_10, %dma_wait3A_135] : memref<65536x64xf32, #tpu.memory_space<hbm>> -> memref<128x64xf32, #tpu.memory_space<hbm>>
      tpu.wait_dma2 semaphore(%run_scoped3A : memref<!tpu.dma_semaphore, #tpu.memory_space<semaphore_mem>>) src(%arg6 : memref<128x64xf32, #tpu.memory_space<vmem>>) dst(%dma_wait3A_136 : memref<128x64xf32, #tpu.memory_space<hbm>>)
      tpu.yield
    }) : () -> ()
    %add3A_17 = arith.constant 256 : i32
    %add3A_18 = arith.addi %mul3A_2, %add3A_17 : i32
    "tpu.region"() ({
      %run_scoped3A = tpu.sem_alloc : memref<!tpu.dma_semaphore, #tpu.memory_space<semaphore_mem>>
      %dma_start3A_129 = tpu.memref_slice %arg3[%add3A_18] : memref<65536xi32, #tpu.memory_space<hbm>> -> memref<128xi32, #tpu.memory_space<hbm>>
      %dma_start3A_130 = tpu.memref_slice %arg3[%add3A_18] : memref<65536xi32, #tpu.memory_space<hbm>> -> memref<128xi32, #tpu.memory_space<hbm>>
      tpu.enqueue_dma source(%dma_start3A_130 : memref<128xi32, #tpu.memory_space<hbm>>) target(%arg5 : memref<128xi32, #tpu.memory_space<vmem>>) target_semaphore(%run_scoped3A : memref<!tpu.dma_semaphore, #tpu.memory_space<semaphore_mem>>)
      %dma_wait3A_131 = tpu.memref_slice %arg3[%add3A_18] : memref<65536xi32, #tpu.memory_space<hbm>> -> memref<128xi32, #tpu.memory_space<hbm>>
      %dma_wait3A_132 = tpu.memref_slice %arg3[%add3A_18] : memref<65536xi32, #tpu.memory_space<hbm>> -> memref<128xi32, #tpu.memory_space<hbm>>
      tpu.wait_dma2 semaphore(%run_scoped3A : memref<!tpu.dma_semaphore, #tpu.memory_space<semaphore_mem>>) src(%dma_wait3A_132 : memref<128xi32, #tpu.memory_space<hbm>>) dst(%arg5 : memref<128xi32, #tpu.memory_space<vmem>>)
      tpu.yield
    }) : () -> ()
    %dma_start3A_19 = arith.constant 0 : i32
    %dma_start3A_20 = arith.constant 0 : i32
    %dma_start3A_21 = tpu.memref_slice %arg2[%dma_start3A_19, %dma_start3A_20] : memref<100000x64xf32, #tpu.memory_space<hbm>> -> memref<100000x64xf32, #tpu.memory_space<hbm>>
    tpu.enqueue_indirect_dma source(%dma_start3A_21 : memref<100000x64xf32, #tpu.memory_space<hbm>>) target(%arg6 : memref<128x64xf32, #tpu.memory_space<vmem>>) offsets(%arg5 : memref<128xi32, #tpu.memory_space<vmem>>) semaphore(%arg7 : memref<!tpu.dma_semaphore, #tpu.memory_space<semaphore_mem>>)
    %dma_wait3A_22 = arith.constant 0 : i32
    %dma_wait3A_23 = arith.constant 0 : i32
    %dma_wait3A_24 = tpu.memref_slice %arg2[%dma_wait3A_22, %dma_wait3A_23] : memref<100000x64xf32, #tpu.memory_space<hbm>> -> memref<100000x64xf32, #tpu.memory_space<hbm>>
    tpu.wait_indirect_dma semaphore(%arg7 : memref<!tpu.dma_semaphore, #tpu.memory_space<semaphore_mem>>) src(%dma_wait3A_24 : memref<100000x64xf32, #tpu.memory_space<hbm>>) dst(%arg6 : memref<128x64xf32, #tpu.memory_space<vmem>>)
    "tpu.region"() ({
      %run_scoped3A = tpu.sem_alloc : memref<!tpu.dma_semaphore, #tpu.memory_space<semaphore_mem>>
      %dma_start3A_129 = arith.constant 0 : i32
      %dma_start3A_130 = tpu.memref_slice %arg4[%add3A_18, %dma_start3A_129] : memref<65536x64xf32, #tpu.memory_space<hbm>> -> memref<128x64xf32, #tpu.memory_space<hbm>>
      %dma_start3A_131 = arith.constant 0 : i32
      %dma_start3A_132 = tpu.memref_slice %arg4[%add3A_18, %dma_start3A_131] : memref<65536x64xf32, #tpu.memory_space<hbm>> -> memref<128x64xf32, #tpu.memory_space<hbm>>
      tpu.enqueue_dma source(%arg6 : memref<128x64xf32, #tpu.memory_space<vmem>>) target(%dma_start3A_132 : memref<128x64xf32, #tpu.memory_space<hbm>>) target_semaphore(%run_scoped3A : memref<!tpu.dma_semaphore, #tpu.memory_space<semaphore_mem>>)
      %dma_wait3A_133 = arith.constant 0 : i32
      %dma_wait3A_134 = tpu.memref_slice %arg4[%add3A_18, %dma_wait3A_133] : memref<65536x64xf32, #tpu.memory_space<hbm>> -> memref<128x64xf32, #tpu.memory_space<hbm>>
      %dma_wait3A_135 = arith.constant 0 : i32
      %dma_wait3A_136 = tpu.memref_slice %arg4[%add3A_18, %dma_wait3A_135] : memref<65536x64xf32, #tpu.memory_space<hbm>> -> memref<128x64xf32, #tpu.memory_space<hbm>>
      tpu.wait_dma2 semaphore(%run_scoped3A : memref<!tpu.dma_semaphore, #tpu.memory_space<semaphore_mem>>) src(%arg6 : memref<128x64xf32, #tpu.memory_space<vmem>>) dst(%dma_wait3A_136 : memref<128x64xf32, #tpu.memory_space<hbm>>)
      tpu.yield
    }) : () -> ()
    %add3A_25 = arith.constant 384 : i32
    %add3A_26 = arith.addi %mul3A_2, %add3A_25 : i32
    "tpu.region"() ({
      %run_scoped3A = tpu.sem_alloc : memref<!tpu.dma_semaphore, #tpu.memory_space<semaphore_mem>>
      %dma_start3A_129 = tpu.memref_slice %arg3[%add3A_26] : memref<65536xi32, #tpu.memory_space<hbm>> -> memref<128xi32, #tpu.memory_space<hbm>>
      %dma_start3A_130 = tpu.memref_slice %arg3[%add3A_26] : memref<65536xi32, #tpu.memory_space<hbm>> -> memref<128xi32, #tpu.memory_space<hbm>>
      tpu.enqueue_dma source(%dma_start3A_130 : memref<128xi32, #tpu.memory_space<hbm>>) target(%arg5 : memref<128xi32, #tpu.memory_space<vmem>>) target_semaphore(%run_scoped3A : memref<!tpu.dma_semaphore, #tpu.memory_space<semaphore_mem>>)
      %dma_wait3A_131 = tpu.memref_slice %arg3[%add3A_26] : memref<65536xi32, #tpu.memory_space<hbm>> -> memref<128xi32, #tpu.memory_space<hbm>>
      %dma_wait3A_132 = tpu.memref_slice %arg3[%add3A_26] : memref<65536xi32, #tpu.memory_space<hbm>> -> memref<128xi32, #tpu.memory_space<hbm>>
      tpu.wait_dma2 semaphore(%run_scoped3A : memref<!tpu.dma_semaphore, #tpu.memory_space<semaphore_mem>>) src(%dma_wait3A_132 : memref<128xi32, #tpu.memory_space<hbm>>) dst(%arg5 : memref<128xi32, #tpu.memory_space<vmem>>)
      tpu.yield
    }) : () -> ()
    %dma_start3A_27 = arith.constant 0 : i32
    %dma_start3A_28 = arith.constant 0 : i32
    %dma_start3A_29 = tpu.memref_slice %arg2[%dma_start3A_27, %dma_start3A_28] : memref<100000x64xf32, #tpu.memory_space<hbm>> -> memref<100000x64xf32, #tpu.memory_space<hbm>>
    tpu.enqueue_indirect_dma source(%dma_start3A_29 : memref<100000x64xf32, #tpu.memory_space<hbm>>) target(%arg6 : memref<128x64xf32, #tpu.memory_space<vmem>>) offsets(%arg5 : memref<128xi32, #tpu.memory_space<vmem>>) semaphore(%arg7 : memref<!tpu.dma_semaphore, #tpu.memory_space<semaphore_mem>>)
    %dma_wait3A_30 = arith.constant 0 : i32
    %dma_wait3A_31 = arith.constant 0 : i32
    %dma_wait3A_32 = tpu.memref_slice %arg2[%dma_wait3A_30, %dma_wait3A_31] : memref<100000x64xf32, #tpu.memory_space<hbm>> -> memref<100000x64xf32, #tpu.memory_space<hbm>>
    tpu.wait_indirect_dma semaphore(%arg7 : memref<!tpu.dma_semaphore, #tpu.memory_space<semaphore_mem>>) src(%dma_wait3A_32 : memref<100000x64xf32, #tpu.memory_space<hbm>>) dst(%arg6 : memref<128x64xf32, #tpu.memory_space<vmem>>)
    "tpu.region"() ({
      %run_scoped3A = tpu.sem_alloc : memref<!tpu.dma_semaphore, #tpu.memory_space<semaphore_mem>>
      %dma_start3A_129 = arith.constant 0 : i32
      %dma_start3A_130 = tpu.memref_slice %arg4[%add3A_26, %dma_start3A_129] : memref<65536x64xf32, #tpu.memory_space<hbm>> -> memref<128x64xf32, #tpu.memory_space<hbm>>
      %dma_start3A_131 = arith.constant 0 : i32
      %dma_start3A_132 = tpu.memref_slice %arg4[%add3A_26, %dma_start3A_131] : memref<65536x64xf32, #tpu.memory_space<hbm>> -> memref<128x64xf32, #tpu.memory_space<hbm>>
      tpu.enqueue_dma source(%arg6 : memref<128x64xf32, #tpu.memory_space<vmem>>) target(%dma_start3A_132 : memref<128x64xf32, #tpu.memory_space<hbm>>) target_semaphore(%run_scoped3A : memref<!tpu.dma_semaphore, #tpu.memory_space<semaphore_mem>>)
      %dma_wait3A_133 = arith.constant 0 : i32
      %dma_wait3A_134 = tpu.memref_slice %arg4[%add3A_26, %dma_wait3A_133] : memref<65536x64xf32, #tpu.memory_space<hbm>> -> memref<128x64xf32, #tpu.memory_space<hbm>>
      %dma_wait3A_135 = arith.constant 0 : i32
      %dma_wait3A_136 = tpu.memref_slice %arg4[%add3A_26, %dma_wait3A_135] : memref<65536x64xf32, #tpu.memory_space<hbm>> -> memref<128x64xf32, #tpu.memory_space<hbm>>
      tpu.wait_dma2 semaphore(%run_scoped3A : memref<!tpu.dma_semaphore, #tpu.memory_space<semaphore_mem>>) src(%arg6 : memref<128x64xf32, #tpu.memory_space<vmem>>) dst(%dma_wait3A_136 : memref<128x64xf32, #tpu.memory_space<hbm>>)
      tpu.yield
    }) : () -> ()
    %add3A_33 = arith.constant 512 : i32
    %add3A_34 = arith.addi %mul3A_2, %add3A_33 : i32
    "tpu.region"() ({
      %run_scoped3A = tpu.sem_alloc : memref<!tpu.dma_semaphore, #tpu.memory_space<semaphore_mem>>
      %dma_start3A_129 = tpu.memref_slice %arg3[%add3A_34] : memref<65536xi32, #tpu.memory_space<hbm>> -> memref<128xi32, #tpu.memory_space<hbm>>
      %dma_start3A_130 = tpu.memref_slice %arg3[%add3A_34] : memref<65536xi32, #tpu.memory_space<hbm>> -> memref<128xi32, #tpu.memory_space<hbm>>
      tpu.enqueue_dma source(%dma_start3A_130 : memref<128xi32, #tpu.memory_space<hbm>>) target(%arg5 : memref<128xi32, #tpu.memory_space<vmem>>) target_semaphore(%run_scoped3A : memref<!tpu.dma_semaphore, #tpu.memory_space<semaphore_mem>>)
      %dma_wait3A_131 = tpu.memref_slice %arg3[%add3A_34] : memref<65536xi32, #tpu.memory_space<hbm>> -> memref<128xi32, #tpu.memory_space<hbm>>
      %dma_wait3A_132 = tpu.memref_slice %arg3[%add3A_34] : memref<65536xi32, #tpu.memory_space<hbm>> -> memref<128xi32, #tpu.memory_space<hbm>>
      tpu.wait_dma2 semaphore(%run_scoped3A : memref<!tpu.dma_semaphore, #tpu.memory_space<semaphore_mem>>) src(%dma_wait3A_132 : memref<128xi32, #tpu.memory_space<hbm>>) dst(%arg5 : memref<128xi32, #tpu.memory_space<vmem>>)
      tpu.yield
    }) : () -> ()
    %dma_start3A_35 = arith.constant 0 : i32
    %dma_start3A_36 = arith.constant 0 : i32
    %dma_start3A_37 = tpu.memref_slice %arg2[%dma_start3A_35, %dma_start3A_36] : memref<100000x64xf32, #tpu.memory_space<hbm>> -> memref<100000x64xf32, #tpu.memory_space<hbm>>
    tpu.enqueue_indirect_dma source(%dma_start3A_37 : memref<100000x64xf32, #tpu.memory_space<hbm>>) target(%arg6 : memref<128x64xf32, #tpu.memory_space<vmem>>) offsets(%arg5 : memref<128xi32, #tpu.memory_space<vmem>>) semaphore(%arg7 : memref<!tpu.dma_semaphore, #tpu.memory_space<semaphore_mem>>)
    %dma_wait3A_38 = arith.constant 0 : i32
    %dma_wait3A_39 = arith.constant 0 : i32
    %dma_wait3A_40 = tpu.memref_slice %arg2[%dma_wait3A_38, %dma_wait3A_39] : memref<100000x64xf32, #tpu.memory_space<hbm>> -> memref<100000x64xf32, #tpu.memory_space<hbm>>
    tpu.wait_indirect_dma semaphore(%arg7 : memref<!tpu.dma_semaphore, #tpu.memory_space<semaphore_mem>>) src(%dma_wait3A_40 : memref<100000x64xf32, #tpu.memory_space<hbm>>) dst(%arg6 : memref<128x64xf32, #tpu.memory_space<vmem>>)
    "tpu.region"() ({
      %run_scoped3A = tpu.sem_alloc : memref<!tpu.dma_semaphore, #tpu.memory_space<semaphore_mem>>
      %dma_start3A_129 = arith.constant 0 : i32
      %dma_start3A_130 = tpu.memref_slice %arg4[%add3A_34, %dma_start3A_129] : memref<65536x64xf32, #tpu.memory_space<hbm>> -> memref<128x64xf32, #tpu.memory_space<hbm>>
      %dma_start3A_131 = arith.constant 0 : i32
      %dma_start3A_132 = tpu.memref_slice %arg4[%add3A_34, %dma_start3A_131] : memref<65536x64xf32, #tpu.memory_space<hbm>> -> memref<128x64xf32, #tpu.memory_space<hbm>>
      tpu.enqueue_dma source(%arg6 : memref<128x64xf32, #tpu.memory_space<vmem>>) target(%dma_start3A_132 : memref<128x64xf32, #tpu.memory_space<hbm>>) target_semaphore(%run_scoped3A : memref<!tpu.dma_semaphore, #tpu.memory_space<semaphore_mem>>)
      %dma_wait3A_133 = arith.constant 0 : i32
      %dma_wait3A_134 = tpu.memref_slice %arg4[%add3A_34, %dma_wait3A_133] : memref<65536x64xf32, #tpu.memory_space<hbm>> -> memref<128x64xf32, #tpu.memory_space<hbm>>
      %dma_wait3A_135 = arith.constant 0 : i32
      %dma_wait3A_136 = tpu.memref_slice %arg4[%add3A_34, %dma_wait3A_135] : memref<65536x64xf32, #tpu.memory_space<hbm>> -> memref<128x64xf32, #tpu.memory_space<hbm>>
      tpu.wait_dma2 semaphore(%run_scoped3A : memref<!tpu.dma_semaphore, #tpu.memory_space<semaphore_mem>>) src(%arg6 : memref<128x64xf32, #tpu.memory_space<vmem>>) dst(%dma_wait3A_136 : memref<128x64xf32, #tpu.memory_space<hbm>>)
      tpu.yield
    }) : () -> ()
    %add3A_41 = arith.constant 640 : i32
    %add3A_42 = arith.addi %mul3A_2, %add3A_41 : i32
    "tpu.region"() ({
      %run_scoped3A = tpu.sem_alloc : memref<!tpu.dma_semaphore, #tpu.memory_space<semaphore_mem>>
      %dma_start3A_129 = tpu.memref_slice %arg3[%add3A_42] : memref<65536xi32, #tpu.memory_space<hbm>> -> memref<128xi32, #tpu.memory_space<hbm>>
      %dma_start3A_130 = tpu.memref_slice %arg3[%add3A_42] : memref<65536xi32, #tpu.memory_space<hbm>> -> memref<128xi32, #tpu.memory_space<hbm>>
      tpu.enqueue_dma source(%dma_start3A_130 : memref<128xi32, #tpu.memory_space<hbm>>) target(%arg5 : memref<128xi32, #tpu.memory_space<vmem>>) target_semaphore(%run_scoped3A : memref<!tpu.dma_semaphore, #tpu.memory_space<semaphore_mem>>)
      %dma_wait3A_131 = tpu.memref_slice %arg3[%add3A_42] : memref<65536xi32, #tpu.memory_space<hbm>> -> memref<128xi32, #tpu.memory_space<hbm>>
      %dma_wait3A_132 = tpu.memref_slice %arg3[%add3A_42] : memref<65536xi32, #tpu.memory_space<hbm>> -> memref<128xi32, #tpu.memory_space<hbm>>
      tpu.wait_dma2 semaphore(%run_scoped3A : memref<!tpu.dma_semaphore, #tpu.memory_space<semaphore_mem>>) src(%dma_wait3A_132 : memref<128xi32, #tpu.memory_space<hbm>>) dst(%arg5 : memref<128xi32, #tpu.memory_space<vmem>>)
      tpu.yield
    }) : () -> ()
    %dma_start3A_43 = arith.constant 0 : i32
    %dma_start3A_44 = arith.constant 0 : i32
    %dma_start3A_45 = tpu.memref_slice %arg2[%dma_start3A_43, %dma_start3A_44] : memref<100000x64xf32, #tpu.memory_space<hbm>> -> memref<100000x64xf32, #tpu.memory_space<hbm>>
    tpu.enqueue_indirect_dma source(%dma_start3A_45 : memref<100000x64xf32, #tpu.memory_space<hbm>>) target(%arg6 : memref<128x64xf32, #tpu.memory_space<vmem>>) offsets(%arg5 : memref<128xi32, #tpu.memory_space<vmem>>) semaphore(%arg7 : memref<!tpu.dma_semaphore, #tpu.memory_space<semaphore_mem>>)
    %dma_wait3A_46 = arith.constant 0 : i32
    %dma_wait3A_47 = arith.constant 0 : i32
    %dma_wait3A_48 = tpu.memref_slice %arg2[%dma_wait3A_46, %dma_wait3A_47] : memref<100000x64xf32, #tpu.memory_space<hbm>> -> memref<100000x64xf32, #tpu.memory_space<hbm>>
    tpu.wait_indirect_dma semaphore(%arg7 : memref<!tpu.dma_semaphore, #tpu.memory_space<semaphore_mem>>) src(%dma_wait3A_48 : memref<100000x64xf32, #tpu.memory_space<hbm>>) dst(%arg6 : memref<128x64xf32, #tpu.memory_space<vmem>>)
    "tpu.region"() ({
      %run_scoped3A = tpu.sem_alloc : memref<!tpu.dma_semaphore, #tpu.memory_space<semaphore_mem>>
      %dma_start3A_129 = arith.constant 0 : i32
      %dma_start3A_130 = tpu.memref_slice %arg4[%add3A_42, %dma_start3A_129] : memref<65536x64xf32, #tpu.memory_space<hbm>> -> memref<128x64xf32, #tpu.memory_space<hbm>>
      %dma_start3A_131 = arith.constant 0 : i32
      %dma_start3A_132 = tpu.memref_slice %arg4[%add3A_42, %dma_start3A_131] : memref<65536x64xf32, #tpu.memory_space<hbm>> -> memref<128x64xf32, #tpu.memory_space<hbm>>
      tpu.enqueue_dma source(%arg6 : memref<128x64xf32, #tpu.memory_space<vmem>>) target(%dma_start3A_132 : memref<128x64xf32, #tpu.memory_space<hbm>>) target_semaphore(%run_scoped3A : memref<!tpu.dma_semaphore, #tpu.memory_space<semaphore_mem>>)
      %dma_wait3A_133 = arith.constant 0 : i32
      %dma_wait3A_134 = tpu.memref_slice %arg4[%add3A_42, %dma_wait3A_133] : memref<65536x64xf32, #tpu.memory_space<hbm>> -> memref<128x64xf32, #tpu.memory_space<hbm>>
      %dma_wait3A_135 = arith.constant 0 : i32
      %dma_wait3A_136 = tpu.memref_slice %arg4[%add3A_42, %dma_wait3A_135] : memref<65536x64xf32, #tpu.memory_space<hbm>> -> memref<128x64xf32, #tpu.memory_space<hbm>>
      tpu.wait_dma2 semaphore(%run_scoped3A : memref<!tpu.dma_semaphore, #tpu.memory_space<semaphore_mem>>) src(%arg6 : memref<128x64xf32, #tpu.memory_space<vmem>>) dst(%dma_wait3A_136 : memref<128x64xf32, #tpu.memory_space<hbm>>)
      tpu.yield
    }) : () -> ()
    %add3A_49 = arith.constant 768 : i32
    %add3A_50 = arith.addi %mul3A_2, %add3A_49 : i32
    "tpu.region"() ({
      %run_scoped3A = tpu.sem_alloc : memref<!tpu.dma_semaphore, #tpu.memory_space<semaphore_mem>>
      %dma_start3A_129 = tpu.memref_slice %arg3[%add3A_50] : memref<65536xi32, #tpu.memory_space<hbm>> -> memref<128xi32, #tpu.memory_space<hbm>>
      %dma_start3A_130 = tpu.memref_slice %arg3[%add3A_50] : memref<65536xi32, #tpu.memory_space<hbm>> -> memref<128xi32, #tpu.memory_space<hbm>>
      tpu.enqueue_dma source(%dma_start3A_130 : memref<128xi32, #tpu.memory_space<hbm>>) target(%arg5 : memref<128xi32, #tpu.memory_space<vmem>>) target_semaphore(%run_scoped3A : memref<!tpu.dma_semaphore, #tpu.memory_space<semaphore_mem>>)
      %dma_wait3A_131 = tpu.memref_slice %arg3[%add3A_50] : memref<65536xi32, #tpu.memory_space<hbm>> -> memref<128xi32, #tpu.memory_space<hbm>>
      %dma_wait3A_132 = tpu.memref_slice %arg3[%add3A_50] : memref<65536xi32, #tpu.memory_space<hbm>> -> memref<128xi32, #tpu.memory_space<hbm>>
      tpu.wait_dma2 semaphore(%run_scoped3A : memref<!tpu.dma_semaphore, #tpu.memory_space<semaphore_mem>>) src(%dma_wait3A_132 : memref<128xi32, #tpu.memory_space<hbm>>) dst(%arg5 : memref<128xi32, #tpu.memory_space<vmem>>)
      tpu.yield
    }) : () -> ()
    %dma_start3A_51 = arith.constant 0 : i32
    %dma_start3A_52 = arith.constant 0 : i32
    %dma_start3A_53 = tpu.memref_slice %arg2[%dma_start3A_51, %dma_start3A_52] : memref<100000x64xf32, #tpu.memory_space<hbm>> -> memref<100000x64xf32, #tpu.memory_space<hbm>>
    tpu.enqueue_indirect_dma source(%dma_start3A_53 : memref<100000x64xf32, #tpu.memory_space<hbm>>) target(%arg6 : memref<128x64xf32, #tpu.memory_space<vmem>>) offsets(%arg5 : memref<128xi32, #tpu.memory_space<vmem>>) semaphore(%arg7 : memref<!tpu.dma_semaphore, #tpu.memory_space<semaphore_mem>>)
    %dma_wait3A_54 = arith.constant 0 : i32
    %dma_wait3A_55 = arith.constant 0 : i32
    %dma_wait3A_56 = tpu.memref_slice %arg2[%dma_wait3A_54, %dma_wait3A_55] : memref<100000x64xf32, #tpu.memory_space<hbm>> -> memref<100000x64xf32, #tpu.memory_space<hbm>>
    tpu.wait_indirect_dma semaphore(%arg7 : memref<!tpu.dma_semaphore, #tpu.memory_space<semaphore_mem>>) src(%dma_wait3A_56 : memref<100000x64xf32, #tpu.memory_space<hbm>>) dst(%arg6 : memref<128x64xf32, #tpu.memory_space<vmem>>)
    "tpu.region"() ({
      %run_scoped3A = tpu.sem_alloc : memref<!tpu.dma_semaphore, #tpu.memory_space<semaphore_mem>>
      %dma_start3A_129 = arith.constant 0 : i32
      %dma_start3A_130 = tpu.memref_slice %arg4[%add3A_50, %dma_start3A_129] : memref<65536x64xf32, #tpu.memory_space<hbm>> -> memref<128x64xf32, #tpu.memory_space<hbm>>
      %dma_start3A_131 = arith.constant 0 : i32
      %dma_start3A_132 = tpu.memref_slice %arg4[%add3A_50, %dma_start3A_131] : memref<65536x64xf32, #tpu.memory_space<hbm>> -> memref<128x64xf32, #tpu.memory_space<hbm>>
      tpu.enqueue_dma source(%arg6 : memref<128x64xf32, #tpu.memory_space<vmem>>) target(%dma_start3A_132 : memref<128x64xf32, #tpu.memory_space<hbm>>) target_semaphore(%run_scoped3A : memref<!tpu.dma_semaphore, #tpu.memory_space<semaphore_mem>>)
      %dma_wait3A_133 = arith.constant 0 : i32
      %dma_wait3A_134 = tpu.memref_slice %arg4[%add3A_50, %dma_wait3A_133] : memref<65536x64xf32, #tpu.memory_space<hbm>> -> memref<128x64xf32, #tpu.memory_space<hbm>>
      %dma_wait3A_135 = arith.constant 0 : i32
      %dma_wait3A_136 = tpu.memref_slice %arg4[%add3A_50, %dma_wait3A_135] : memref<65536x64xf32, #tpu.memory_space<hbm>> -> memref<128x64xf32, #tpu.memory_space<hbm>>
      tpu.wait_dma2 semaphore(%run_scoped3A : memref<!tpu.dma_semaphore, #tpu.memory_space<semaphore_mem>>) src(%arg6 : memref<128x64xf32, #tpu.memory_space<vmem>>) dst(%dma_wait3A_136 : memref<128x64xf32, #tpu.memory_space<hbm>>)
      tpu.yield
    }) : () -> ()
    %add3A_57 = arith.constant 896 : i32
    %add3A_58 = arith.addi %mul3A_2, %add3A_57 : i32
    "tpu.region"() ({
      %run_scoped3A = tpu.sem_alloc : memref<!tpu.dma_semaphore, #tpu.memory_space<semaphore_mem>>
      %dma_start3A_129 = tpu.memref_slice %arg3[%add3A_58] : memref<65536xi32, #tpu.memory_space<hbm>> -> memref<128xi32, #tpu.memory_space<hbm>>
      %dma_start3A_130 = tpu.memref_slice %arg3[%add3A_58] : memref<65536xi32, #tpu.memory_space<hbm>> -> memref<128xi32, #tpu.memory_space<hbm>>
      tpu.enqueue_dma source(%dma_start3A_130 : memref<128xi32, #tpu.memory_space<hbm>>) target(%arg5 : memref<128xi32, #tpu.memory_space<vmem>>) target_semaphore(%run_scoped3A : memref<!tpu.dma_semaphore, #tpu.memory_space<semaphore_mem>>)
      %dma_wait3A_131 = tpu.memref_slice %arg3[%add3A_58] : memref<65536xi32, #tpu.memory_space<hbm>> -> memref<128xi32, #tpu.memory_space<hbm>>
      %dma_wait3A_132 = tpu.memref_slice %arg3[%add3A_58] : memref<65536xi32, #tpu.memory_space<hbm>> -> memref<128xi32, #tpu.memory_space<hbm>>
      tpu.wait_dma2 semaphore(%run_scoped3A : memref<!tpu.dma_semaphore, #tpu.memory_space<semaphore_mem>>) src(%dma_wait3A_132 : memref<128xi32, #tpu.memory_space<hbm>>) dst(%arg5 : memref<128xi32, #tpu.memory_space<vmem>>)
      tpu.yield
    }) : () -> ()
    %dma_start3A_59 = arith.constant 0 : i32
    %dma_start3A_60 = arith.constant 0 : i32
    %dma_start3A_61 = tpu.memref_slice %arg2[%dma_start3A_59, %dma_start3A_60] : memref<100000x64xf32, #tpu.memory_space<hbm>> -> memref<100000x64xf32, #tpu.memory_space<hbm>>
    tpu.enqueue_indirect_dma source(%dma_start3A_61 : memref<100000x64xf32, #tpu.memory_space<hbm>>) target(%arg6 : memref<128x64xf32, #tpu.memory_space<vmem>>) offsets(%arg5 : memref<128xi32, #tpu.memory_space<vmem>>) semaphore(%arg7 : memref<!tpu.dma_semaphore, #tpu.memory_space<semaphore_mem>>)
    %dma_wait3A_62 = arith.constant 0 : i32
    %dma_wait3A_63 = arith.constant 0 : i32
    %dma_wait3A_64 = tpu.memref_slice %arg2[%dma_wait3A_62, %dma_wait3A_63] : memref<100000x64xf32, #tpu.memory_space<hbm>> -> memref<100000x64xf32, #tpu.memory_space<hbm>>
    tpu.wait_indirect_dma semaphore(%arg7 : memref<!tpu.dma_semaphore, #tpu.memory_space<semaphore_mem>>) src(%dma_wait3A_64 : memref<100000x64xf32, #tpu.memory_space<hbm>>) dst(%arg6 : memref<128x64xf32, #tpu.memory_space<vmem>>)
    "tpu.region"() ({
      %run_scoped3A = tpu.sem_alloc : memref<!tpu.dma_semaphore, #tpu.memory_space<semaphore_mem>>
      %dma_start3A_129 = arith.constant 0 : i32
      %dma_start3A_130 = tpu.memref_slice %arg4[%add3A_58, %dma_start3A_129] : memref<65536x64xf32, #tpu.memory_space<hbm>> -> memref<128x64xf32, #tpu.memory_space<hbm>>
      %dma_start3A_131 = arith.constant 0 : i32
      %dma_start3A_132 = tpu.memref_slice %arg4[%add3A_58, %dma_start3A_131] : memref<65536x64xf32, #tpu.memory_space<hbm>> -> memref<128x64xf32, #tpu.memory_space<hbm>>
      tpu.enqueue_dma source(%arg6 : memref<128x64xf32, #tpu.memory_space<vmem>>) target(%dma_start3A_132 : memref<128x64xf32, #tpu.memory_space<hbm>>) target_semaphore(%run_scoped3A : memref<!tpu.dma_semaphore, #tpu.memory_space<semaphore_mem>>)
      %dma_wait3A_133 = arith.constant 0 : i32
      %dma_wait3A_134 = tpu.memref_slice %arg4[%add3A_58, %dma_wait3A_133] : memref<65536x64xf32, #tpu.memory_space<hbm>> -> memref<128x64xf32, #tpu.memory_space<hbm>>
      %dma_wait3A_135 = arith.constant 0 : i32
      %dma_wait3A_136 = tpu.memref_slice %arg4[%add3A_58, %dma_wait3A_135] : memref<65536x64xf32, #tpu.memory_space<hbm>> -> memref<128x64xf32, #tpu.memory_space<hbm>>
      tpu.wait_dma2 semaphore(%run_scoped3A : memref<!tpu.dma_semaphore, #tpu.memory_space<semaphore_mem>>) src(%arg6 : memref<128x64xf32, #tpu.memory_space<vmem>>) dst(%dma_wait3A_136 : memref<128x64xf32, #tpu.memory_space<hbm>>)
      tpu.yield
    }) : () -> ()
    %add3A_65 = arith.constant 1024 : i32
    %add3A_66 = arith.addi %mul3A_2, %add3A_65 : i32
    "tpu.region"() ({
      %run_scoped3A = tpu.sem_alloc : memref<!tpu.dma_semaphore, #tpu.memory_space<semaphore_mem>>
      %dma_start3A_129 = tpu.memref_slice %arg3[%add3A_66] : memref<65536xi32, #tpu.memory_space<hbm>> -> memref<128xi32, #tpu.memory_space<hbm>>
      %dma_start3A_130 = tpu.memref_slice %arg3[%add3A_66] : memref<65536xi32, #tpu.memory_space<hbm>> -> memref<128xi32, #tpu.memory_space<hbm>>
      tpu.enqueue_dma source(%dma_start3A_130 : memref<128xi32, #tpu.memory_space<hbm>>) target(%arg5 : memref<128xi32, #tpu.memory_space<vmem>>) target_semaphore(%run_scoped3A : memref<!tpu.dma_semaphore, #tpu.memory_space<semaphore_mem>>)
      %dma_wait3A_131 = tpu.memref_slice %arg3[%add3A_66] : memref<65536xi32, #tpu.memory_space<hbm>> -> memref<128xi32, #tpu.memory_space<hbm>>
      %dma_wait3A_132 = tpu.memref_slice %arg3[%add3A_66] : memref<65536xi32, #tpu.memory_space<hbm>> -> memref<128xi32, #tpu.memory_space<hbm>>
      tpu.wait_dma2 semaphore(%run_scoped3A : memref<!tpu.dma_semaphore, #tpu.memory_space<semaphore_mem>>) src(%dma_wait3A_132 : memref<128xi32, #tpu.memory_space<hbm>>) dst(%arg5 : memref<128xi32, #tpu.memory_space<vmem>>)
      tpu.yield
    }) : () -> ()
    %dma_start3A_67 = arith.constant 0 : i32
    %dma_start3A_68 = arith.constant 0 : i32
    %dma_start3A_69 = tpu.memref_slice %arg2[%dma_start3A_67, %dma_start3A_68] : memref<100000x64xf32, #tpu.memory_space<hbm>> -> memref<100000x64xf32, #tpu.memory_space<hbm>>
    tpu.enqueue_indirect_dma source(%dma_start3A_69 : memref<100000x64xf32, #tpu.memory_space<hbm>>) target(%arg6 : memref<128x64xf32, #tpu.memory_space<vmem>>) offsets(%arg5 : memref<128xi32, #tpu.memory_space<vmem>>) semaphore(%arg7 : memref<!tpu.dma_semaphore, #tpu.memory_space<semaphore_mem>>)
    %dma_wait3A_70 = arith.constant 0 : i32
    %dma_wait3A_71 = arith.constant 0 : i32
    %dma_wait3A_72 = tpu.memref_slice %arg2[%dma_wait3A_70, %dma_wait3A_71] : memref<100000x64xf32, #tpu.memory_space<hbm>> -> memref<100000x64xf32, #tpu.memory_space<hbm>>
    tpu.wait_indirect_dma semaphore(%arg7 : memref<!tpu.dma_semaphore, #tpu.memory_space<semaphore_mem>>) src(%dma_wait3A_72 : memref<100000x64xf32, #tpu.memory_space<hbm>>) dst(%arg6 : memref<128x64xf32, #tpu.memory_space<vmem>>)
    "tpu.region"() ({
      %run_scoped3A = tpu.sem_alloc : memref<!tpu.dma_semaphore, #tpu.memory_space<semaphore_mem>>
      %dma_start3A_129 = arith.constant 0 : i32
      %dma_start3A_130 = tpu.memref_slice %arg4[%add3A_66, %dma_start3A_129] : memref<65536x64xf32, #tpu.memory_space<hbm>> -> memref<128x64xf32, #tpu.memory_space<hbm>>
      %dma_start3A_131 = arith.constant 0 : i32
      %dma_start3A_132 = tpu.memref_slice %arg4[%add3A_66, %dma_start3A_131] : memref<65536x64xf32, #tpu.memory_space<hbm>> -> memref<128x64xf32, #tpu.memory_space<hbm>>
      tpu.enqueue_dma source(%arg6 : memref<128x64xf32, #tpu.memory_space<vmem>>) target(%dma_start3A_132 : memref<128x64xf32, #tpu.memory_space<hbm>>) target_semaphore(%run_scoped3A : memref<!tpu.dma_semaphore, #tpu.memory_space<semaphore_mem>>)
      %dma_wait3A_133 = arith.constant 0 : i32
      %dma_wait3A_134 = tpu.memref_slice %arg4[%add3A_66, %dma_wait3A_133] : memref<65536x64xf32, #tpu.memory_space<hbm>> -> memref<128x64xf32, #tpu.memory_space<hbm>>
      %dma_wait3A_135 = arith.constant 0 : i32
      %dma_wait3A_136 = tpu.memref_slice %arg4[%add3A_66, %dma_wait3A_135] : memref<65536x64xf32, #tpu.memory_space<hbm>> -> memref<128x64xf32, #tpu.memory_space<hbm>>
      tpu.wait_dma2 semaphore(%run_scoped3A : memref<!tpu.dma_semaphore, #tpu.memory_space<semaphore_mem>>) src(%arg6 : memref<128x64xf32, #tpu.memory_space<vmem>>) dst(%dma_wait3A_136 : memref<128x64xf32, #tpu.memory_space<hbm>>)
      tpu.yield
    }) : () -> ()
    %add3A_73 = arith.constant 1152 : i32
    %add3A_74 = arith.addi %mul3A_2, %add3A_73 : i32
    "tpu.region"() ({
      %run_scoped3A = tpu.sem_alloc : memref<!tpu.dma_semaphore, #tpu.memory_space<semaphore_mem>>
      %dma_start3A_129 = tpu.memref_slice %arg3[%add3A_74] : memref<65536xi32, #tpu.memory_space<hbm>> -> memref<128xi32, #tpu.memory_space<hbm>>
      %dma_start3A_130 = tpu.memref_slice %arg3[%add3A_74] : memref<65536xi32, #tpu.memory_space<hbm>> -> memref<128xi32, #tpu.memory_space<hbm>>
      tpu.enqueue_dma source(%dma_start3A_130 : memref<128xi32, #tpu.memory_space<hbm>>) target(%arg5 : memref<128xi32, #tpu.memory_space<vmem>>) target_semaphore(%run_scoped3A : memref<!tpu.dma_semaphore, #tpu.memory_space<semaphore_mem>>)
      %dma_wait3A_131 = tpu.memref_slice %arg3[%add3A_74] : memref<65536xi32, #tpu.memory_space<hbm>> -> memref<128xi32, #tpu.memory_space<hbm>>
      %dma_wait3A_132 = tpu.memref_slice %arg3[%add3A_74] : memref<65536xi32, #tpu.memory_space<hbm>> -> memref<128xi32, #tpu.memory_space<hbm>>
      tpu.wait_dma2 semaphore(%run_scoped3A : memref<!tpu.dma_semaphore, #tpu.memory_space<semaphore_mem>>) src(%dma_wait3A_132 : memref<128xi32, #tpu.memory_space<hbm>>) dst(%arg5 : memref<128xi32, #tpu.memory_space<vmem>>)
      tpu.yield
    }) : () -> ()
    %dma_start3A_75 = arith.constant 0 : i32
    %dma_start3A_76 = arith.constant 0 : i32
    %dma_start3A_77 = tpu.memref_slice %arg2[%dma_start3A_75, %dma_start3A_76] : memref<100000x64xf32, #tpu.memory_space<hbm>> -> memref<100000x64xf32, #tpu.memory_space<hbm>>
    tpu.enqueue_indirect_dma source(%dma_start3A_77 : memref<100000x64xf32, #tpu.memory_space<hbm>>) target(%arg6 : memref<128x64xf32, #tpu.memory_space<vmem>>) offsets(%arg5 : memref<128xi32, #tpu.memory_space<vmem>>) semaphore(%arg7 : memref<!tpu.dma_semaphore, #tpu.memory_space<semaphore_mem>>)
    %dma_wait3A_78 = arith.constant 0 : i32
    %dma_wait3A_79 = arith.constant 0 : i32
    %dma_wait3A_80 = tpu.memref_slice %arg2[%dma_wait3A_78, %dma_wait3A_79] : memref<100000x64xf32, #tpu.memory_space<hbm>> -> memref<100000x64xf32, #tpu.memory_space<hbm>>
    tpu.wait_indirect_dma semaphore(%arg7 : memref<!tpu.dma_semaphore, #tpu.memory_space<semaphore_mem>>) src(%dma_wait3A_80 : memref<100000x64xf32, #tpu.memory_space<hbm>>) dst(%arg6 : memref<128x64xf32, #tpu.memory_space<vmem>>)
    "tpu.region"() ({
      %run_scoped3A = tpu.sem_alloc : memref<!tpu.dma_semaphore, #tpu.memory_space<semaphore_mem>>
      %dma_start3A_129 = arith.constant 0 : i32
      %dma_start3A_130 = tpu.memref_slice %arg4[%add3A_74, %dma_start3A_129] : memref<65536x64xf32, #tpu.memory_space<hbm>> -> memref<128x64xf32, #tpu.memory_space<hbm>>
      %dma_start3A_131 = arith.constant 0 : i32
      %dma_start3A_132 = tpu.memref_slice %arg4[%add3A_74, %dma_start3A_131] : memref<65536x64xf32, #tpu.memory_space<hbm>> -> memref<128x64xf32, #tpu.memory_space<hbm>>
      tpu.enqueue_dma source(%arg6 : memref<128x64xf32, #tpu.memory_space<vmem>>) target(%dma_start3A_132 : memref<128x64xf32, #tpu.memory_space<hbm>>) target_semaphore(%run_scoped3A : memref<!tpu.dma_semaphore, #tpu.memory_space<semaphore_mem>>)
      %dma_wait3A_133 = arith.constant 0 : i32
      %dma_wait3A_134 = tpu.memref_slice %arg4[%add3A_74, %dma_wait3A_133] : memref<65536x64xf32, #tpu.memory_space<hbm>> -> memref<128x64xf32, #tpu.memory_space<hbm>>
      %dma_wait3A_135 = arith.constant 0 : i32
      %dma_wait3A_136 = tpu.memref_slice %arg4[%add3A_74, %dma_wait3A_135] : memref<65536x64xf32, #tpu.memory_space<hbm>> -> memref<128x64xf32, #tpu.memory_space<hbm>>
      tpu.wait_dma2 semaphore(%run_scoped3A : memref<!tpu.dma_semaphore, #tpu.memory_space<semaphore_mem>>) src(%arg6 : memref<128x64xf32, #tpu.memory_space<vmem>>) dst(%dma_wait3A_136 : memref<128x64xf32, #tpu.memory_space<hbm>>)
      tpu.yield
    }) : () -> ()
    %add3A_81 = arith.constant 1280 : i32
    %add3A_82 = arith.addi %mul3A_2, %add3A_81 : i32
    "tpu.region"() ({
      %run_scoped3A = tpu.sem_alloc : memref<!tpu.dma_semaphore, #tpu.memory_space<semaphore_mem>>
      %dma_start3A_129 = tpu.memref_slice %arg3[%add3A_82] : memref<65536xi32, #tpu.memory_space<hbm>> -> memref<128xi32, #tpu.memory_space<hbm>>
      %dma_start3A_130 = tpu.memref_slice %arg3[%add3A_82] : memref<65536xi32, #tpu.memory_space<hbm>> -> memref<128xi32, #tpu.memory_space<hbm>>
      tpu.enqueue_dma source(%dma_start3A_130 : memref<128xi32, #tpu.memory_space<hbm>>) target(%arg5 : memref<128xi32, #tpu.memory_space<vmem>>) target_semaphore(%run_scoped3A : memref<!tpu.dma_semaphore, #tpu.memory_space<semaphore_mem>>)
      %dma_wait3A_131 = tpu.memref_slice %arg3[%add3A_82] : memref<65536xi32, #tpu.memory_space<hbm>> -> memref<128xi32, #tpu.memory_space<hbm>>
      %dma_wait3A_132 = tpu.memref_slice %arg3[%add3A_82] : memref<65536xi32, #tpu.memory_space<hbm>> -> memref<128xi32, #tpu.memory_space<hbm>>
      tpu.wait_dma2 semaphore(%run_scoped3A : memref<!tpu.dma_semaphore, #tpu.memory_space<semaphore_mem>>) src(%dma_wait3A_132 : memref<128xi32, #tpu.memory_space<hbm>>) dst(%arg5 : memref<128xi32, #tpu.memory_space<vmem>>)
      tpu.yield
    }) : () -> ()
    %dma_start3A_83 = arith.constant 0 : i32
    %dma_start3A_84 = arith.constant 0 : i32
    %dma_start3A_85 = tpu.memref_slice %arg2[%dma_start3A_83, %dma_start3A_84] : memref<100000x64xf32, #tpu.memory_space<hbm>> -> memref<100000x64xf32, #tpu.memory_space<hbm>>
    tpu.enqueue_indirect_dma source(%dma_start3A_85 : memref<100000x64xf32, #tpu.memory_space<hbm>>) target(%arg6 : memref<128x64xf32, #tpu.memory_space<vmem>>) offsets(%arg5 : memref<128xi32, #tpu.memory_space<vmem>>) semaphore(%arg7 : memref<!tpu.dma_semaphore, #tpu.memory_space<semaphore_mem>>)
    %dma_wait3A_86 = arith.constant 0 : i32
    %dma_wait3A_87 = arith.constant 0 : i32
    %dma_wait3A_88 = tpu.memref_slice %arg2[%dma_wait3A_86, %dma_wait3A_87] : memref<100000x64xf32, #tpu.memory_space<hbm>> -> memref<100000x64xf32, #tpu.memory_space<hbm>>
    tpu.wait_indirect_dma semaphore(%arg7 : memref<!tpu.dma_semaphore, #tpu.memory_space<semaphore_mem>>) src(%dma_wait3A_88 : memref<100000x64xf32, #tpu.memory_space<hbm>>) dst(%arg6 : memref<128x64xf32, #tpu.memory_space<vmem>>)
    "tpu.region"() ({
      %run_scoped3A = tpu.sem_alloc : memref<!tpu.dma_semaphore, #tpu.memory_space<semaphore_mem>>
      %dma_start3A_129 = arith.constant 0 : i32
      %dma_start3A_130 = tpu.memref_slice %arg4[%add3A_82, %dma_start3A_129] : memref<65536x64xf32, #tpu.memory_space<hbm>> -> memref<128x64xf32, #tpu.memory_space<hbm>>
      %dma_start3A_131 = arith.constant 0 : i32
      %dma_start3A_132 = tpu.memref_slice %arg4[%add3A_82, %dma_start3A_131] : memref<65536x64xf32, #tpu.memory_space<hbm>> -> memref<128x64xf32, #tpu.memory_space<hbm>>
      tpu.enqueue_dma source(%arg6 : memref<128x64xf32, #tpu.memory_space<vmem>>) target(%dma_start3A_132 : memref<128x64xf32, #tpu.memory_space<hbm>>) target_semaphore(%run_scoped3A : memref<!tpu.dma_semaphore, #tpu.memory_space<semaphore_mem>>)
      %dma_wait3A_133 = arith.constant 0 : i32
      %dma_wait3A_134 = tpu.memref_slice %arg4[%add3A_82, %dma_wait3A_133] : memref<65536x64xf32, #tpu.memory_space<hbm>> -> memref<128x64xf32, #tpu.memory_space<hbm>>
      %dma_wait3A_135 = arith.constant 0 : i32
      %dma_wait3A_136 = tpu.memref_slice %arg4[%add3A_82, %dma_wait3A_135] : memref<65536x64xf32, #tpu.memory_space<hbm>> -> memref<128x64xf32, #tpu.memory_space<hbm>>
      tpu.wait_dma2 semaphore(%run_scoped3A : memref<!tpu.dma_semaphore, #tpu.memory_space<semaphore_mem>>) src(%arg6 : memref<128x64xf32, #tpu.memory_space<vmem>>) dst(%dma_wait3A_136 : memref<128x64xf32, #tpu.memory_space<hbm>>)
      tpu.yield
    }) : () -> ()
    %add3A_89 = arith.constant 1408 : i32
    %add3A_90 = arith.addi %mul3A_2, %add3A_89 : i32
    "tpu.region"() ({
      %run_scoped3A = tpu.sem_alloc : memref<!tpu.dma_semaphore, #tpu.memory_space<semaphore_mem>>
      %dma_start3A_129 = tpu.memref_slice %arg3[%add3A_90] : memref<65536xi32, #tpu.memory_space<hbm>> -> memref<128xi32, #tpu.memory_space<hbm>>
      %dma_start3A_130 = tpu.memref_slice %arg3[%add3A_90] : memref<65536xi32, #tpu.memory_space<hbm>> -> memref<128xi32, #tpu.memory_space<hbm>>
      tpu.enqueue_dma source(%dma_start3A_130 : memref<128xi32, #tpu.memory_space<hbm>>) target(%arg5 : memref<128xi32, #tpu.memory_space<vmem>>) target_semaphore(%run_scoped3A : memref<!tpu.dma_semaphore, #tpu.memory_space<semaphore_mem>>)
      %dma_wait3A_131 = tpu.memref_slice %arg3[%add3A_90] : memref<65536xi32, #tpu.memory_space<hbm>> -> memref<128xi32, #tpu.memory_space<hbm>>
      %dma_wait3A_132 = tpu.memref_slice %arg3[%add3A_90] : memref<65536xi32, #tpu.memory_space<hbm>> -> memref<128xi32, #tpu.memory_space<hbm>>
      tpu.wait_dma2 semaphore(%run_scoped3A : memref<!tpu.dma_semaphore, #tpu.memory_space<semaphore_mem>>) src(%dma_wait3A_132 : memref<128xi32, #tpu.memory_space<hbm>>) dst(%arg5 : memref<128xi32, #tpu.memory_space<vmem>>)
      tpu.yield
    }) : () -> ()
    %dma_start3A_91 = arith.constant 0 : i32
    %dma_start3A_92 = arith.constant 0 : i32
    %dma_start3A_93 = tpu.memref_slice %arg2[%dma_start3A_91, %dma_start3A_92] : memref<100000x64xf32, #tpu.memory_space<hbm>> -> memref<100000x64xf32, #tpu.memory_space<hbm>>
    tpu.enqueue_indirect_dma source(%dma_start3A_93 : memref<100000x64xf32, #tpu.memory_space<hbm>>) target(%arg6 : memref<128x64xf32, #tpu.memory_space<vmem>>) offsets(%arg5 : memref<128xi32, #tpu.memory_space<vmem>>) semaphore(%arg7 : memref<!tpu.dma_semaphore, #tpu.memory_space<semaphore_mem>>)
    %dma_wait3A_94 = arith.constant 0 : i32
    %dma_wait3A_95 = arith.constant 0 : i32
    %dma_wait3A_96 = tpu.memref_slice %arg2[%dma_wait3A_94, %dma_wait3A_95] : memref<100000x64xf32, #tpu.memory_space<hbm>> -> memref<100000x64xf32, #tpu.memory_space<hbm>>
    tpu.wait_indirect_dma semaphore(%arg7 : memref<!tpu.dma_semaphore, #tpu.memory_space<semaphore_mem>>) src(%dma_wait3A_96 : memref<100000x64xf32, #tpu.memory_space<hbm>>) dst(%arg6 : memref<128x64xf32, #tpu.memory_space<vmem>>)
    "tpu.region"() ({
      %run_scoped3A = tpu.sem_alloc : memref<!tpu.dma_semaphore, #tpu.memory_space<semaphore_mem>>
      %dma_start3A_129 = arith.constant 0 : i32
      %dma_start3A_130 = tpu.memref_slice %arg4[%add3A_90, %dma_start3A_129] : memref<65536x64xf32, #tpu.memory_space<hbm>> -> memref<128x64xf32, #tpu.memory_space<hbm>>
      %dma_start3A_131 = arith.constant 0 : i32
      %dma_start3A_132 = tpu.memref_slice %arg4[%add3A_90, %dma_start3A_131] : memref<65536x64xf32, #tpu.memory_space<hbm>> -> memref<128x64xf32, #tpu.memory_space<hbm>>
      tpu.enqueue_dma source(%arg6 : memref<128x64xf32, #tpu.memory_space<vmem>>) target(%dma_start3A_132 : memref<128x64xf32, #tpu.memory_space<hbm>>) target_semaphore(%run_scoped3A : memref<!tpu.dma_semaphore, #tpu.memory_space<semaphore_mem>>)
      %dma_wait3A_133 = arith.constant 0 : i32
      %dma_wait3A_134 = tpu.memref_slice %arg4[%add3A_90, %dma_wait3A_133] : memref<65536x64xf32, #tpu.memory_space<hbm>> -> memref<128x64xf32, #tpu.memory_space<hbm>>
      %dma_wait3A_135 = arith.constant 0 : i32
      %dma_wait3A_136 = tpu.memref_slice %arg4[%add3A_90, %dma_wait3A_135] : memref<65536x64xf32, #tpu.memory_space<hbm>> -> memref<128x64xf32, #tpu.memory_space<hbm>>
      tpu.wait_dma2 semaphore(%run_scoped3A : memref<!tpu.dma_semaphore, #tpu.memory_space<semaphore_mem>>) src(%arg6 : memref<128x64xf32, #tpu.memory_space<vmem>>) dst(%dma_wait3A_136 : memref<128x64xf32, #tpu.memory_space<hbm>>)
      tpu.yield
    }) : () -> ()
    %add3A_97 = arith.constant 1536 : i32
    %add3A_98 = arith.addi %mul3A_2, %add3A_97 : i32
    "tpu.region"() ({
      %run_scoped3A = tpu.sem_alloc : memref<!tpu.dma_semaphore, #tpu.memory_space<semaphore_mem>>
      %dma_start3A_129 = tpu.memref_slice %arg3[%add3A_98] : memref<65536xi32, #tpu.memory_space<hbm>> -> memref<128xi32, #tpu.memory_space<hbm>>
      %dma_start3A_130 = tpu.memref_slice %arg3[%add3A_98] : memref<65536xi32, #tpu.memory_space<hbm>> -> memref<128xi32, #tpu.memory_space<hbm>>
      tpu.enqueue_dma source(%dma_start3A_130 : memref<128xi32, #tpu.memory_space<hbm>>) target(%arg5 : memref<128xi32, #tpu.memory_space<vmem>>) target_semaphore(%run_scoped3A : memref<!tpu.dma_semaphore, #tpu.memory_space<semaphore_mem>>)
      %dma_wait3A_131 = tpu.memref_slice %arg3[%add3A_98] : memref<65536xi32, #tpu.memory_space<hbm>> -> memref<128xi32, #tpu.memory_space<hbm>>
      %dma_wait3A_132 = tpu.memref_slice %arg3[%add3A_98] : memref<65536xi32, #tpu.memory_space<hbm>> -> memref<128xi32, #tpu.memory_space<hbm>>
      tpu.wait_dma2 semaphore(%run_scoped3A : memref<!tpu.dma_semaphore, #tpu.memory_space<semaphore_mem>>) src(%dma_wait3A_132 : memref<128xi32, #tpu.memory_space<hbm>>) dst(%arg5 : memref<128xi32, #tpu.memory_space<vmem>>)
      tpu.yield
    }) : () -> ()
    %dma_start3A_99 = arith.constant 0 : i32
    %dma_start3A_100 = arith.constant 0 : i32
    %dma_start3A_101 = tpu.memref_slice %arg2[%dma_start3A_99, %dma_start3A_100] : memref<100000x64xf32, #tpu.memory_space<hbm>> -> memref<100000x64xf32, #tpu.memory_space<hbm>>
    tpu.enqueue_indirect_dma source(%dma_start3A_101 : memref<100000x64xf32, #tpu.memory_space<hbm>>) target(%arg6 : memref<128x64xf32, #tpu.memory_space<vmem>>) offsets(%arg5 : memref<128xi32, #tpu.memory_space<vmem>>) semaphore(%arg7 : memref<!tpu.dma_semaphore, #tpu.memory_space<semaphore_mem>>)
    %dma_wait3A_102 = arith.constant 0 : i32
    %dma_wait3A_103 = arith.constant 0 : i32
    %dma_wait3A_104 = tpu.memref_slice %arg2[%dma_wait3A_102, %dma_wait3A_103] : memref<100000x64xf32, #tpu.memory_space<hbm>> -> memref<100000x64xf32, #tpu.memory_space<hbm>>
    tpu.wait_indirect_dma semaphore(%arg7 : memref<!tpu.dma_semaphore, #tpu.memory_space<semaphore_mem>>) src(%dma_wait3A_104 : memref<100000x64xf32, #tpu.memory_space<hbm>>) dst(%arg6 : memref<128x64xf32, #tpu.memory_space<vmem>>)
    "tpu.region"() ({
      %run_scoped3A = tpu.sem_alloc : memref<!tpu.dma_semaphore, #tpu.memory_space<semaphore_mem>>
      %dma_start3A_129 = arith.constant 0 : i32
      %dma_start3A_130 = tpu.memref_slice %arg4[%add3A_98, %dma_start3A_129] : memref<65536x64xf32, #tpu.memory_space<hbm>> -> memref<128x64xf32, #tpu.memory_space<hbm>>
      %dma_start3A_131 = arith.constant 0 : i32
      %dma_start3A_132 = tpu.memref_slice %arg4[%add3A_98, %dma_start3A_131] : memref<65536x64xf32, #tpu.memory_space<hbm>> -> memref<128x64xf32, #tpu.memory_space<hbm>>
      tpu.enqueue_dma source(%arg6 : memref<128x64xf32, #tpu.memory_space<vmem>>) target(%dma_start3A_132 : memref<128x64xf32, #tpu.memory_space<hbm>>) target_semaphore(%run_scoped3A : memref<!tpu.dma_semaphore, #tpu.memory_space<semaphore_mem>>)
      %dma_wait3A_133 = arith.constant 0 : i32
      %dma_wait3A_134 = tpu.memref_slice %arg4[%add3A_98, %dma_wait3A_133] : memref<65536x64xf32, #tpu.memory_space<hbm>> -> memref<128x64xf32, #tpu.memory_space<hbm>>
      %dma_wait3A_135 = arith.constant 0 : i32
      %dma_wait3A_136 = tpu.memref_slice %arg4[%add3A_98, %dma_wait3A_135] : memref<65536x64xf32, #tpu.memory_space<hbm>> -> memref<128x64xf32, #tpu.memory_space<hbm>>
      tpu.wait_dma2 semaphore(%run_scoped3A : memref<!tpu.dma_semaphore, #tpu.memory_space<semaphore_mem>>) src(%arg6 : memref<128x64xf32, #tpu.memory_space<vmem>>) dst(%dma_wait3A_136 : memref<128x64xf32, #tpu.memory_space<hbm>>)
      tpu.yield
    }) : () -> ()
    %add3A_105 = arith.constant 1664 : i32
    %add3A_106 = arith.addi %mul3A_2, %add3A_105 : i32
    "tpu.region"() ({
      %run_scoped3A = tpu.sem_alloc : memref<!tpu.dma_semaphore, #tpu.memory_space<semaphore_mem>>
      %dma_start3A_129 = tpu.memref_slice %arg3[%add3A_106] : memref<65536xi32, #tpu.memory_space<hbm>> -> memref<128xi32, #tpu.memory_space<hbm>>
      %dma_start3A_130 = tpu.memref_slice %arg3[%add3A_106] : memref<65536xi32, #tpu.memory_space<hbm>> -> memref<128xi32, #tpu.memory_space<hbm>>
      tpu.enqueue_dma source(%dma_start3A_130 : memref<128xi32, #tpu.memory_space<hbm>>) target(%arg5 : memref<128xi32, #tpu.memory_space<vmem>>) target_semaphore(%run_scoped3A : memref<!tpu.dma_semaphore, #tpu.memory_space<semaphore_mem>>)
      %dma_wait3A_131 = tpu.memref_slice %arg3[%add3A_106] : memref<65536xi32, #tpu.memory_space<hbm>> -> memref<128xi32, #tpu.memory_space<hbm>>
      %dma_wait3A_132 = tpu.memref_slice %arg3[%add3A_106] : memref<65536xi32, #tpu.memory_space<hbm>> -> memref<128xi32, #tpu.memory_space<hbm>>
      tpu.wait_dma2 semaphore(%run_scoped3A : memref<!tpu.dma_semaphore, #tpu.memory_space<semaphore_mem>>) src(%dma_wait3A_132 : memref<128xi32, #tpu.memory_space<hbm>>) dst(%arg5 : memref<128xi32, #tpu.memory_space<vmem>>)
      tpu.yield
    }) : () -> ()
    %dma_start3A_107 = arith.constant 0 : i32
    %dma_start3A_108 = arith.constant 0 : i32
    %dma_start3A_109 = tpu.memref_slice %arg2[%dma_start3A_107, %dma_start3A_108] : memref<100000x64xf32, #tpu.memory_space<hbm>> -> memref<100000x64xf32, #tpu.memory_space<hbm>>
    tpu.enqueue_indirect_dma source(%dma_start3A_109 : memref<100000x64xf32, #tpu.memory_space<hbm>>) target(%arg6 : memref<128x64xf32, #tpu.memory_space<vmem>>) offsets(%arg5 : memref<128xi32, #tpu.memory_space<vmem>>) semaphore(%arg7 : memref<!tpu.dma_semaphore, #tpu.memory_space<semaphore_mem>>)
    %dma_wait3A_110 = arith.constant 0 : i32
    %dma_wait3A_111 = arith.constant 0 : i32
    %dma_wait3A_112 = tpu.memref_slice %arg2[%dma_wait3A_110, %dma_wait3A_111] : memref<100000x64xf32, #tpu.memory_space<hbm>> -> memref<100000x64xf32, #tpu.memory_space<hbm>>
    tpu.wait_indirect_dma semaphore(%arg7 : memref<!tpu.dma_semaphore, #tpu.memory_space<semaphore_mem>>) src(%dma_wait3A_112 : memref<100000x64xf32, #tpu.memory_space<hbm>>) dst(%arg6 : memref<128x64xf32, #tpu.memory_space<vmem>>)
    "tpu.region"() ({
      %run_scoped3A = tpu.sem_alloc : memref<!tpu.dma_semaphore, #tpu.memory_space<semaphore_mem>>
      %dma_start3A_129 = arith.constant 0 : i32
      %dma_start3A_130 = tpu.memref_slice %arg4[%add3A_106, %dma_start3A_129] : memref<65536x64xf32, #tpu.memory_space<hbm>> -> memref<128x64xf32, #tpu.memory_space<hbm>>
      %dma_start3A_131 = arith.constant 0 : i32
      %dma_start3A_132 = tpu.memref_slice %arg4[%add3A_106, %dma_start3A_131] : memref<65536x64xf32, #tpu.memory_space<hbm>> -> memref<128x64xf32, #tpu.memory_space<hbm>>
      tpu.enqueue_dma source(%arg6 : memref<128x64xf32, #tpu.memory_space<vmem>>) target(%dma_start3A_132 : memref<128x64xf32, #tpu.memory_space<hbm>>) target_semaphore(%run_scoped3A : memref<!tpu.dma_semaphore, #tpu.memory_space<semaphore_mem>>)
      %dma_wait3A_133 = arith.constant 0 : i32
      %dma_wait3A_134 = tpu.memref_slice %arg4[%add3A_106, %dma_wait3A_133] : memref<65536x64xf32, #tpu.memory_space<hbm>> -> memref<128x64xf32, #tpu.memory_space<hbm>>
      %dma_wait3A_135 = arith.constant 0 : i32
      %dma_wait3A_136 = tpu.memref_slice %arg4[%add3A_106, %dma_wait3A_135] : memref<65536x64xf32, #tpu.memory_space<hbm>> -> memref<128x64xf32, #tpu.memory_space<hbm>>
      tpu.wait_dma2 semaphore(%run_scoped3A : memref<!tpu.dma_semaphore, #tpu.memory_space<semaphore_mem>>) src(%arg6 : memref<128x64xf32, #tpu.memory_space<vmem>>) dst(%dma_wait3A_136 : memref<128x64xf32, #tpu.memory_space<hbm>>)
      tpu.yield
    }) : () -> ()
    %add3A_113 = arith.constant 1792 : i32
    %add3A_114 = arith.addi %mul3A_2, %add3A_113 : i32
    "tpu.region"() ({
      %run_scoped3A = tpu.sem_alloc : memref<!tpu.dma_semaphore, #tpu.memory_space<semaphore_mem>>
      %dma_start3A_129 = tpu.memref_slice %arg3[%add3A_114] : memref<65536xi32, #tpu.memory_space<hbm>> -> memref<128xi32, #tpu.memory_space<hbm>>
      %dma_start3A_130 = tpu.memref_slice %arg3[%add3A_114] : memref<65536xi32, #tpu.memory_space<hbm>> -> memref<128xi32, #tpu.memory_space<hbm>>
      tpu.enqueue_dma source(%dma_start3A_130 : memref<128xi32, #tpu.memory_space<hbm>>) target(%arg5 : memref<128xi32, #tpu.memory_space<vmem>>) target_semaphore(%run_scoped3A : memref<!tpu.dma_semaphore, #tpu.memory_space<semaphore_mem>>)
      %dma_wait3A_131 = tpu.memref_slice %arg3[%add3A_114] : memref<65536xi32, #tpu.memory_space<hbm>> -> memref<128xi32, #tpu.memory_space<hbm>>
      %dma_wait3A_132 = tpu.memref_slice %arg3[%add3A_114] : memref<65536xi32, #tpu.memory_space<hbm>> -> memref<128xi32, #tpu.memory_space<hbm>>
      tpu.wait_dma2 semaphore(%run_scoped3A : memref<!tpu.dma_semaphore, #tpu.memory_space<semaphore_mem>>) src(%dma_wait3A_132 : memref<128xi32, #tpu.memory_space<hbm>>) dst(%arg5 : memref<128xi32, #tpu.memory_space<vmem>>)
      tpu.yield
    }) : () -> ()
    %dma_start3A_115 = arith.constant 0 : i32
    %dma_start3A_116 = arith.constant 0 : i32
    %dma_start3A_117 = tpu.memref_slice %arg2[%dma_start3A_115, %dma_start3A_116] : memref<100000x64xf32, #tpu.memory_space<hbm>> -> memref<100000x64xf32, #tpu.memory_space<hbm>>
    tpu.enqueue_indirect_dma source(%dma_start3A_117 : memref<100000x64xf32, #tpu.memory_space<hbm>>) target(%arg6 : memref<128x64xf32, #tpu.memory_space<vmem>>) offsets(%arg5 : memref<128xi32, #tpu.memory_space<vmem>>) semaphore(%arg7 : memref<!tpu.dma_semaphore, #tpu.memory_space<semaphore_mem>>)
    %dma_wait3A_118 = arith.constant 0 : i32
    %dma_wait3A_119 = arith.constant 0 : i32
    %dma_wait3A_120 = tpu.memref_slice %arg2[%dma_wait3A_118, %dma_wait3A_119] : memref<100000x64xf32, #tpu.memory_space<hbm>> -> memref<100000x64xf32, #tpu.memory_space<hbm>>
    tpu.wait_indirect_dma semaphore(%arg7 : memref<!tpu.dma_semaphore, #tpu.memory_space<semaphore_mem>>) src(%dma_wait3A_120 : memref<100000x64xf32, #tpu.memory_space<hbm>>) dst(%arg6 : memref<128x64xf32, #tpu.memory_space<vmem>>)
    "tpu.region"() ({
      %run_scoped3A = tpu.sem_alloc : memref<!tpu.dma_semaphore, #tpu.memory_space<semaphore_mem>>
      %dma_start3A_129 = arith.constant 0 : i32
      %dma_start3A_130 = tpu.memref_slice %arg4[%add3A_114, %dma_start3A_129] : memref<65536x64xf32, #tpu.memory_space<hbm>> -> memref<128x64xf32, #tpu.memory_space<hbm>>
      %dma_start3A_131 = arith.constant 0 : i32
      %dma_start3A_132 = tpu.memref_slice %arg4[%add3A_114, %dma_start3A_131] : memref<65536x64xf32, #tpu.memory_space<hbm>> -> memref<128x64xf32, #tpu.memory_space<hbm>>
      tpu.enqueue_dma source(%arg6 : memref<128x64xf32, #tpu.memory_space<vmem>>) target(%dma_start3A_132 : memref<128x64xf32, #tpu.memory_space<hbm>>) target_semaphore(%run_scoped3A : memref<!tpu.dma_semaphore, #tpu.memory_space<semaphore_mem>>)
      %dma_wait3A_133 = arith.constant 0 : i32
      %dma_wait3A_134 = tpu.memref_slice %arg4[%add3A_114, %dma_wait3A_133] : memref<65536x64xf32, #tpu.memory_space<hbm>> -> memref<128x64xf32, #tpu.memory_space<hbm>>
      %dma_wait3A_135 = arith.constant 0 : i32
      %dma_wait3A_136 = tpu.memref_slice %arg4[%add3A_114, %dma_wait3A_135] : memref<65536x64xf32, #tpu.memory_space<hbm>> -> memref<128x64xf32, #tpu.memory_space<hbm>>
      tpu.wait_dma2 semaphore(%run_scoped3A : memref<!tpu.dma_semaphore, #tpu.memory_space<semaphore_mem>>) src(%arg6 : memref<128x64xf32, #tpu.memory_space<vmem>>) dst(%dma_wait3A_136 : memref<128x64xf32, #tpu.memory_space<hbm>>)
      tpu.yield
    }) : () -> ()
    %add3A_121 = arith.constant 1920 : i32
    %add3A_122 = arith.addi %mul3A_2, %add3A_121 : i32
    "tpu.region"() ({
      %run_scoped3A = tpu.sem_alloc : memref<!tpu.dma_semaphore, #tpu.memory_space<semaphore_mem>>
      %dma_start3A_129 = tpu.memref_slice %arg3[%add3A_122] : memref<65536xi32, #tpu.memory_space<hbm>> -> memref<128xi32, #tpu.memory_space<hbm>>
      %dma_start3A_130 = tpu.memref_slice %arg3[%add3A_122] : memref<65536xi32, #tpu.memory_space<hbm>> -> memref<128xi32, #tpu.memory_space<hbm>>
      tpu.enqueue_dma source(%dma_start3A_130 : memref<128xi32, #tpu.memory_space<hbm>>) target(%arg5 : memref<128xi32, #tpu.memory_space<vmem>>) target_semaphore(%run_scoped3A : memref<!tpu.dma_semaphore, #tpu.memory_space<semaphore_mem>>)
      %dma_wait3A_131 = tpu.memref_slice %arg3[%add3A_122] : memref<65536xi32, #tpu.memory_space<hbm>> -> memref<128xi32, #tpu.memory_space<hbm>>
      %dma_wait3A_132 = tpu.memref_slice %arg3[%add3A_122] : memref<65536xi32, #tpu.memory_space<hbm>> -> memref<128xi32, #tpu.memory_space<hbm>>
      tpu.wait_dma2 semaphore(%run_scoped3A : memref<!tpu.dma_semaphore, #tpu.memory_space<semaphore_mem>>) src(%dma_wait3A_132 : memref<128xi32, #tpu.memory_space<hbm>>) dst(%arg5 : memref<128xi32, #tpu.memory_space<vmem>>)
      tpu.yield
    }) : () -> ()
    %dma_start3A_123 = arith.constant 0 : i32
    %dma_start3A_124 = arith.constant 0 : i32
    %dma_start3A_125 = tpu.memref_slice %arg2[%dma_start3A_123, %dma_start3A_124] : memref<100000x64xf32, #tpu.memory_space<hbm>> -> memref<100000x64xf32, #tpu.memory_space<hbm>>
    tpu.enqueue_indirect_dma source(%dma_start3A_125 : memref<100000x64xf32, #tpu.memory_space<hbm>>) target(%arg6 : memref<128x64xf32, #tpu.memory_space<vmem>>) offsets(%arg5 : memref<128xi32, #tpu.memory_space<vmem>>) semaphore(%arg7 : memref<!tpu.dma_semaphore, #tpu.memory_space<semaphore_mem>>)
    %dma_wait3A_126 = arith.constant 0 : i32
    %dma_wait3A_127 = arith.constant 0 : i32
    %dma_wait3A_128 = tpu.memref_slice %arg2[%dma_wait3A_126, %dma_wait3A_127] : memref<100000x64xf32, #tpu.memory_space<hbm>> -> memref<100000x64xf32, #tpu.memory_space<hbm>>
    tpu.wait_indirect_dma semaphore(%arg7 : memref<!tpu.dma_semaphore, #tpu.memory_space<semaphore_mem>>) src(%dma_wait3A_128 : memref<100000x64xf32, #tpu.memory_space<hbm>>) dst(%arg6 : memref<128x64xf32, #tpu.memory_space<vmem>>)
    "tpu.region"() ({
      %run_scoped3A = tpu.sem_alloc : memref<!tpu.dma_semaphore, #tpu.memory_space<semaphore_mem>>
      %dma_start3A_129 = arith.constant 0 : i32
      %dma_start3A_130 = tpu.memref_slice %arg4[%add3A_122, %dma_start3A_129] : memref<65536x64xf32, #tpu.memory_space<hbm>> -> memref<128x64xf32, #tpu.memory_space<hbm>>
      %dma_start3A_131 = arith.constant 0 : i32
      %dma_start3A_132 = tpu.memref_slice %arg4[%add3A_122, %dma_start3A_131] : memref<65536x64xf32, #tpu.memory_space<hbm>> -> memref<128x64xf32, #tpu.memory_space<hbm>>
      tpu.enqueue_dma source(%arg6 : memref<128x64xf32, #tpu.memory_space<vmem>>) target(%dma_start3A_132 : memref<128x64xf32, #tpu.memory_space<hbm>>) target_semaphore(%run_scoped3A : memref<!tpu.dma_semaphore, #tpu.memory_space<semaphore_mem>>)
      %dma_wait3A_133 = arith.constant 0 : i32
      %dma_wait3A_134 = tpu.memref_slice %arg4[%add3A_122, %dma_wait3A_133] : memref<65536x64xf32, #tpu.memory_space<hbm>> -> memref<128x64xf32, #tpu.memory_space<hbm>>
      %dma_wait3A_135 = arith.constant 0 : i32
      %dma_wait3A_136 = tpu.memref_slice %arg4[%add3A_122, %dma_wait3A_135] : memref<65536x64xf32, #tpu.memory_space<hbm>> -> memref<128x64xf32, #tpu.memory_space<hbm>>
      tpu.wait_dma2 semaphore(%run_scoped3A : memref<!tpu.dma_semaphore, #tpu.memory_space<semaphore_mem>>) src(%arg6 : memref<128x64xf32, #tpu.memory_space<vmem>>) dst(%dma_wait3A_136 : memref<128x64xf32, #tpu.memory_space<hbm>>)
      tpu.yield
    }) : () -> ()
    return
  }
}

module attributes {stable_mosaic.version = 14 : i64} {
  func.func @_topk_body(%arg0: i32, %arg1: i32, %arg2: memref<1024x64xbf16, #tpu.memory_space<vmem>>, %arg3: memref<4096x64xbf16, #tpu.memory_space<vmem>>, %arg4: memref<1024x16xf32, #tpu.memory_space<vmem>>, %arg5: memref<1024x16xi32, #tpu.memory_space<vmem>>, %arg6: memref<1024x4096xf32, #tpu.memory_space<vmem>>, %arg7: memref<16x1024xf32, #tpu.memory_space<vmem>>, %arg8: memref<16x1024xi32, #tpu.memory_space<vmem>>, %arg9: memref<1024x1xf32, #tpu.memory_space<vmem>>) attributes {dimension_semantics = [#tpu.dimension_semantics<parallel>, #tpu.dimension_semantics<arbitrary>], iteration_bounds = array<i64: 4, 25>, scalar_prefetch = 0 : i64, scratch_operands = 4 : i64, tpu.core_type = #tpu.core_type<tc>, window_params = [{transform_indices = @transform_0, window_bounds = array<i64: 1024, 64>}, {transform_indices = @transform_1, window_bounds = array<i64: 4096, 64>}, {transform_indices = @transform_2, window_bounds = array<i64: 1024, 16>}, {transform_indices = @transform_3, window_bounds = array<i64: 1024, 16>}]} {
    %eq3A = arith.constant 0 : i32
    %eq3A_0 = arith.cmpi eq, %arg1, %eq3A : i32
    %convert_element_type3A = arith.extui %eq3A_0 : i1 to i32
    %cond3A = arith.constant 0 : i32
    %cond3A_1 = arith.cmpi ne, %convert_element_type3A, %cond3A : i32
    scf.if %cond3A_1 {
      %broadcast_in_dim3A_222 = arith.constant 0xFF800000 : f32
      %broadcast_in_dim3A_223 = vector.broadcast %broadcast_in_dim3A_222 : f32 to vector<16x1024xf32>
      %swap3A_224 = arith.constant 0 : index
      %swap3A_225 = arith.constant 0 : index
      %swap3A_226 = vector.load %arg7[%swap3A_224, %swap3A_225] : memref<16x1024xf32, #tpu.memory_space<vmem>>, vector<16x1024xf32>
      tpu.vector_store %arg7[%swap3A_224, %swap3A_225], %broadcast_in_dim3A_223 {strides = array<i32>} : memref<16x1024xf32, #tpu.memory_space<vmem>>, vector<16x1024xf32>,
      %broadcast_in_dim3A_227 = arith.constant 0 : i32
      %broadcast_in_dim3A_228 = vector.broadcast %broadcast_in_dim3A_227 : i32 to vector<16x1024xi32>
      %swap3A_229 = arith.constant 0 : index
      %swap3A_230 = arith.constant 0 : index
      %swap3A_231 = vector.load %arg8[%swap3A_229, %swap3A_230] : memref<16x1024xi32, #tpu.memory_space<vmem>>, vector<16x1024xi32>
      tpu.vector_store %arg8[%swap3A_229, %swap3A_230], %broadcast_in_dim3A_228 {strides = array<i32>} : memref<16x1024xi32, #tpu.memory_space<vmem>>, vector<16x1024xi32>,
      %broadcast_in_dim3A_232 = arith.constant 0xFF800000 : f32
      %broadcast_in_dim3A_233 = vector.broadcast %broadcast_in_dim3A_232 : f32 to vector<1024x1xf32>
      %swap3A_234 = arith.constant 0 : index
      %swap3A_235 = arith.constant 0 : index
      %swap3A_236 = vector.load %arg9[%swap3A_234, %swap3A_235] : memref<1024x1xf32, #tpu.memory_space<vmem>>, vector<1024x1xf32>
      tpu.vector_store %arg9[%swap3A_234, %swap3A_235], %broadcast_in_dim3A_233 {strides = array<i32>} : memref<1024x1xf32, #tpu.memory_space<vmem>>, vector<1024x1xf32>,
    } else {
    }
    %get3A = arith.constant 0 : index
    %get3A_2 = arith.constant 0 : index
    %get3A_3 = vector.load %arg2[%get3A, %get3A_2] : memref<1024x64xbf16, #tpu.memory_space<vmem>>, vector<1024x64xbf16>
    %get3A_4 = arith.constant 0 : index
    %get3A_5 = arith.constant 0 : index
    %get3A_6 = vector.load %arg3[%get3A_4, %get3A_5] : memref<4096x64xbf16, #tpu.memory_space<vmem>>, vector<4096x64xbf16>
    %dot_general3A = arith.constant dense<0.000000e+00> : vector<1024x4096xf32>
    %dot_general3A_7 = tpu.matmul %get3A_3, %get3A_6, %dot_general3A {dimension_numbers = #tpu.dot_dimension_numbers<[1], [1], [0], [0], [0, 0, 1, 0], [], []>, transpose_lhs_hint = false} : vector<1024x64xbf16>, vector<4096x64xbf16>, vector<1024x4096xf32> -> vector<1024x4096xf32>
    %mul3A = arith.constant 4096 : i32
    %mul3A_8 = arith.muli %arg1, %mul3A : i32
    %iota3A = tpu.iota {dimensions = array<i32: 1>} : vector<1024x4096xi32>
    %add3A = vector.broadcast %mul3A_8 : i32 to vector<1024x4096xi32>
    %add3A_9 = arith.addi %add3A, %iota3A : vector<1024x4096xi32>
    %lt3A = arith.constant 100000 : i32
    %lt3A_10 = vector.broadcast %lt3A : i32 to vector<1024x4096xi32>
    %lt3A_11 = arith.cmpi slt, %add3A_9, %lt3A_10 : vector<1024x4096xi32>
    %jit3A = arith.constant 0xFF800000 : f32
    %broadcast_in_dim3A = vector.broadcast %jit3A : f32 to vector<1024x4096xf32>
    %select_n3A = arith.select %lt3A_11, %dot_general3A_7, %broadcast_in_dim3A : vector<1024x4096xi1>, vector<1024x4096xf32>
    %iota3A_12 = tpu.iota {dimensions = array<i32: 1>} : vector<1024x128xi32>
    %slice3A = vector.extract_strided_slice %select_n3A {offsets = [0, 0], sizes = [1024, 128], strides = [1, 1]} : vector<1024x4096xf32> to vector<1024x128xf32>
    %broadcast_in_dim3A_13 = arith.constant 0 : i32
    %broadcast_in_dim3A_14 = vector.broadcast %broadcast_in_dim3A_13 : i32 to vector<1024x128xi32>
    %slice3A_15 = vector.extract_strided_slice %select_n3A {offsets = [0, 128], sizes = [1024, 128], strides = [1, 1]} : vector<1024x4096xf32> to vector<1024x128xf32>
    %gt3A = arith.cmpf ogt, %slice3A_15, %slice3A : vector<1024x128xf32>
    %select_n3A_16 = arith.select %gt3A, %slice3A_15, %slice3A : vector<1024x128xi1>, vector<1024x128xf32>
    %jit3A_17 = arith.constant 1 : i32
    %broadcast_in_dim3A_18 = vector.broadcast %jit3A_17 : i32 to vector<1024x128xi32>
    %select_n3A_19 = arith.select %gt3A, %broadcast_in_dim3A_18, %broadcast_in_dim3A_14 : vector<1024x128xi1>, vector<1024x128xi32>
    %slice3A_20 = vector.extract_strided_slice %select_n3A {offsets = [0, 256], sizes = [1024, 128], strides = [1, 1]} : vector<1024x4096xf32> to vector<1024x128xf32>
    %gt3A_21 = arith.cmpf ogt, %slice3A_20, %select_n3A_16 : vector<1024x128xf32>
    %select_n3A_22 = arith.select %gt3A_21, %slice3A_20, %select_n3A_16 : vector<1024x128xi1>, vector<1024x128xf32>
    %jit3A_23 = arith.constant 2 : i32
    %broadcast_in_dim3A_24 = vector.broadcast %jit3A_23 : i32 to vector<1024x128xi32>
    %select_n3A_25 = arith.select %gt3A_21, %broadcast_in_dim3A_24, %select_n3A_19 : vector<1024x128xi1>, vector<1024x128xi32>
    %slice3A_26 = vector.extract_strided_slice %select_n3A {offsets = [0, 384], sizes = [1024, 128], strides = [1, 1]} : vector<1024x4096xf32> to vector<1024x128xf32>
    %gt3A_27 = arith.cmpf ogt, %slice3A_26, %select_n3A_22 : vector<1024x128xf32>
    %select_n3A_28 = arith.select %gt3A_27, %slice3A_26, %select_n3A_22 : vector<1024x128xi1>, vector<1024x128xf32>
    %jit3A_29 = arith.constant 3 : i32
    %broadcast_in_dim3A_30 = vector.broadcast %jit3A_29 : i32 to vector<1024x128xi32>
    %select_n3A_31 = arith.select %gt3A_27, %broadcast_in_dim3A_30, %select_n3A_25 : vector<1024x128xi1>, vector<1024x128xi32>
    %slice3A_32 = vector.extract_strided_slice %select_n3A {offsets = [0, 512], sizes = [1024, 128], strides = [1, 1]} : vector<1024x4096xf32> to vector<1024x128xf32>
    %gt3A_33 = arith.cmpf ogt, %slice3A_32, %select_n3A_28 : vector<1024x128xf32>
    %select_n3A_34 = arith.select %gt3A_33, %slice3A_32, %select_n3A_28 : vector<1024x128xi1>, vector<1024x128xf32>
    %jit3A_35 = arith.constant 4 : i32
    %broadcast_in_dim3A_36 = vector.broadcast %jit3A_35 : i32 to vector<1024x128xi32>
    %select_n3A_37 = arith.select %gt3A_33, %broadcast_in_dim3A_36, %select_n3A_31 : vector<1024x128xi1>, vector<1024x128xi32>
    %slice3A_38 = vector.extract_strided_slice %select_n3A {offsets = [0, 640], sizes = [1024, 128], strides = [1, 1]} : vector<1024x4096xf32> to vector<1024x128xf32>
    %gt3A_39 = arith.cmpf ogt, %slice3A_38, %select_n3A_34 : vector<1024x128xf32>
    %select_n3A_40 = arith.select %gt3A_39, %slice3A_38, %select_n3A_34 : vector<1024x128xi1>, vector<1024x128xf32>
    %jit3A_41 = arith.constant 5 : i32
    %broadcast_in_dim3A_42 = vector.broadcast %jit3A_41 : i32 to vector<1024x128xi32>
    %select_n3A_43 = arith.select %gt3A_39, %broadcast_in_dim3A_42, %select_n3A_37 : vector<1024x128xi1>, vector<1024x128xi32>
    %slice3A_44 = vector.extract_strided_slice %select_n3A {offsets = [0, 768], sizes = [1024, 128], strides = [1, 1]} : vector<1024x4096xf32> to vector<1024x128xf32>
    %gt3A_45 = arith.cmpf ogt, %slice3A_44, %select_n3A_40 : vector<1024x128xf32>
    %select_n3A_46 = arith.select %gt3A_45, %slice3A_44, %select_n3A_40 : vector<1024x128xi1>, vector<1024x128xf32>
    %jit3A_47 = arith.constant 6 : i32
    %broadcast_in_dim3A_48 = vector.broadcast %jit3A_47 : i32 to vector<1024x128xi32>
    %select_n3A_49 = arith.select %gt3A_45, %broadcast_in_dim3A_48, %select_n3A_43 : vector<1024x128xi1>, vector<1024x128xi32>
    %slice3A_50 = vector.extract_strided_slice %select_n3A {offsets = [0, 896], sizes = [1024, 128], strides = [1, 1]} : vector<1024x4096xf32> to vector<1024x128xf32>
    %gt3A_51 = arith.cmpf ogt, %slice3A_50, %select_n3A_46 : vector<1024x128xf32>
    %select_n3A_52 = arith.select %gt3A_51, %slice3A_50, %select_n3A_46 : vector<1024x128xi1>, vector<1024x128xf32>
    %jit3A_53 = arith.constant 7 : i32
    %broadcast_in_dim3A_54 = vector.broadcast %jit3A_53 : i32 to vector<1024x128xi32>
    %select_n3A_55 = arith.select %gt3A_51, %broadcast_in_dim3A_54, %select_n3A_49 : vector<1024x128xi1>, vector<1024x128xi32>
    %slice3A_56 = vector.extract_strided_slice %select_n3A {offsets = [0, 1024], sizes = [1024, 128], strides = [1, 1]} : vector<1024x4096xf32> to vector<1024x128xf32>
    %gt3A_57 = arith.cmpf ogt, %slice3A_56, %select_n3A_52 : vector<1024x128xf32>
    %select_n3A_58 = arith.select %gt3A_57, %slice3A_56, %select_n3A_52 : vector<1024x128xi1>, vector<1024x128xf32>
    %jit3A_59 = arith.constant 8 : i32
    %broadcast_in_dim3A_60 = vector.broadcast %jit3A_59 : i32 to vector<1024x128xi32>
    %select_n3A_61 = arith.select %gt3A_57, %broadcast_in_dim3A_60, %select_n3A_55 : vector<1024x128xi1>, vector<1024x128xi32>
    %slice3A_62 = vector.extract_strided_slice %select_n3A {offsets = [0, 1152], sizes = [1024, 128], strides = [1, 1]} : vector<1024x4096xf32> to vector<1024x128xf32>
    %gt3A_63 = arith.cmpf ogt, %slice3A_62, %select_n3A_58 : vector<1024x128xf32>
    %select_n3A_64 = arith.select %gt3A_63, %slice3A_62, %select_n3A_58 : vector<1024x128xi1>, vector<1024x128xf32>
    %jit3A_65 = arith.constant 9 : i32
    %broadcast_in_dim3A_66 = vector.broadcast %jit3A_65 : i32 to vector<1024x128xi32>
    %select_n3A_67 = arith.select %gt3A_63, %broadcast_in_dim3A_66, %select_n3A_61 : vector<1024x128xi1>, vector<1024x128xi32>
    %slice3A_68 = vector.extract_strided_slice %select_n3A {offsets = [0, 1280], sizes = [1024, 128], strides = [1, 1]} : vector<1024x4096xf32> to vector<1024x128xf32>
    %gt3A_69 = arith.cmpf ogt, %slice3A_68, %select_n3A_64 : vector<1024x128xf32>
    %select_n3A_70 = arith.select %gt3A_69, %slice3A_68, %select_n3A_64 : vector<1024x128xi1>, vector<1024x128xf32>
    %jit3A_71 = arith.constant 10 : i32
    %broadcast_in_dim3A_72 = vector.broadcast %jit3A_71 : i32 to vector<1024x128xi32>
    %select_n3A_73 = arith.select %gt3A_69, %broadcast_in_dim3A_72, %select_n3A_67 : vector<1024x128xi1>, vector<1024x128xi32>
    %slice3A_74 = vector.extract_strided_slice %select_n3A {offsets = [0, 1408], sizes = [1024, 128], strides = [1, 1]} : vector<1024x4096xf32> to vector<1024x128xf32>
    %gt3A_75 = arith.cmpf ogt, %slice3A_74, %select_n3A_70 : vector<1024x128xf32>
    %select_n3A_76 = arith.select %gt3A_75, %slice3A_74, %select_n3A_70 : vector<1024x128xi1>, vector<1024x128xf32>
    %jit3A_77 = arith.constant 11 : i32
    %broadcast_in_dim3A_78 = vector.broadcast %jit3A_77 : i32 to vector<1024x128xi32>
    %select_n3A_79 = arith.select %gt3A_75, %broadcast_in_dim3A_78, %select_n3A_73 : vector<1024x128xi1>, vector<1024x128xi32>
    %slice3A_80 = vector.extract_strided_slice %select_n3A {offsets = [0, 1536], sizes = [1024, 128], strides = [1, 1]} : vector<1024x4096xf32> to vector<1024x128xf32>
    %gt3A_81 = arith.cmpf ogt, %slice3A_80, %select_n3A_76 : vector<1024x128xf32>
    %select_n3A_82 = arith.select %gt3A_81, %slice3A_80, %select_n3A_76 : vector<1024x128xi1>, vector<1024x128xf32>
    %jit3A_83 = arith.constant 12 : i32
    %broadcast_in_dim3A_84 = vector.broadcast %jit3A_83 : i32 to vector<1024x128xi32>
    %select_n3A_85 = arith.select %gt3A_81, %broadcast_in_dim3A_84, %select_n3A_79 : vector<1024x128xi1>, vector<1024x128xi32>
    %slice3A_86 = vector.extract_strided_slice %select_n3A {offsets = [0, 1664], sizes = [1024, 128], strides = [1, 1]} : vector<1024x4096xf32> to vector<1024x128xf32>
    %gt3A_87 = arith.cmpf ogt, %slice3A_86, %select_n3A_82 : vector<1024x128xf32>
    %select_n3A_88 = arith.select %gt3A_87, %slice3A_86, %select_n3A_82 : vector<1024x128xi1>, vector<1024x128xf32>
    %jit3A_89 = arith.constant 13 : i32
    %broadcast_in_dim3A_90 = vector.broadcast %jit3A_89 : i32 to vector<1024x128xi32>
    %select_n3A_91 = arith.select %gt3A_87, %broadcast_in_dim3A_90, %select_n3A_85 : vector<1024x128xi1>, vector<1024x128xi32>
    %slice3A_92 = vector.extract_strided_slice %select_n3A {offsets = [0, 1792], sizes = [1024, 128], strides = [1, 1]} : vector<1024x4096xf32> to vector<1024x128xf32>
    %gt3A_93 = arith.cmpf ogt, %slice3A_92, %select_n3A_88 : vector<1024x128xf32>
    %select_n3A_94 = arith.select %gt3A_93, %slice3A_92, %select_n3A_88 : vector<1024x128xi1>, vector<1024x128xf32>
    %jit3A_95 = arith.constant 14 : i32
    %broadcast_in_dim3A_96 = vector.broadcast %jit3A_95 : i32 to vector<1024x128xi32>
    %select_n3A_97 = arith.select %gt3A_93, %broadcast_in_dim3A_96, %select_n3A_91 : vector<1024x128xi1>, vector<1024x128xi32>
    %slice3A_98 = vector.extract_strided_slice %select_n3A {offsets = [0, 1920], sizes = [1024, 128], strides = [1, 1]} : vector<1024x4096xf32> to vector<1024x128xf32>
    %gt3A_99 = arith.cmpf ogt, %slice3A_98, %select_n3A_94 : vector<1024x128xf32>
    %select_n3A_100 = arith.select %gt3A_99, %slice3A_98, %select_n3A_94 : vector<1024x128xi1>, vector<1024x128xf32>
    %jit3A_101 = arith.constant 15 : i32
    %broadcast_in_dim3A_102 = vector.broadcast %jit3A_101 : i32 to vector<1024x128xi32>
    %select_n3A_103 = arith.select %gt3A_99, %broadcast_in_dim3A_102, %select_n3A_97 : vector<1024x128xi1>, vector<1024x128xi32>
    %slice3A_104 = vector.extract_strided_slice %select_n3A {offsets = [0, 2048], sizes = [1024, 128], strides = [1, 1]} : vector<1024x4096xf32> to vector<1024x128xf32>
    %gt3A_105 = arith.cmpf ogt, %slice3A_104, %select_n3A_100 : vector<1024x128xf32>
    %select_n3A_106 = arith.select %gt3A_105, %slice3A_104, %select_n3A_100 : vector<1024x128xi1>, vector<1024x128xf32>
    %jit3A_107 = arith.constant 16 : i32
    %broadcast_in_dim3A_108 = vector.broadcast %jit3A_107 : i32 to vector<1024x128xi32>
    %select_n3A_109 = arith.select %gt3A_105, %broadcast_in_dim3A_108, %select_n3A_103 : vector<1024x128xi1>, vector<1024x128xi32>
    %slice3A_110 = vector.extract_strided_slice %select_n3A {offsets = [0, 2176], sizes = [1024, 128], strides = [1, 1]} : vector<1024x4096xf32> to vector<1024x128xf32>
    %gt3A_111 = arith.cmpf ogt, %slice3A_110, %select_n3A_106 : vector<1024x128xf32>
    %select_n3A_112 = arith.select %gt3A_111, %slice3A_110, %select_n3A_106 : vector<1024x128xi1>, vector<1024x128xf32>
    %jit3A_113 = arith.constant 17 : i32
    %broadcast_in_dim3A_114 = vector.broadcast %jit3A_113 : i32 to vector<1024x128xi32>
    %select_n3A_115 = arith.select %gt3A_111, %broadcast_in_dim3A_114, %select_n3A_109 : vector<1024x128xi1>, vector<1024x128xi32>
    %slice3A_116 = vector.extract_strided_slice %select_n3A {offsets = [0, 2304], sizes = [1024, 128], strides = [1, 1]} : vector<1024x4096xf32> to vector<1024x128xf32>
    %gt3A_117 = arith.cmpf ogt, %slice3A_116, %select_n3A_112 : vector<1024x128xf32>
    %select_n3A_118 = arith.select %gt3A_117, %slice3A_116, %select_n3A_112 : vector<1024x128xi1>, vector<1024x128xf32>
    %jit3A_119 = arith.constant 18 : i32
    %broadcast_in_dim3A_120 = vector.broadcast %jit3A_119 : i32 to vector<1024x128xi32>
    %select_n3A_121 = arith.select %gt3A_117, %broadcast_in_dim3A_120, %select_n3A_115 : vector<1024x128xi1>, vector<1024x128xi32>
    %slice3A_122 = vector.extract_strided_slice %select_n3A {offsets = [0, 2432], sizes = [1024, 128], strides = [1, 1]} : vector<1024x4096xf32> to vector<1024x128xf32>
    %gt3A_123 = arith.cmpf ogt, %slice3A_122, %select_n3A_118 : vector<1024x128xf32>
    %select_n3A_124 = arith.select %gt3A_123, %slice3A_122, %select_n3A_118 : vector<1024x128xi1>, vector<1024x128xf32>
    %jit3A_125 = arith.constant 19 : i32
    %broadcast_in_dim3A_126 = vector.broadcast %jit3A_125 : i32 to vector<1024x128xi32>
    %select_n3A_127 = arith.select %gt3A_123, %broadcast_in_dim3A_126, %select_n3A_121 : vector<1024x128xi1>, vector<1024x128xi32>
    %slice3A_128 = vector.extract_strided_slice %select_n3A {offsets = [0, 2560], sizes = [1024, 128], strides = [1, 1]} : vector<1024x4096xf32> to vector<1024x128xf32>
    %gt3A_129 = arith.cmpf ogt, %slice3A_128, %select_n3A_124 : vector<1024x128xf32>
    %select_n3A_130 = arith.select %gt3A_129, %slice3A_128, %select_n3A_124 : vector<1024x128xi1>, vector<1024x128xf32>
    %jit3A_131 = arith.constant 20 : i32
    %broadcast_in_dim3A_132 = vector.broadcast %jit3A_131 : i32 to vector<1024x128xi32>
    %select_n3A_133 = arith.select %gt3A_129, %broadcast_in_dim3A_132, %select_n3A_127 : vector<1024x128xi1>, vector<1024x128xi32>
    %slice3A_134 = vector.extract_strided_slice %select_n3A {offsets = [0, 2688], sizes = [1024, 128], strides = [1, 1]} : vector<1024x4096xf32> to vector<1024x128xf32>
    %gt3A_135 = arith.cmpf ogt, %slice3A_134, %select_n3A_130 : vector<1024x128xf32>
    %select_n3A_136 = arith.select %gt3A_135, %slice3A_134, %select_n3A_130 : vector<1024x128xi1>, vector<1024x128xf32>
    %jit3A_137 = arith.constant 21 : i32
    %broadcast_in_dim3A_138 = vector.broadcast %jit3A_137 : i32 to vector<1024x128xi32>
    %select_n3A_139 = arith.select %gt3A_135, %broadcast_in_dim3A_138, %select_n3A_133 : vector<1024x128xi1>, vector<1024x128xi32>
    %slice3A_140 = vector.extract_strided_slice %select_n3A {offsets = [0, 2816], sizes = [1024, 128], strides = [1, 1]} : vector<1024x4096xf32> to vector<1024x128xf32>
    %gt3A_141 = arith.cmpf ogt, %slice3A_140, %select_n3A_136 : vector<1024x128xf32>
    %select_n3A_142 = arith.select %gt3A_141, %slice3A_140, %select_n3A_136 : vector<1024x128xi1>, vector<1024x128xf32>
    %jit3A_143 = arith.constant 22 : i32
    %broadcast_in_dim3A_144 = vector.broadcast %jit3A_143 : i32 to vector<1024x128xi32>
    %select_n3A_145 = arith.select %gt3A_141, %broadcast_in_dim3A_144, %select_n3A_139 : vector<1024x128xi1>, vector<1024x128xi32>
    %slice3A_146 = vector.extract_strided_slice %select_n3A {offsets = [0, 2944], sizes = [1024, 128], strides = [1, 1]} : vector<1024x4096xf32> to vector<1024x128xf32>
    %gt3A_147 = arith.cmpf ogt, %slice3A_146, %select_n3A_142 : vector<1024x128xf32>
    %select_n3A_148 = arith.select %gt3A_147, %slice3A_146, %select_n3A_142 : vector<1024x128xi1>, vector<1024x128xf32>
    %jit3A_149 = arith.constant 23 : i32
    %broadcast_in_dim3A_150 = vector.broadcast %jit3A_149 : i32 to vector<1024x128xi32>
    %select_n3A_151 = arith.select %gt3A_147, %broadcast_in_dim3A_150, %select_n3A_145 : vector<1024x128xi1>, vector<1024x128xi32>
    %slice3A_152 = vector.extract_strided_slice %select_n3A {offsets = [0, 3072], sizes = [1024, 128], strides = [1, 1]} : vector<1024x4096xf32> to vector<1024x128xf32>
    %gt3A_153 = arith.cmpf ogt, %slice3A_152, %select_n3A_148 : vector<1024x128xf32>
    %select_n3A_154 = arith.select %gt3A_153, %slice3A_152, %select_n3A_148 : vector<1024x128xi1>, vector<1024x128xf32>
    %jit3A_155 = arith.constant 24 : i32
    %broadcast_in_dim3A_156 = vector.broadcast %jit3A_155 : i32 to vector<1024x128xi32>
    %select_n3A_157 = arith.select %gt3A_153, %broadcast_in_dim3A_156, %select_n3A_151 : vector<1024x128xi1>, vector<1024x128xi32>
    %slice3A_158 = vector.extract_strided_slice %select_n3A {offsets = [0, 3200], sizes = [1024, 128], strides = [1, 1]} : vector<1024x4096xf32> to vector<1024x128xf32>
    %gt3A_159 = arith.cmpf ogt, %slice3A_158, %select_n3A_154 : vector<1024x128xf32>
    %select_n3A_160 = arith.select %gt3A_159, %slice3A_158, %select_n3A_154 : vector<1024x128xi1>, vector<1024x128xf32>
    %jit3A_161 = arith.constant 25 : i32
    %broadcast_in_dim3A_162 = vector.broadcast %jit3A_161 : i32 to vector<1024x128xi32>
    %select_n3A_163 = arith.select %gt3A_159, %broadcast_in_dim3A_162, %select_n3A_157 : vector<1024x128xi1>, vector<1024x128xi32>
    %slice3A_164 = vector.extract_strided_slice %select_n3A {offsets = [0, 3328], sizes = [1024, 128], strides = [1, 1]} : vector<1024x4096xf32> to vector<1024x128xf32>
    %gt3A_165 = arith.cmpf ogt, %slice3A_164, %select_n3A_160 : vector<1024x128xf32>
    %select_n3A_166 = arith.select %gt3A_165, %slice3A_164, %select_n3A_160 : vector<1024x128xi1>, vector<1024x128xf32>
    %jit3A_167 = arith.constant 26 : i32
    %broadcast_in_dim3A_168 = vector.broadcast %jit3A_167 : i32 to vector<1024x128xi32>
    %select_n3A_169 = arith.select %gt3A_165, %broadcast_in_dim3A_168, %select_n3A_163 : vector<1024x128xi1>, vector<1024x128xi32>
    %slice3A_170 = vector.extract_strided_slice %select_n3A {offsets = [0, 3456], sizes = [1024, 128], strides = [1, 1]} : vector<1024x4096xf32> to vector<1024x128xf32>
    %gt3A_171 = arith.cmpf ogt, %slice3A_170, %select_n3A_166 : vector<1024x128xf32>
    %select_n3A_172 = arith.select %gt3A_171, %slice3A_170, %select_n3A_166 : vector<1024x128xi1>, vector<1024x128xf32>
    %jit3A_173 = arith.constant 27 : i32
    %broadcast_in_dim3A_174 = vector.broadcast %jit3A_173 : i32 to vector<1024x128xi32>
    %select_n3A_175 = arith.select %gt3A_171, %broadcast_in_dim3A_174, %select_n3A_169 : vector<1024x128xi1>, vector<1024x128xi32>
    %slice3A_176 = vector.extract_strided_slice %select_n3A {offsets = [0, 3584], sizes = [1024, 128], strides = [1, 1]} : vector<1024x4096xf32> to vector<1024x128xf32>
    %gt3A_177 = arith.cmpf ogt, %slice3A_176, %select_n3A_172 : vector<1024x128xf32>
    %select_n3A_178 = arith.select %gt3A_177, %slice3A_176, %select_n3A_172 : vector<1024x128xi1>, vector<1024x128xf32>
    %jit3A_179 = arith.constant 28 : i32
    %broadcast_in_dim3A_180 = vector.broadcast %jit3A_179 : i32 to vector<1024x128xi32>
    %select_n3A_181 = arith.select %gt3A_177, %broadcast_in_dim3A_180, %select_n3A_175 : vector<1024x128xi1>, vector<1024x128xi32>
    %slice3A_182 = vector.extract_strided_slice %select_n3A {offsets = [0, 3712], sizes = [1024, 128], strides = [1, 1]} : vector<1024x4096xf32> to vector<1024x128xf32>
    %gt3A_183 = arith.cmpf ogt, %slice3A_182, %select_n3A_178 : vector<1024x128xf32>
    %select_n3A_184 = arith.select %gt3A_183, %slice3A_182, %select_n3A_178 : vector<1024x128xi1>, vector<1024x128xf32>
    %jit3A_185 = arith.constant 29 : i32
    %broadcast_in_dim3A_186 = vector.broadcast %jit3A_185 : i32 to vector<1024x128xi32>
    %select_n3A_187 = arith.select %gt3A_183, %broadcast_in_dim3A_186, %select_n3A_181 : vector<1024x128xi1>, vector<1024x128xi32>
    %slice3A_188 = vector.extract_strided_slice %select_n3A {offsets = [0, 3840], sizes = [1024, 128], strides = [1, 1]} : vector<1024x4096xf32> to vector<1024x128xf32>
    %gt3A_189 = arith.cmpf ogt, %slice3A_188, %select_n3A_184 : vector<1024x128xf32>
    %select_n3A_190 = arith.select %gt3A_189, %slice3A_188, %select_n3A_184 : vector<1024x128xi1>, vector<1024x128xf32>
    %jit3A_191 = arith.constant 30 : i32
    %broadcast_in_dim3A_192 = vector.broadcast %jit3A_191 : i32 to vector<1024x128xi32>
    %select_n3A_193 = arith.select %gt3A_189, %broadcast_in_dim3A_192, %select_n3A_187 : vector<1024x128xi1>, vector<1024x128xi32>
    %slice3A_194 = vector.extract_strided_slice %select_n3A {offsets = [0, 3968], sizes = [1024, 128], strides = [1, 1]} : vector<1024x4096xf32> to vector<1024x128xf32>
    %gt3A_195 = arith.cmpf ogt, %slice3A_194, %select_n3A_190 : vector<1024x128xf32>
    %select_n3A_196 = arith.select %gt3A_195, %slice3A_194, %select_n3A_190 : vector<1024x128xi1>, vector<1024x128xf32>
    %jit3A_197 = arith.constant 31 : i32
    %broadcast_in_dim3A_198 = vector.broadcast %jit3A_197 : i32 to vector<1024x128xi32>
    %select_n3A_199 = arith.select %gt3A_195, %broadcast_in_dim3A_198, %select_n3A_193 : vector<1024x128xi1>, vector<1024x128xi32>
    %swap3A = arith.constant 0 : index
    %swap3A_200 = arith.constant 0 : index
    %swap3A_201 = vector.load %arg6[%swap3A, %swap3A_200] : memref<1024x4096xf32, #tpu.memory_space<vmem>>, vector<1024x4096xf32>
    tpu.vector_store %arg6[%swap3A, %swap3A_200], %select_n3A {strides = array<i32>} : memref<1024x4096xf32, #tpu.memory_space<vmem>>, vector<1024x4096xf32>,
    %get3A_202 = arith.constant 0 : index
    %get3A_203 = arith.constant 0 : index
    %get3A_204 = vector.load %arg9[%get3A_202, %get3A_203] : memref<1024x1xf32, #tpu.memory_space<vmem>>, vector<1024x1xf32>
    %ge3A = vector.broadcast %get3A_204 : vector<1024x1xf32> to vector<1024x128xf32>
    %ge3A_205 = arith.cmpf oge, %select_n3A_196, %ge3A : vector<1024x128xf32>
    %reduce_or3A = arith.constant 1.000000e+00 : f32
    %reduce_or3A_206 = arith.constant 0.000000e+00 : f32
    %reduce_or3A_207 = vector.broadcast %reduce_or3A : f32 to vector<1024x128xf32>
    %reduce_or3A_208 = vector.broadcast %reduce_or3A_206 : f32 to vector<1024x128xf32>
    %reduce_or3A_209 = arith.select %ge3A_205, %reduce_or3A_207, %reduce_or3A_208 : vector<1024x128xi1>, vector<1024x128xf32>
    %reduce_or3A_210 = vector.shape_cast %reduce_or3A_209 : vector<1024x128xf32> to vector<1x1024x128xf32>
    %reduce_or3A_211 = arith.constant dense<0xFF800000> : vector<1xf32>
    %reduce_or3A_212 = vector.multi_reduction <maximumf>, %reduce_or3A_210, %reduce_or3A_211 [1, 2] : vector<1x1024x128xf32> to vector<1xf32>
    %reduce_or3A_213 = vector.shape_cast %reduce_or3A_212 : vector<1xf32> to vector<1x1x1xf32>
    %reduce_or3A_214 = vector.extract %reduce_or3A_213[0, 0, 0] : f32 from vector<1x1x1xf32>
    %reduce_or3A_215 = arith.constant 0.000000e+00 : f32
    %reduce_or3A_216 = arith.cmpf ogt, %reduce_or3A_214, %reduce_or3A_215 : f32
    %while3A:3 = scf.while (%while3A_222 = %select_n3A_196, %while3A_223 = %select_n3A_199, %while3A_224 = %reduce_or3A_216) : (vector<1024x128xf32>, vector<1024x128xi32>, i1) -> (vector<1024x128xf32>, vector<1024x128xi32>, i1) {
      scf.condition(%while3A_224) %while3A_222, %while3A_223, %while3A_224 : vector<1024x128xf32>, vector<1024x128xi32>, i1
    } do {
    ^bb0(%while3A_222: vector<1024x128xf32>, %while3A_223: vector<1024x128xi32>, %while3A_224: i1):
      %mul3A_225 = arith.constant 4096 : i32
      %mul3A_226 = arith.muli %arg1, %mul3A_225 : i32
      %mul3A_227 = arith.constant 128 : i32
      %mul3A_228 = vector.broadcast %mul3A_227 : i32 to vector<1024x128xi32>
      %mul3A_229 = arith.muli %while3A_223, %mul3A_228 : vector<1024x128xi32>
      %add3A_230 = vector.broadcast %mul3A_226 : i32 to vector<1024x128xi32>
      %add3A_231 = arith.addi %add3A_230, %mul3A_229 : vector<1024x128xi32>
      %add3A_232 = arith.addi %add3A_231, %iota3A_12 : vector<1024x128xi32>
      %slice3A_233 = vector.extract_strided_slice %while3A_222 {offsets = [0, 0], sizes = [1024, 64], strides = [1, 1]} : vector<1024x128xf32> to vector<1024x64xf32>
      %slice3A_234 = vector.extract_strided_slice %while3A_222 {offsets = [0, 64], sizes = [1024, 64], strides = [1, 1]} : vector<1024x128xf32> to vector<1024x64xf32>
      %slice3A_235 = vector.extract_strided_slice %add3A_232 {offsets = [0, 0], sizes = [1024, 64], strides = [1, 1]} : vector<1024x128xi32> to vector<1024x64xi32>
      %slice3A_236 = vector.extract_strided_slice %add3A_232 {offsets = [0, 64], sizes = [1024, 64], strides = [1, 1]} : vector<1024x128xi32> to vector<1024x64xi32>
      %gt3A_237 = arith.cmpf ogt, %slice3A_234, %slice3A_233 : vector<1024x64xf32>
      %eq3A_238 = arith.cmpf oeq, %slice3A_234, %slice3A_233 : vector<1024x64xf32>
      %lt3A_239 = arith.cmpi slt, %slice3A_236, %slice3A_235 : vector<1024x64xi32>
      %and3A = arith.andi %eq3A_238, %lt3A_239 : vector<1024x64xi1>
      %or3A = arith.ori %gt3A_237, %and3A : vector<1024x64xi1>
      %select_n3A_240 = arith.select %or3A, %slice3A_234, %slice3A_233 : vector<1024x64xi1>, vector<1024x64xf32>
      %select_n3A_241 = arith.select %or3A, %slice3A_236, %slice3A_235 : vector<1024x64xi1>, vector<1024x64xi32>
      %slice3A_242 = vector.extract_strided_slice %select_n3A_240 {offsets = [0, 0], sizes = [1024, 32], strides = [1, 1]} : vector<1024x64xf32> to vector<1024x32xf32>
      %slice3A_243 = vector.extract_strided_slice %select_n3A_240 {offsets = [0, 32], sizes = [1024, 32], strides = [1, 1]} : vector<1024x64xf32> to vector<1024x32xf32>
      %slice3A_244 = vector.extract_strided_slice %select_n3A_241 {offsets = [0, 0], sizes = [1024, 32], strides = [1, 1]} : vector<1024x64xi32> to vector<1024x32xi32>
      %slice3A_245 = vector.extract_strided_slice %select_n3A_241 {offsets = [0, 32], sizes = [1024, 32], strides = [1, 1]} : vector<1024x64xi32> to vector<1024x32xi32>
      %gt3A_246 = arith.cmpf ogt, %slice3A_243, %slice3A_242 : vector<1024x32xf32>
      %eq3A_247 = arith.cmpf oeq, %slice3A_243, %slice3A_242 : vector<1024x32xf32>
      %lt3A_248 = arith.cmpi slt, %slice3A_245, %slice3A_244 : vector<1024x32xi32>
      %and3A_249 = arith.andi %eq3A_247, %lt3A_248 : vector<1024x32xi1>
      %or3A_250 = arith.ori %gt3A_246, %and3A_249 : vector<1024x32xi1>
      %select_n3A_251 = arith.select %or3A_250, %slice3A_243, %slice3A_242 : vector<1024x32xi1>, vector<1024x32xf32>
      %select_n3A_252 = arith.select %or3A_250, %slice3A_245, %slice3A_244 : vector<1024x32xi1>, vector<1024x32xi32>
      %slice3A_253 = vector.extract_strided_slice %select_n3A_251 {offsets = [0, 0], sizes = [1024, 16], strides = [1, 1]} : vector<1024x32xf32> to vector<1024x16xf32>
      %slice3A_254 = vector.extract_strided_slice %select_n3A_251 {offsets = [0, 16], sizes = [1024, 16], strides = [1, 1]} : vector<1024x32xf32> to vector<1024x16xf32>
      %slice3A_255 = vector.extract_strided_slice %select_n3A_252 {offsets = [0, 0], sizes = [1024, 16], strides = [1, 1]} : vector<1024x32xi32> to vector<1024x16xi32>
      %slice3A_256 = vector.extract_strided_slice %select_n3A_252 {offsets = [0, 16], sizes = [1024, 16], strides = [1, 1]} : vector<1024x32xi32> to vector<1024x16xi32>
      %gt3A_257 = arith.cmpf ogt, %slice3A_254, %slice3A_253 : vector<1024x16xf32>
      %eq3A_258 = arith.cmpf oeq, %slice3A_254, %slice3A_253 : vector<1024x16xf32>
      %lt3A_259 = arith.cmpi slt, %slice3A_256, %slice3A_255 : vector<1024x16xi32>
      %and3A_260 = arith.andi %eq3A_258, %lt3A_259 : vector<1024x16xi1>
      %or3A_261 = arith.ori %gt3A_257, %and3A_260 : vector<1024x16xi1>
      %select_n3A_262 = arith.select %or3A_261, %slice3A_254, %slice3A_253 : vector<1024x16xi1>, vector<1024x16xf32>
      %select_n3A_263 = arith.select %or3A_261, %slice3A_256, %slice3A_255 : vector<1024x16xi1>, vector<1024x16xi32>
      %concatenate3A = tpu.concatenate %select_n3A_263, %select_n3A_263 in 1 : vector<1024x16xi32>, vector<1024x16xi32> -> vector<1024x32xi32>
      %concatenate3A_264 = tpu.concatenate %concatenate3A, %concatenate3A in 1 : vector<1024x32xi32>, vector<1024x32xi32> -> vector<1024x64xi32>
      %concatenate3A_265 = tpu.concatenate %concatenate3A_264, %concatenate3A_264 in 1 : vector<1024x64xi32>, vector<1024x64xi32> -> vector<1024x128xi32>
      %broadcast_in_dim3A_266 = arith.constant 0xFF800000 : f32
      %broadcast_in_dim3A_267 = vector.broadcast %broadcast_in_dim3A_266 : f32 to vector<1024x128xf32>
      %broadcast_in_dim3A_268 = arith.constant 0 : i32
      %broadcast_in_dim3A_269 = vector.broadcast %broadcast_in_dim3A_268 : i32 to vector<1024x128xi32>
      %get3A_270 = arith.constant 0 : index
      %get3A_271 = arith.constant 0 : index
      %get3A_272 = vector.load %arg6[%get3A_270, %get3A_271] : memref<1024x4096xf32, #tpu.memory_space<vmem>>, vector<1024x128xf32>
      %eq3A_273 = arith.constant 0 : i32
      %eq3A_274 = vector.broadcast %eq3A_273 : i32 to vector<1024x128xi32>
      %eq3A_275 = arith.cmpi eq, %while3A_223, %eq3A_274 : vector<1024x128xi32>
      %eq3A_276 = arith.cmpi eq, %add3A_232, %concatenate3A_265 : vector<1024x128xi32>
      %and3A_277 = arith.andi %eq3A_275, %eq3A_276 : vector<1024x128xi1>
      %jit3A_278 = arith.constant 0xFF800000 : f32
      %broadcast_in_dim3A_279 = vector.broadcast %jit3A_278 : f32 to vector<1024x128xf32>
      %select_n3A_280 = arith.select %and3A_277, %broadcast_in_dim3A_279, %get3A_272 : vector<1024x128xi1>, vector<1024x128xf32>
      %swap3A_281 = arith.constant 0 : index
      %swap3A_282 = arith.constant 0 : index
      %swap3A_283 = vector.load %arg6[%swap3A_281, %swap3A_282] : memref<1024x4096xf32, #tpu.memory_space<vmem>>, vector<1024x128xf32>
      tpu.vector_store %arg6[%swap3A_281, %swap3A_282], %select_n3A_280 {strides = array<i32>} : memref<1024x4096xf32, #tpu.memory_space<vmem>>, vector<1024x128xf32>,
      %gt3A_284 = arith.cmpf ogt, %select_n3A_280, %broadcast_in_dim3A_267 : vector<1024x128xf32>
      %select_n3A_285 = arith.select %gt3A_284, %select_n3A_280, %broadcast_in_dim3A_267 : vector<1024x128xi1>, vector<1024x128xf32>
      %jit3A_286 = arith.constant 0 : i32
      %broadcast_in_dim3A_287 = vector.broadcast %jit3A_286 : i32 to vector<1024x128xi32>
      %select_n3A_288 = arith.select %gt3A_284, %broadcast_in_dim3A_287, %broadcast_in_dim3A_269 : vector<1024x128xi1>, vector<1024x128xi32>
      %get3A_289 = arith.constant 0 : index
      %get3A_290 = arith.constant 128 : index
      %get3A_291 = vector.load %arg6[%get3A_289, %get3A_290] : memref<1024x4096xf32, #tpu.memory_space<vmem>>, vector<1024x128xf32>
      %eq3A_292 = arith.constant 1 : i32
      %eq3A_293 = vector.broadcast %eq3A_292 : i32 to vector<1024x128xi32>
      %eq3A_294 = arith.cmpi eq, %while3A_223, %eq3A_293 : vector<1024x128xi32>
      %eq3A_295 = arith.cmpi eq, %add3A_232, %concatenate3A_265 : vector<1024x128xi32>
      %and3A_296 = arith.andi %eq3A_294, %eq3A_295 : vector<1024x128xi1>
      %jit3A_297 = arith.constant 0xFF800000 : f32
      %broadcast_in_dim3A_298 = vector.broadcast %jit3A_297 : f32 to vector<1024x128xf32>
      %select_n3A_299 = arith.select %and3A_296, %broadcast_in_dim3A_298, %get3A_291 : vector<1024x128xi1>, vector<1024x128xf32>
      %swap3A_300 = arith.constant 0 : index
      %swap3A_301 = arith.constant 128 : index
      %swap3A_302 = vector.load %arg6[%swap3A_300, %swap3A_301] : memref<1024x4096xf32, #tpu.memory_space<vmem>>, vector<1024x128xf32>
      tpu.vector_store %arg6[%swap3A_300, %swap3A_301], %select_n3A_299 {strides = array<i32>} : memref<1024x4096xf32, #tpu.memory_space<vmem>>, vector<1024x128xf32>,
      %gt3A_303 = arith.cmpf ogt, %select_n3A_299, %select_n3A_285 : vector<1024x128xf32>
      %select_n3A_304 = arith.select %gt3A_303, %select_n3A_299, %select_n3A_285 : vector<1024x128xi1>, vector<1024x128xf32>
      %jit3A_305 = arith.constant 1 : i32
      %broadcast_in_dim3A_306 = vector.broadcast %jit3A_305 : i32 to vector<1024x128xi32>
      %select_n3A_307 = arith.select %gt3A_303, %broadcast_in_dim3A_306, %select_n3A_288 : vector<1024x128xi1>, vector<1024x128xi32>
      %get3A_308 = arith.constant 0 : index
      %get3A_309 = arith.constant 256 : index
      %get3A_310 = vector.load %arg6[%get3A_308, %get3A_309] : memref<1024x4096xf32, #tpu.memory_space<vmem>>, vector<1024x128xf32>
      %eq3A_311 = arith.constant 2 : i32
      %eq3A_312 = vector.broadcast %eq3A_311 : i32 to vector<1024x128xi32>
      %eq3A_313 = arith.cmpi eq, %while3A_223, %eq3A_312 : vector<1024x128xi32>
      %eq3A_314 = arith.cmpi eq, %add3A_232, %concatenate3A_265 : vector<1024x128xi32>
      %and3A_315 = arith.andi %eq3A_313, %eq3A_314 : vector<1024x128xi1>
      %jit3A_316 = arith.constant 0xFF800000 : f32
      %broadcast_in_dim3A_317 = vector.broadcast %jit3A_316 : f32 to vector<1024x128xf32>
      %select_n3A_318 = arith.select %and3A_315, %broadcast_in_dim3A_317, %get3A_310 : vector<1024x128xi1>, vector<1024x128xf32>
      %swap3A_319 = arith.constant 0 : index
      %swap3A_320 = arith.constant 256 : index
      %swap3A_321 = vector.load %arg6[%swap3A_319, %swap3A_320] : memref<1024x4096xf32, #tpu.memory_space<vmem>>, vector<1024x128xf32>
      tpu.vector_store %arg6[%swap3A_319, %swap3A_320], %select_n3A_318 {strides = array<i32>} : memref<1024x4096xf32, #tpu.memory_space<vmem>>, vector<1024x128xf32>,
      %gt3A_322 = arith.cmpf ogt, %select_n3A_318, %select_n3A_304 : vector<1024x128xf32>
      %select_n3A_323 = arith.select %gt3A_322, %select_n3A_318, %select_n3A_304 : vector<1024x128xi1>, vector<1024x128xf32>
      %jit3A_324 = arith.constant 2 : i32
      %broadcast_in_dim3A_325 = vector.broadcast %jit3A_324 : i32 to vector<1024x128xi32>
      %select_n3A_326 = arith.select %gt3A_322, %broadcast_in_dim3A_325, %select_n3A_307 : vector<1024x128xi1>, vector<1024x128xi32>
      %get3A_327 = arith.constant 0 : index
      %get3A_328 = arith.constant 384 : index
      %get3A_329 = vector.load %arg6[%get3A_327, %get3A_328] : memref<1024x4096xf32, #tpu.memory_space<vmem>>, vector<1024x128xf32>
      %eq3A_330 = arith.constant 3 : i32
      %eq3A_331 = vector.broadcast %eq3A_330 : i32 to vector<1024x128xi32>
      %eq3A_332 = arith.cmpi eq, %while3A_223, %eq3A_331 : vector<1024x128xi32>
      %eq3A_333 = arith.cmpi eq, %add3A_232, %concatenate3A_265 : vector<1024x128xi32>
      %and3A_334 = arith.andi %eq3A_332, %eq3A_333 : vector<1024x128xi1>
      %jit3A_335 = arith.constant 0xFF800000 : f32
      %broadcast_in_dim3A_336 = vector.broadcast %jit3A_335 : f32 to vector<1024x128xf32>
      %select_n3A_337 = arith.select %and3A_334, %broadcast_in_dim3A_336, %get3A_329 : vector<1024x128xi1>, vector<1024x128xf32>
      %swap3A_338 = arith.constant 0 : index
      %swap3A_339 = arith.constant 384 : index
      %swap3A_340 = vector.load %arg6[%swap3A_338, %swap3A_339] : memref<1024x4096xf32, #tpu.memory_space<vmem>>, vector<1024x128xf32>
      tpu.vector_store %arg6[%swap3A_338, %swap3A_339], %select_n3A_337 {strides = array<i32>} : memref<1024x4096xf32, #tpu.memory_space<vmem>>, vector<1024x128xf32>,
      %gt3A_341 = arith.cmpf ogt, %select_n3A_337, %select_n3A_323 : vector<1024x128xf32>
      %select_n3A_342 = arith.select %gt3A_341, %select_n3A_337, %select_n3A_323 : vector<1024x128xi1>, vector<1024x128xf32>
      %jit3A_343 = arith.constant 3 : i32
      %broadcast_in_dim3A_344 = vector.broadcast %jit3A_343 : i32 to vector<1024x128xi32>
      %select_n3A_345 = arith.select %gt3A_341, %broadcast_in_dim3A_344, %select_n3A_326 : vector<1024x128xi1>, vector<1024x128xi32>
      %get3A_346 = arith.constant 0 : index
      %get3A_347 = arith.constant 512 : index
      %get3A_348 = vector.load %arg6[%get3A_346, %get3A_347] : memref<1024x4096xf32, #tpu.memory_space<vmem>>, vector<1024x128xf32>
      %eq3A_349 = arith.constant 4 : i32
      %eq3A_350 = vector.broadcast %eq3A_349 : i32 to vector<1024x128xi32>
      %eq3A_351 = arith.cmpi eq, %while3A_223, %eq3A_350 : vector<1024x128xi32>
      %eq3A_352 = arith.cmpi eq, %add3A_232, %concatenate3A_265 : vector<1024x128xi32>
      %and3A_353 = arith.andi %eq3A_351, %eq3A_352 : vector<1024x128xi1>
      %jit3A_354 = arith.constant 0xFF800000 : f32
      %broadcast_in_dim3A_355 = vector.broadcast %jit3A_354 : f32 to vector<1024x128xf32>
      %select_n3A_356 = arith.select %and3A_353, %broadcast_in_dim3A_355, %get3A_348 : vector<1024x128xi1>, vector<1024x128xf32>
      %swap3A_357 = arith.constant 0 : index
      %swap3A_358 = arith.constant 512 : index
      %swap3A_359 = vector.load %arg6[%swap3A_357, %swap3A_358] : memref<1024x4096xf32, #tpu.memory_space<vmem>>, vector<1024x128xf32>
      tpu.vector_store %arg6[%swap3A_357, %swap3A_358], %select_n3A_356 {strides = array<i32>} : memref<1024x4096xf32, #tpu.memory_space<vmem>>, vector<1024x128xf32>,
      %gt3A_360 = arith.cmpf ogt, %select_n3A_356, %select_n3A_342 : vector<1024x128xf32>
      %select_n3A_361 = arith.select %gt3A_360, %select_n3A_356, %select_n3A_342 : vector<1024x128xi1>, vector<1024x128xf32>
      %jit3A_362 = arith.constant 4 : i32
      %broadcast_in_dim3A_363 = vector.broadcast %jit3A_362 : i32 to vector<1024x128xi32>
      %select_n3A_364 = arith.select %gt3A_360, %broadcast_in_dim3A_363, %select_n3A_345 : vector<1024x128xi1>, vector<1024x128xi32>
      %get3A_365 = arith.constant 0 : index
      %get3A_366 = arith.constant 640 : index
      %get3A_367 = vector.load %arg6[%get3A_365, %get3A_366] : memref<1024x4096xf32, #tpu.memory_space<vmem>>, vector<1024x128xf32>
      %eq3A_368 = arith.constant 5 : i32
      %eq3A_369 = vector.broadcast %eq3A_368 : i32 to vector<1024x128xi32>
      %eq3A_370 = arith.cmpi eq, %while3A_223, %eq3A_369 : vector<1024x128xi32>
      %eq3A_371 = arith.cmpi eq, %add3A_232, %concatenate3A_265 : vector<1024x128xi32>
      %and3A_372 = arith.andi %eq3A_370, %eq3A_371 : vector<1024x128xi1>
      %jit3A_373 = arith.constant 0xFF800000 : f32
      %broadcast_in_dim3A_374 = vector.broadcast %jit3A_373 : f32 to vector<1024x128xf32>
      %select_n3A_375 = arith.select %and3A_372, %broadcast_in_dim3A_374, %get3A_367 : vector<1024x128xi1>, vector<1024x128xf32>
      %swap3A_376 = arith.constant 0 : index
      %swap3A_377 = arith.constant 640 : index
      %swap3A_378 = vector.load %arg6[%swap3A_376, %swap3A_377] : memref<1024x4096xf32, #tpu.memory_space<vmem>>, vector<1024x128xf32>
      tpu.vector_store %arg6[%swap3A_376, %swap3A_377], %select_n3A_375 {strides = array<i32>} : memref<1024x4096xf32, #tpu.memory_space<vmem>>, vector<1024x128xf32>,
      %gt3A_379 = arith.cmpf ogt, %select_n3A_375, %select_n3A_361 : vector<1024x128xf32>
      %select_n3A_380 = arith.select %gt3A_379, %select_n3A_375, %select_n3A_361 : vector<1024x128xi1>, vector<1024x128xf32>
      %jit3A_381 = arith.constant 5 : i32
      %broadcast_in_dim3A_382 = vector.broadcast %jit3A_381 : i32 to vector<1024x128xi32>
      %select_n3A_383 = arith.select %gt3A_379, %broadcast_in_dim3A_382, %select_n3A_364 : vector<1024x128xi1>, vector<1024x128xi32>
      %get3A_384 = arith.constant 0 : index
      %get3A_385 = arith.constant 768 : index
      %get3A_386 = vector.load %arg6[%get3A_384, %get3A_385] : memref<1024x4096xf32, #tpu.memory_space<vmem>>, vector<1024x128xf32>
      %eq3A_387 = arith.constant 6 : i32
      %eq3A_388 = vector.broadcast %eq3A_387 : i32 to vector<1024x128xi32>
      %eq3A_389 = arith.cmpi eq, %while3A_223, %eq3A_388 : vector<1024x128xi32>
      %eq3A_390 = arith.cmpi eq, %add3A_232, %concatenate3A_265 : vector<1024x128xi32>
      %and3A_391 = arith.andi %eq3A_389, %eq3A_390 : vector<1024x128xi1>
      %jit3A_392 = arith.constant 0xFF800000 : f32
      %broadcast_in_dim3A_393 = vector.broadcast %jit3A_392 : f32 to vector<1024x128xf32>
      %select_n3A_394 = arith.select %and3A_391, %broadcast_in_dim3A_393, %get3A_386 : vector<1024x128xi1>, vector<1024x128xf32>
      %swap3A_395 = arith.constant 0 : index
      %swap3A_396 = arith.constant 768 : index
      %swap3A_397 = vector.load %arg6[%swap3A_395, %swap3A_396] : memref<1024x4096xf32, #tpu.memory_space<vmem>>, vector<1024x128xf32>
      tpu.vector_store %arg6[%swap3A_395, %swap3A_396], %select_n3A_394 {strides = array<i32>} : memref<1024x4096xf32, #tpu.memory_space<vmem>>, vector<1024x128xf32>,
      %gt3A_398 = arith.cmpf ogt, %select_n3A_394, %select_n3A_380 : vector<1024x128xf32>
      %select_n3A_399 = arith.select %gt3A_398, %select_n3A_394, %select_n3A_380 : vector<1024x128xi1>, vector<1024x128xf32>
      %jit3A_400 = arith.constant 6 : i32
      %broadcast_in_dim3A_401 = vector.broadcast %jit3A_400 : i32 to vector<1024x128xi32>
      %select_n3A_402 = arith.select %gt3A_398, %broadcast_in_dim3A_401, %select_n3A_383 : vector<1024x128xi1>, vector<1024x128xi32>
      %get3A_403 = arith.constant 0 : index
      %get3A_404 = arith.constant 896 : index
      %get3A_405 = vector.load %arg6[%get3A_403, %get3A_404] : memref<1024x4096xf32, #tpu.memory_space<vmem>>, vector<1024x128xf32>
      %eq3A_406 = arith.constant 7 : i32
      %eq3A_407 = vector.broadcast %eq3A_406 : i32 to vector<1024x128xi32>
      %eq3A_408 = arith.cmpi eq, %while3A_223, %eq3A_407 : vector<1024x128xi32>
      %eq3A_409 = arith.cmpi eq, %add3A_232, %concatenate3A_265 : vector<1024x128xi32>
      %and3A_410 = arith.andi %eq3A_408, %eq3A_409 : vector<1024x128xi1>
      %jit3A_411 = arith.constant 0xFF800000 : f32
      %broadcast_in_dim3A_412 = vector.broadcast %jit3A_411 : f32 to vector<1024x128xf32>
      %select_n3A_413 = arith.select %and3A_410, %broadcast_in_dim3A_412, %get3A_405 : vector<1024x128xi1>, vector<1024x128xf32>
      %swap3A_414 = arith.constant 0 : index
      %swap3A_415 = arith.constant 896 : index
      %swap3A_416 = vector.load %arg6[%swap3A_414, %swap3A_415] : memref<1024x4096xf32, #tpu.memory_space<vmem>>, vector<1024x128xf32>
      tpu.vector_store %arg6[%swap3A_414, %swap3A_415], %select_n3A_413 {strides = array<i32>} : memref<1024x4096xf32, #tpu.memory_space<vmem>>, vector<1024x128xf32>,
      %gt3A_417 = arith.cmpf ogt, %select_n3A_413, %select_n3A_399 : vector<1024x128xf32>
      %select_n3A_418 = arith.select %gt3A_417, %select_n3A_413, %select_n3A_399 : vector<1024x128xi1>, vector<1024x128xf32>
      %jit3A_419 = arith.constant 7 : i32
      %broadcast_in_dim3A_420 = vector.broadcast %jit3A_419 : i32 to vector<1024x128xi32>
      %select_n3A_421 = arith.select %gt3A_417, %broadcast_in_dim3A_420, %select_n3A_402 : vector<1024x128xi1>, vector<1024x128xi32>
      %get3A_422 = arith.constant 0 : index
      %get3A_423 = arith.constant 1024 : index
      %get3A_424 = vector.load %arg6[%get3A_422, %get3A_423] : memref<1024x4096xf32, #tpu.memory_space<vmem>>, vector<1024x128xf32>
      %eq3A_425 = arith.constant 8 : i32
      %eq3A_426 = vector.broadcast %eq3A_425 : i32 to vector<1024x128xi32>
      %eq3A_427 = arith.cmpi eq, %while3A_223, %eq3A_426 : vector<1024x128xi32>
      %eq3A_428 = arith.cmpi eq, %add3A_232, %concatenate3A_265 : vector<1024x128xi32>
      %and3A_429 = arith.andi %eq3A_427, %eq3A_428 : vector<1024x128xi1>
      %jit3A_430 = arith.constant 0xFF800000 : f32
      %broadcast_in_dim3A_431 = vector.broadcast %jit3A_430 : f32 to vector<1024x128xf32>
      %select_n3A_432 = arith.select %and3A_429, %broadcast_in_dim3A_431, %get3A_424 : vector<1024x128xi1>, vector<1024x128xf32>
      %swap3A_433 = arith.constant 0 : index
      %swap3A_434 = arith.constant 1024 : index
      %swap3A_435 = vector.load %arg6[%swap3A_433, %swap3A_434] : memref<1024x4096xf32, #tpu.memory_space<vmem>>, vector<1024x128xf32>
      tpu.vector_store %arg6[%swap3A_433, %swap3A_434], %select_n3A_432 {strides = array<i32>} : memref<1024x4096xf32, #tpu.memory_space<vmem>>, vector<1024x128xf32>,
      %gt3A_436 = arith.cmpf ogt, %select_n3A_432, %select_n3A_418 : vector<1024x128xf32>
      %select_n3A_437 = arith.select %gt3A_436, %select_n3A_432, %select_n3A_418 : vector<1024x128xi1>, vector<1024x128xf32>
      %jit3A_438 = arith.constant 8 : i32
      %broadcast_in_dim3A_439 = vector.broadcast %jit3A_438 : i32 to vector<1024x128xi32>
      %select_n3A_440 = arith.select %gt3A_436, %broadcast_in_dim3A_439, %select_n3A_421 : vector<1024x128xi1>, vector<1024x128xi32>
      %get3A_441 = arith.constant 0 : index
      %get3A_442 = arith.constant 1152 : index
      %get3A_443 = vector.load %arg6[%get3A_441, %get3A_442] : memref<1024x4096xf32, #tpu.memory_space<vmem>>, vector<1024x128xf32>
      %eq3A_444 = arith.constant 9 : i32
      %eq3A_445 = vector.broadcast %eq3A_444 : i32 to vector<1024x128xi32>
      %eq3A_446 = arith.cmpi eq, %while3A_223, %eq3A_445 : vector<1024x128xi32>
      %eq3A_447 = arith.cmpi eq, %add3A_232, %concatenate3A_265 : vector<1024x128xi32>
      %and3A_448 = arith.andi %eq3A_446, %eq3A_447 : vector<1024x128xi1>
      %jit3A_449 = arith.constant 0xFF800000 : f32
      %broadcast_in_dim3A_450 = vector.broadcast %jit3A_449 : f32 to vector<1024x128xf32>
      %select_n3A_451 = arith.select %and3A_448, %broadcast_in_dim3A_450, %get3A_443 : vector<1024x128xi1>, vector<1024x128xf32>
      %swap3A_452 = arith.constant 0 : index
      %swap3A_453 = arith.constant 1152 : index
      %swap3A_454 = vector.load %arg6[%swap3A_452, %swap3A_453] : memref<1024x4096xf32, #tpu.memory_space<vmem>>, vector<1024x128xf32>
      tpu.vector_store %arg6[%swap3A_452, %swap3A_453], %select_n3A_451 {strides = array<i32>} : memref<1024x4096xf32, #tpu.memory_space<vmem>>, vector<1024x128xf32>,
      %gt3A_455 = arith.cmpf ogt, %select_n3A_451, %select_n3A_437 : vector<1024x128xf32>
      %select_n3A_456 = arith.select %gt3A_455, %select_n3A_451, %select_n3A_437 : vector<1024x128xi1>, vector<1024x128xf32>
      %jit3A_457 = arith.constant 9 : i32
      %broadcast_in_dim3A_458 = vector.broadcast %jit3A_457 : i32 to vector<1024x128xi32>
      %select_n3A_459 = arith.select %gt3A_455, %broadcast_in_dim3A_458, %select_n3A_440 : vector<1024x128xi1>, vector<1024x128xi32>
      %get3A_460 = arith.constant 0 : index
      %get3A_461 = arith.constant 1280 : index
      %get3A_462 = vector.load %arg6[%get3A_460, %get3A_461] : memref<1024x4096xf32, #tpu.memory_space<vmem>>, vector<1024x128xf32>
      %eq3A_463 = arith.constant 10 : i32
      %eq3A_464 = vector.broadcast %eq3A_463 : i32 to vector<1024x128xi32>
      %eq3A_465 = arith.cmpi eq, %while3A_223, %eq3A_464 : vector<1024x128xi32>
      %eq3A_466 = arith.cmpi eq, %add3A_232, %concatenate3A_265 : vector<1024x128xi32>
      %and3A_467 = arith.andi %eq3A_465, %eq3A_466 : vector<1024x128xi1>
      %jit3A_468 = arith.constant 0xFF800000 : f32
      %broadcast_in_dim3A_469 = vector.broadcast %jit3A_468 : f32 to vector<1024x128xf32>
      %select_n3A_470 = arith.select %and3A_467, %broadcast_in_dim3A_469, %get3A_462 : vector<1024x128xi1>, vector<1024x128xf32>
      %swap3A_471 = arith.constant 0 : index
      %swap3A_472 = arith.constant 1280 : index
      %swap3A_473 = vector.load %arg6[%swap3A_471, %swap3A_472] : memref<1024x4096xf32, #tpu.memory_space<vmem>>, vector<1024x128xf32>
      tpu.vector_store %arg6[%swap3A_471, %swap3A_472], %select_n3A_470 {strides = array<i32>} : memref<1024x4096xf32, #tpu.memory_space<vmem>>, vector<1024x128xf32>,
      %gt3A_474 = arith.cmpf ogt, %select_n3A_470, %select_n3A_456 : vector<1024x128xf32>
      %select_n3A_475 = arith.select %gt3A_474, %select_n3A_470, %select_n3A_456 : vector<1024x128xi1>, vector<1024x128xf32>
      %jit3A_476 = arith.constant 10 : i32
      %broadcast_in_dim3A_477 = vector.broadcast %jit3A_476 : i32 to vector<1024x128xi32>
      %select_n3A_478 = arith.select %gt3A_474, %broadcast_in_dim3A_477, %select_n3A_459 : vector<1024x128xi1>, vector<1024x128xi32>
      %get3A_479 = arith.constant 0 : index
      %get3A_480 = arith.constant 1408 : index
      %get3A_481 = vector.load %arg6[%get3A_479, %get3A_480] : memref<1024x4096xf32, #tpu.memory_space<vmem>>, vector<1024x128xf32>
      %eq3A_482 = arith.constant 11 : i32
      %eq3A_483 = vector.broadcast %eq3A_482 : i32 to vector<1024x128xi32>
      %eq3A_484 = arith.cmpi eq, %while3A_223, %eq3A_483 : vector<1024x128xi32>
      %eq3A_485 = arith.cmpi eq, %add3A_232, %concatenate3A_265 : vector<1024x128xi32>
      %and3A_486 = arith.andi %eq3A_484, %eq3A_485 : vector<1024x128xi1>
      %jit3A_487 = arith.constant 0xFF800000 : f32
      %broadcast_in_dim3A_488 = vector.broadcast %jit3A_487 : f32 to vector<1024x128xf32>
      %select_n3A_489 = arith.select %and3A_486, %broadcast_in_dim3A_488, %get3A_481 : vector<1024x128xi1>, vector<1024x128xf32>
      %swap3A_490 = arith.constant 0 : index
      %swap3A_491 = arith.constant 1408 : index
      %swap3A_492 = vector.load %arg6[%swap3A_490, %swap3A_491] : memref<1024x4096xf32, #tpu.memory_space<vmem>>, vector<1024x128xf32>
      tpu.vector_store %arg6[%swap3A_490, %swap3A_491], %select_n3A_489 {strides = array<i32>} : memref<1024x4096xf32, #tpu.memory_space<vmem>>, vector<1024x128xf32>,
      %gt3A_493 = arith.cmpf ogt, %select_n3A_489, %select_n3A_475 : vector<1024x128xf32>
      %select_n3A_494 = arith.select %gt3A_493, %select_n3A_489, %select_n3A_475 : vector<1024x128xi1>, vector<1024x128xf32>
      %jit3A_495 = arith.constant 11 : i32
      %broadcast_in_dim3A_496 = vector.broadcast %jit3A_495 : i32 to vector<1024x128xi32>
      %select_n3A_497 = arith.select %gt3A_493, %broadcast_in_dim3A_496, %select_n3A_478 : vector<1024x128xi1>, vector<1024x128xi32>
      %get3A_498 = arith.constant 0 : index
      %get3A_499 = arith.constant 1536 : index
      %get3A_500 = vector.load %arg6[%get3A_498, %get3A_499] : memref<1024x4096xf32, #tpu.memory_space<vmem>>, vector<1024x128xf32>
      %eq3A_501 = arith.constant 12 : i32
      %eq3A_502 = vector.broadcast %eq3A_501 : i32 to vector<1024x128xi32>
      %eq3A_503 = arith.cmpi eq, %while3A_223, %eq3A_502 : vector<1024x128xi32>
      %eq3A_504 = arith.cmpi eq, %add3A_232, %concatenate3A_265 : vector<1024x128xi32>
      %and3A_505 = arith.andi %eq3A_503, %eq3A_504 : vector<1024x128xi1>
      %jit3A_506 = arith.constant 0xFF800000 : f32
      %broadcast_in_dim3A_507 = vector.broadcast %jit3A_506 : f32 to vector<1024x128xf32>
      %select_n3A_508 = arith.select %and3A_505, %broadcast_in_dim3A_507, %get3A_500 : vector<1024x128xi1>, vector<1024x128xf32>
      %swap3A_509 = arith.constant 0 : index
      %swap3A_510 = arith.constant 1536 : index
      %swap3A_511 = vector.load %arg6[%swap3A_509, %swap3A_510] : memref<1024x4096xf32, #tpu.memory_space<vmem>>, vector<1024x128xf32>
      tpu.vector_store %arg6[%swap3A_509, %swap3A_510], %select_n3A_508 {strides = array<i32>} : memref<1024x4096xf32, #tpu.memory_space<vmem>>, vector<1024x128xf32>,
      %gt3A_512 = arith.cmpf ogt, %select_n3A_508, %select_n3A_494 : vector<1024x128xf32>
      %select_n3A_513 = arith.select %gt3A_512, %select_n3A_508, %select_n3A_494 : vector<1024x128xi1>, vector<1024x128xf32>
      %jit3A_514 = arith.constant 12 : i32
      %broadcast_in_dim3A_515 = vector.broadcast %jit3A_514 : i32 to vector<1024x128xi32>
      %select_n3A_516 = arith.select %gt3A_512, %broadcast_in_dim3A_515, %select_n3A_497 : vector<1024x128xi1>, vector<1024x128xi32>
      %get3A_517 = arith.constant 0 : index
      %get3A_518 = arith.constant 1664 : index
      %get3A_519 = vector.load %arg6[%get3A_517, %get3A_518] : memref<1024x4096xf32, #tpu.memory_space<vmem>>, vector<1024x128xf32>
      %eq3A_520 = arith.constant 13 : i32
      %eq3A_521 = vector.broadcast %eq3A_520 : i32 to vector<1024x128xi32>
      %eq3A_522 = arith.cmpi eq, %while3A_223, %eq3A_521 : vector<1024x128xi32>
      %eq3A_523 = arith.cmpi eq, %add3A_232, %concatenate3A_265 : vector<1024x128xi32>
      %and3A_524 = arith.andi %eq3A_522, %eq3A_523 : vector<1024x128xi1>
      %jit3A_525 = arith.constant 0xFF800000 : f32
      %broadcast_in_dim3A_526 = vector.broadcast %jit3A_525 : f32 to vector<1024x128xf32>
      %select_n3A_527 = arith.select %and3A_524, %broadcast_in_dim3A_526, %get3A_519 : vector<1024x128xi1>, vector<1024x128xf32>
      %swap3A_528 = arith.constant 0 : index
      %swap3A_529 = arith.constant 1664 : index
      %swap3A_530 = vector.load %arg6[%swap3A_528, %swap3A_529] : memref<1024x4096xf32, #tpu.memory_space<vmem>>, vector<1024x128xf32>
      tpu.vector_store %arg6[%swap3A_528, %swap3A_529], %select_n3A_527 {strides = array<i32>} : memref<1024x4096xf32, #tpu.memory_space<vmem>>, vector<1024x128xf32>,
      %gt3A_531 = arith.cmpf ogt, %select_n3A_527, %select_n3A_513 : vector<1024x128xf32>
      %select_n3A_532 = arith.select %gt3A_531, %select_n3A_527, %select_n3A_513 : vector<1024x128xi1>, vector<1024x128xf32>
      %jit3A_533 = arith.constant 13 : i32
      %broadcast_in_dim3A_534 = vector.broadcast %jit3A_533 : i32 to vector<1024x128xi32>
      %select_n3A_535 = arith.select %gt3A_531, %broadcast_in_dim3A_534, %select_n3A_516 : vector<1024x128xi1>, vector<1024x128xi32>
      %get3A_536 = arith.constant 0 : index
      %get3A_537 = arith.constant 1792 : index
      %get3A_538 = vector.load %arg6[%get3A_536, %get3A_537] : memref<1024x4096xf32, #tpu.memory_space<vmem>>, vector<1024x128xf32>
      %eq3A_539 = arith.constant 14 : i32
      %eq3A_540 = vector.broadcast %eq3A_539 : i32 to vector<1024x128xi32>
      %eq3A_541 = arith.cmpi eq, %while3A_223, %eq3A_540 : vector<1024x128xi32>
      %eq3A_542 = arith.cmpi eq, %add3A_232, %concatenate3A_265 : vector<1024x128xi32>
      %and3A_543 = arith.andi %eq3A_541, %eq3A_542 : vector<1024x128xi1>
      %jit3A_544 = arith.constant 0xFF800000 : f32
      %broadcast_in_dim3A_545 = vector.broadcast %jit3A_544 : f32 to vector<1024x128xf32>
      %select_n3A_546 = arith.select %and3A_543, %broadcast_in_dim3A_545, %get3A_538 : vector<1024x128xi1>, vector<1024x128xf32>
      %swap3A_547 = arith.constant 0 : index
      %swap3A_548 = arith.constant 1792 : index
      %swap3A_549 = vector.load %arg6[%swap3A_547, %swap3A_548] : memref<1024x4096xf32, #tpu.memory_space<vmem>>, vector<1024x128xf32>
      tpu.vector_store %arg6[%swap3A_547, %swap3A_548], %select_n3A_546 {strides = array<i32>} : memref<1024x4096xf32, #tpu.memory_space<vmem>>, vector<1024x128xf32>,
      %gt3A_550 = arith.cmpf ogt, %select_n3A_546, %select_n3A_532 : vector<1024x128xf32>
      %select_n3A_551 = arith.select %gt3A_550, %select_n3A_546, %select_n3A_532 : vector<1024x128xi1>, vector<1024x128xf32>
      %jit3A_552 = arith.constant 14 : i32
      %broadcast_in_dim3A_553 = vector.broadcast %jit3A_552 : i32 to vector<1024x128xi32>
      %select_n3A_554 = arith.select %gt3A_550, %broadcast_in_dim3A_553, %select_n3A_535 : vector<1024x128xi1>, vector<1024x128xi32>
      %get3A_555 = arith.constant 0 : index
      %get3A_556 = arith.constant 1920 : index
      %get3A_557 = vector.load %arg6[%get3A_555, %get3A_556] : memref<1024x4096xf32, #tpu.memory_space<vmem>>, vector<1024x128xf32>
      %eq3A_558 = arith.constant 15 : i32
      %eq3A_559 = vector.broadcast %eq3A_558 : i32 to vector<1024x128xi32>
      %eq3A_560 = arith.cmpi eq, %while3A_223, %eq3A_559 : vector<1024x128xi32>
      %eq3A_561 = arith.cmpi eq, %add3A_232, %concatenate3A_265 : vector<1024x128xi32>
      %and3A_562 = arith.andi %eq3A_560, %eq3A_561 : vector<1024x128xi1>
      %jit3A_563 = arith.constant 0xFF800000 : f32
      %broadcast_in_dim3A_564 = vector.broadcast %jit3A_563 : f32 to vector<1024x128xf32>
      %select_n3A_565 = arith.select %and3A_562, %broadcast_in_dim3A_564, %get3A_557 : vector<1024x128xi1>, vector<1024x128xf32>
      %swap3A_566 = arith.constant 0 : index
      %swap3A_567 = arith.constant 1920 : index
      %swap3A_568 = vector.load %arg6[%swap3A_566, %swap3A_567] : memref<1024x4096xf32, #tpu.memory_space<vmem>>, vector<1024x128xf32>
      tpu.vector_store %arg6[%swap3A_566, %swap3A_567], %select_n3A_565 {strides = array<i32>} : memref<1024x4096xf32, #tpu.memory_space<vmem>>, vector<1024x128xf32>,
      %gt3A_569 = arith.cmpf ogt, %select_n3A_565, %select_n3A_551 : vector<1024x128xf32>
      %select_n3A_570 = arith.select %gt3A_569, %select_n3A_565, %select_n3A_551 : vector<1024x128xi1>, vector<1024x128xf32>
      %jit3A_571 = arith.constant 15 : i32
      %broadcast_in_dim3A_572 = vector.broadcast %jit3A_571 : i32 to vector<1024x128xi32>
      %select_n3A_573 = arith.select %gt3A_569, %broadcast_in_dim3A_572, %select_n3A_554 : vector<1024x128xi1>, vector<1024x128xi32>
      %get3A_574 = arith.constant 0 : index
      %get3A_575 = arith.constant 2048 : index
      %get3A_576 = vector.load %arg6[%get3A_574, %get3A_575] : memref<1024x4096xf32, #tpu.memory_space<vmem>>, vector<1024x128xf32>
      %eq3A_577 = arith.constant 16 : i32
      %eq3A_578 = vector.broadcast %eq3A_577 : i32 to vector<1024x128xi32>
      %eq3A_579 = arith.cmpi eq, %while3A_223, %eq3A_578 : vector<1024x128xi32>
      %eq3A_580 = arith.cmpi eq, %add3A_232, %concatenate3A_265 : vector<1024x128xi32>
      %and3A_581 = arith.andi %eq3A_579, %eq3A_580 : vector<1024x128xi1>
      %jit3A_582 = arith.constant 0xFF800000 : f32
      %broadcast_in_dim3A_583 = vector.broadcast %jit3A_582 : f32 to vector<1024x128xf32>
      %select_n3A_584 = arith.select %and3A_581, %broadcast_in_dim3A_583, %get3A_576 : vector<1024x128xi1>, vector<1024x128xf32>
      %swap3A_585 = arith.constant 0 : index
      %swap3A_586 = arith.constant 2048 : index
      %swap3A_587 = vector.load %arg6[%swap3A_585, %swap3A_586] : memref<1024x4096xf32, #tpu.memory_space<vmem>>, vector<1024x128xf32>
      tpu.vector_store %arg6[%swap3A_585, %swap3A_586], %select_n3A_584 {strides = array<i32>} : memref<1024x4096xf32, #tpu.memory_space<vmem>>, vector<1024x128xf32>,
      %gt3A_588 = arith.cmpf ogt, %select_n3A_584, %select_n3A_570 : vector<1024x128xf32>
      %select_n3A_589 = arith.select %gt3A_588, %select_n3A_584, %select_n3A_570 : vector<1024x128xi1>, vector<1024x128xf32>
      %jit3A_590 = arith.constant 16 : i32
      %broadcast_in_dim3A_591 = vector.broadcast %jit3A_590 : i32 to vector<1024x128xi32>
      %select_n3A_592 = arith.select %gt3A_588, %broadcast_in_dim3A_591, %select_n3A_573 : vector<1024x128xi1>, vector<1024x128xi32>
      %get3A_593 = arith.constant 0 : index
      %get3A_594 = arith.constant 2176 : index
      %get3A_595 = vector.load %arg6[%get3A_593, %get3A_594] : memref<1024x4096xf32, #tpu.memory_space<vmem>>, vector<1024x128xf32>
      %eq3A_596 = arith.constant 17 : i32
      %eq3A_597 = vector.broadcast %eq3A_596 : i32 to vector<1024x128xi32>
      %eq3A_598 = arith.cmpi eq, %while3A_223, %eq3A_597 : vector<1024x128xi32>
      %eq3A_599 = arith.cmpi eq, %add3A_232, %concatenate3A_265 : vector<1024x128xi32>
      %and3A_600 = arith.andi %eq3A_598, %eq3A_599 : vector<1024x128xi1>
      %jit3A_601 = arith.constant 0xFF800000 : f32
      %broadcast_in_dim3A_602 = vector.broadcast %jit3A_601 : f32 to vector<1024x128xf32>
      %select_n3A_603 = arith.select %and3A_600, %broadcast_in_dim3A_602, %get3A_595 : vector<1024x128xi1>, vector<1024x128xf32>
      %swap3A_604 = arith.constant 0 : index
      %swap3A_605 = arith.constant 2176 : index
      %swap3A_606 = vector.load %arg6[%swap3A_604, %swap3A_605] : memref<1024x4096xf32, #tpu.memory_space<vmem>>, vector<1024x128xf32>
      tpu.vector_store %arg6[%swap3A_604, %swap3A_605], %select_n3A_603 {strides = array<i32>} : memref<1024x4096xf32, #tpu.memory_space<vmem>>, vector<1024x128xf32>,
      %gt3A_607 = arith.cmpf ogt, %select_n3A_603, %select_n3A_589 : vector<1024x128xf32>
      %select_n3A_608 = arith.select %gt3A_607, %select_n3A_603, %select_n3A_589 : vector<1024x128xi1>, vector<1024x128xf32>
      %jit3A_609 = arith.constant 17 : i32
      %broadcast_in_dim3A_610 = vector.broadcast %jit3A_609 : i32 to vector<1024x128xi32>
      %select_n3A_611 = arith.select %gt3A_607, %broadcast_in_dim3A_610, %select_n3A_592 : vector<1024x128xi1>, vector<1024x128xi32>
      %get3A_612 = arith.constant 0 : index
      %get3A_613 = arith.constant 2304 : index
      %get3A_614 = vector.load %arg6[%get3A_612, %get3A_613] : memref<1024x4096xf32, #tpu.memory_space<vmem>>, vector<1024x128xf32>
      %eq3A_615 = arith.constant 18 : i32
      %eq3A_616 = vector.broadcast %eq3A_615 : i32 to vector<1024x128xi32>
      %eq3A_617 = arith.cmpi eq, %while3A_223, %eq3A_616 : vector<1024x128xi32>
      %eq3A_618 = arith.cmpi eq, %add3A_232, %concatenate3A_265 : vector<1024x128xi32>
      %and3A_619 = arith.andi %eq3A_617, %eq3A_618 : vector<1024x128xi1>
      %jit3A_620 = arith.constant 0xFF800000 : f32
      %broadcast_in_dim3A_621 = vector.broadcast %jit3A_620 : f32 to vector<1024x128xf32>
      %select_n3A_622 = arith.select %and3A_619, %broadcast_in_dim3A_621, %get3A_614 : vector<1024x128xi1>, vector<1024x128xf32>
      %swap3A_623 = arith.constant 0 : index
      %swap3A_624 = arith.constant 2304 : index
      %swap3A_625 = vector.load %arg6[%swap3A_623, %swap3A_624] : memref<1024x4096xf32, #tpu.memory_space<vmem>>, vector<1024x128xf32>
      tpu.vector_store %arg6[%swap3A_623, %swap3A_624], %select_n3A_622 {strides = array<i32>} : memref<1024x4096xf32, #tpu.memory_space<vmem>>, vector<1024x128xf32>,
      %gt3A_626 = arith.cmpf ogt, %select_n3A_622, %select_n3A_608 : vector<1024x128xf32>
      %select_n3A_627 = arith.select %gt3A_626, %select_n3A_622, %select_n3A_608 : vector<1024x128xi1>, vector<1024x128xf32>
      %jit3A_628 = arith.constant 18 : i32
      %broadcast_in_dim3A_629 = vector.broadcast %jit3A_628 : i32 to vector<1024x128xi32>
      %select_n3A_630 = arith.select %gt3A_626, %broadcast_in_dim3A_629, %select_n3A_611 : vector<1024x128xi1>, vector<1024x128xi32>
      %get3A_631 = arith.constant 0 : index
      %get3A_632 = arith.constant 2432 : index
      %get3A_633 = vector.load %arg6[%get3A_631, %get3A_632] : memref<1024x4096xf32, #tpu.memory_space<vmem>>, vector<1024x128xf32>
      %eq3A_634 = arith.constant 19 : i32
      %eq3A_635 = vector.broadcast %eq3A_634 : i32 to vector<1024x128xi32>
      %eq3A_636 = arith.cmpi eq, %while3A_223, %eq3A_635 : vector<1024x128xi32>
      %eq3A_637 = arith.cmpi eq, %add3A_232, %concatenate3A_265 : vector<1024x128xi32>
      %and3A_638 = arith.andi %eq3A_636, %eq3A_637 : vector<1024x128xi1>
      %jit3A_639 = arith.constant 0xFF800000 : f32
      %broadcast_in_dim3A_640 = vector.broadcast %jit3A_639 : f32 to vector<1024x128xf32>
      %select_n3A_641 = arith.select %and3A_638, %broadcast_in_dim3A_640, %get3A_633 : vector<1024x128xi1>, vector<1024x128xf32>
      %swap3A_642 = arith.constant 0 : index
      %swap3A_643 = arith.constant 2432 : index
      %swap3A_644 = vector.load %arg6[%swap3A_642, %swap3A_643] : memref<1024x4096xf32, #tpu.memory_space<vmem>>, vector<1024x128xf32>
      tpu.vector_store %arg6[%swap3A_642, %swap3A_643], %select_n3A_641 {strides = array<i32>} : memref<1024x4096xf32, #tpu.memory_space<vmem>>, vector<1024x128xf32>,
      %gt3A_645 = arith.cmpf ogt, %select_n3A_641, %select_n3A_627 : vector<1024x128xf32>
      %select_n3A_646 = arith.select %gt3A_645, %select_n3A_641, %select_n3A_627 : vector<1024x128xi1>, vector<1024x128xf32>
      %jit3A_647 = arith.constant 19 : i32
      %broadcast_in_dim3A_648 = vector.broadcast %jit3A_647 : i32 to vector<1024x128xi32>
      %select_n3A_649 = arith.select %gt3A_645, %broadcast_in_dim3A_648, %select_n3A_630 : vector<1024x128xi1>, vector<1024x128xi32>
      %get3A_650 = arith.constant 0 : index
      %get3A_651 = arith.constant 2560 : index
      %get3A_652 = vector.load %arg6[%get3A_650, %get3A_651] : memref<1024x4096xf32, #tpu.memory_space<vmem>>, vector<1024x128xf32>
      %eq3A_653 = arith.constant 20 : i32
      %eq3A_654 = vector.broadcast %eq3A_653 : i32 to vector<1024x128xi32>
      %eq3A_655 = arith.cmpi eq, %while3A_223, %eq3A_654 : vector<1024x128xi32>
      %eq3A_656 = arith.cmpi eq, %add3A_232, %concatenate3A_265 : vector<1024x128xi32>
      %and3A_657 = arith.andi %eq3A_655, %eq3A_656 : vector<1024x128xi1>
      %jit3A_658 = arith.constant 0xFF800000 : f32
      %broadcast_in_dim3A_659 = vector.broadcast %jit3A_658 : f32 to vector<1024x128xf32>
      %select_n3A_660 = arith.select %and3A_657, %broadcast_in_dim3A_659, %get3A_652 : vector<1024x128xi1>, vector<1024x128xf32>
      %swap3A_661 = arith.constant 0 : index
      %swap3A_662 = arith.constant 2560 : index
      %swap3A_663 = vector.load %arg6[%swap3A_661, %swap3A_662] : memref<1024x4096xf32, #tpu.memory_space<vmem>>, vector<1024x128xf32>
      tpu.vector_store %arg6[%swap3A_661, %swap3A_662], %select_n3A_660 {strides = array<i32>} : memref<1024x4096xf32, #tpu.memory_space<vmem>>, vector<1024x128xf32>,
      %gt3A_664 = arith.cmpf ogt, %select_n3A_660, %select_n3A_646 : vector<1024x128xf32>
      %select_n3A_665 = arith.select %gt3A_664, %select_n3A_660, %select_n3A_646 : vector<1024x128xi1>, vector<1024x128xf32>
      %jit3A_666 = arith.constant 20 : i32
      %broadcast_in_dim3A_667 = vector.broadcast %jit3A_666 : i32 to vector<1024x128xi32>
      %select_n3A_668 = arith.select %gt3A_664, %broadcast_in_dim3A_667, %select_n3A_649 : vector<1024x128xi1>, vector<1024x128xi32>
      %get3A_669 = arith.constant 0 : index
      %get3A_670 = arith.constant 2688 : index
      %get3A_671 = vector.load %arg6[%get3A_669, %get3A_670] : memref<1024x4096xf32, #tpu.memory_space<vmem>>, vector<1024x128xf32>
      %eq3A_672 = arith.constant 21 : i32
      %eq3A_673 = vector.broadcast %eq3A_672 : i32 to vector<1024x128xi32>
      %eq3A_674 = arith.cmpi eq, %while3A_223, %eq3A_673 : vector<1024x128xi32>
      %eq3A_675 = arith.cmpi eq, %add3A_232, %concatenate3A_265 : vector<1024x128xi32>
      %and3A_676 = arith.andi %eq3A_674, %eq3A_675 : vector<1024x128xi1>
      %jit3A_677 = arith.constant 0xFF800000 : f32
      %broadcast_in_dim3A_678 = vector.broadcast %jit3A_677 : f32 to vector<1024x128xf32>
      %select_n3A_679 = arith.select %and3A_676, %broadcast_in_dim3A_678, %get3A_671 : vector<1024x128xi1>, vector<1024x128xf32>
      %swap3A_680 = arith.constant 0 : index
      %swap3A_681 = arith.constant 2688 : index
      %swap3A_682 = vector.load %arg6[%swap3A_680, %swap3A_681] : memref<1024x4096xf32, #tpu.memory_space<vmem>>, vector<1024x128xf32>
      tpu.vector_store %arg6[%swap3A_680, %swap3A_681], %select_n3A_679 {strides = array<i32>} : memref<1024x4096xf32, #tpu.memory_space<vmem>>, vector<1024x128xf32>,
      %gt3A_683 = arith.cmpf ogt, %select_n3A_679, %select_n3A_665 : vector<1024x128xf32>
      %select_n3A_684 = arith.select %gt3A_683, %select_n3A_679, %select_n3A_665 : vector<1024x128xi1>, vector<1024x128xf32>
      %jit3A_685 = arith.constant 21 : i32
      %broadcast_in_dim3A_686 = vector.broadcast %jit3A_685 : i32 to vector<1024x128xi32>
      %select_n3A_687 = arith.select %gt3A_683, %broadcast_in_dim3A_686, %select_n3A_668 : vector<1024x128xi1>, vector<1024x128xi32>
      %get3A_688 = arith.constant 0 : index
      %get3A_689 = arith.constant 2816 : index
      %get3A_690 = vector.load %arg6[%get3A_688, %get3A_689] : memref<1024x4096xf32, #tpu.memory_space<vmem>>, vector<1024x128xf32>
      %eq3A_691 = arith.constant 22 : i32
      %eq3A_692 = vector.broadcast %eq3A_691 : i32 to vector<1024x128xi32>
      %eq3A_693 = arith.cmpi eq, %while3A_223, %eq3A_692 : vector<1024x128xi32>
      %eq3A_694 = arith.cmpi eq, %add3A_232, %concatenate3A_265 : vector<1024x128xi32>
      %and3A_695 = arith.andi %eq3A_693, %eq3A_694 : vector<1024x128xi1>
      %jit3A_696 = arith.constant 0xFF800000 : f32
      %broadcast_in_dim3A_697 = vector.broadcast %jit3A_696 : f32 to vector<1024x128xf32>
      %select_n3A_698 = arith.select %and3A_695, %broadcast_in_dim3A_697, %get3A_690 : vector<1024x128xi1>, vector<1024x128xf32>
      %swap3A_699 = arith.constant 0 : index
      %swap3A_700 = arith.constant 2816 : index
      %swap3A_701 = vector.load %arg6[%swap3A_699, %swap3A_700] : memref<1024x4096xf32, #tpu.memory_space<vmem>>, vector<1024x128xf32>
      tpu.vector_store %arg6[%swap3A_699, %swap3A_700], %select_n3A_698 {strides = array<i32>} : memref<1024x4096xf32, #tpu.memory_space<vmem>>, vector<1024x128xf32>,
      %gt3A_702 = arith.cmpf ogt, %select_n3A_698, %select_n3A_684 : vector<1024x128xf32>
      %select_n3A_703 = arith.select %gt3A_702, %select_n3A_698, %select_n3A_684 : vector<1024x128xi1>, vector<1024x128xf32>
      %jit3A_704 = arith.constant 22 : i32
      %broadcast_in_dim3A_705 = vector.broadcast %jit3A_704 : i32 to vector<1024x128xi32>
      %select_n3A_706 = arith.select %gt3A_702, %broadcast_in_dim3A_705, %select_n3A_687 : vector<1024x128xi1>, vector<1024x128xi32>
      %get3A_707 = arith.constant 0 : index
      %get3A_708 = arith.constant 2944 : index
      %get3A_709 = vector.load %arg6[%get3A_707, %get3A_708] : memref<1024x4096xf32, #tpu.memory_space<vmem>>, vector<1024x128xf32>
      %eq3A_710 = arith.constant 23 : i32
      %eq3A_711 = vector.broadcast %eq3A_710 : i32 to vector<1024x128xi32>
      %eq3A_712 = arith.cmpi eq, %while3A_223, %eq3A_711 : vector<1024x128xi32>
      %eq3A_713 = arith.cmpi eq, %add3A_232, %concatenate3A_265 : vector<1024x128xi32>
      %and3A_714 = arith.andi %eq3A_712, %eq3A_713 : vector<1024x128xi1>
      %jit3A_715 = arith.constant 0xFF800000 : f32
      %broadcast_in_dim3A_716 = vector.broadcast %jit3A_715 : f32 to vector<1024x128xf32>
      %select_n3A_717 = arith.select %and3A_714, %broadcast_in_dim3A_716, %get3A_709 : vector<1024x128xi1>, vector<1024x128xf32>
      %swap3A_718 = arith.constant 0 : index
      %swap3A_719 = arith.constant 2944 : index
      %swap3A_720 = vector.load %arg6[%swap3A_718, %swap3A_719] : memref<1024x4096xf32, #tpu.memory_space<vmem>>, vector<1024x128xf32>
      tpu.vector_store %arg6[%swap3A_718, %swap3A_719], %select_n3A_717 {strides = array<i32>} : memref<1024x4096xf32, #tpu.memory_space<vmem>>, vector<1024x128xf32>,
      %gt3A_721 = arith.cmpf ogt, %select_n3A_717, %select_n3A_703 : vector<1024x128xf32>
      %select_n3A_722 = arith.select %gt3A_721, %select_n3A_717, %select_n3A_703 : vector<1024x128xi1>, vector<1024x128xf32>
      %jit3A_723 = arith.constant 23 : i32
      %broadcast_in_dim3A_724 = vector.broadcast %jit3A_723 : i32 to vector<1024x128xi32>
      %select_n3A_725 = arith.select %gt3A_721, %broadcast_in_dim3A_724, %select_n3A_706 : vector<1024x128xi1>, vector<1024x128xi32>
      %get3A_726 = arith.constant 0 : index
      %get3A_727 = arith.constant 3072 : index
      %get3A_728 = vector.load %arg6[%get3A_726, %get3A_727] : memref<1024x4096xf32, #tpu.memory_space<vmem>>, vector<1024x128xf32>
      %eq3A_729 = arith.constant 24 : i32
      %eq3A_730 = vector.broadcast %eq3A_729 : i32 to vector<1024x128xi32>
      %eq3A_731 = arith.cmpi eq, %while3A_223, %eq3A_730 : vector<1024x128xi32>
      %eq3A_732 = arith.cmpi eq, %add3A_232, %concatenate3A_265 : vector<1024x128xi32>
      %and3A_733 = arith.andi %eq3A_731, %eq3A_732 : vector<1024x128xi1>
      %jit3A_734 = arith.constant 0xFF800000 : f32
      %broadcast_in_dim3A_735 = vector.broadcast %jit3A_734 : f32 to vector<1024x128xf32>
      %select_n3A_736 = arith.select %and3A_733, %broadcast_in_dim3A_735, %get3A_728 : vector<1024x128xi1>, vector<1024x128xf32>
      %swap3A_737 = arith.constant 0 : index
      %swap3A_738 = arith.constant 3072 : index
      %swap3A_739 = vector.load %arg6[%swap3A_737, %swap3A_738] : memref<1024x4096xf32, #tpu.memory_space<vmem>>, vector<1024x128xf32>
      tpu.vector_store %arg6[%swap3A_737, %swap3A_738], %select_n3A_736 {strides = array<i32>} : memref<1024x4096xf32, #tpu.memory_space<vmem>>, vector<1024x128xf32>,
      %gt3A_740 = arith.cmpf ogt, %select_n3A_736, %select_n3A_722 : vector<1024x128xf32>
      %select_n3A_741 = arith.select %gt3A_740, %select_n3A_736, %select_n3A_722 : vector<1024x128xi1>, vector<1024x128xf32>
      %jit3A_742 = arith.constant 24 : i32
      %broadcast_in_dim3A_743 = vector.broadcast %jit3A_742 : i32 to vector<1024x128xi32>
      %select_n3A_744 = arith.select %gt3A_740, %broadcast_in_dim3A_743, %select_n3A_725 : vector<1024x128xi1>, vector<1024x128xi32>
      %get3A_745 = arith.constant 0 : index
      %get3A_746 = arith.constant 3200 : index
      %get3A_747 = vector.load %arg6[%get3A_745, %get3A_746] : memref<1024x4096xf32, #tpu.memory_space<vmem>>, vector<1024x128xf32>
      %eq3A_748 = arith.constant 25 : i32
      %eq3A_749 = vector.broadcast %eq3A_748 : i32 to vector<1024x128xi32>
      %eq3A_750 = arith.cmpi eq, %while3A_223, %eq3A_749 : vector<1024x128xi32>
      %eq3A_751 = arith.cmpi eq, %add3A_232, %concatenate3A_265 : vector<1024x128xi32>
      %and3A_752 = arith.andi %eq3A_750, %eq3A_751 : vector<1024x128xi1>
      %jit3A_753 = arith.constant 0xFF800000 : f32
      %broadcast_in_dim3A_754 = vector.broadcast %jit3A_753 : f32 to vector<1024x128xf32>
      %select_n3A_755 = arith.select %and3A_752, %broadcast_in_dim3A_754, %get3A_747 : vector<1024x128xi1>, vector<1024x128xf32>
      %swap3A_756 = arith.constant 0 : index
      %swap3A_757 = arith.constant 3200 : index
      %swap3A_758 = vector.load %arg6[%swap3A_756, %swap3A_757] : memref<1024x4096xf32, #tpu.memory_space<vmem>>, vector<1024x128xf32>
      tpu.vector_store %arg6[%swap3A_756, %swap3A_757], %select_n3A_755 {strides = array<i32>} : memref<1024x4096xf32, #tpu.memory_space<vmem>>, vector<1024x128xf32>,
      %gt3A_759 = arith.cmpf ogt, %select_n3A_755, %select_n3A_741 : vector<1024x128xf32>
      %select_n3A_760 = arith.select %gt3A_759, %select_n3A_755, %select_n3A_741 : vector<1024x128xi1>, vector<1024x128xf32>
      %jit3A_761 = arith.constant 25 : i32
      %broadcast_in_dim3A_762 = vector.broadcast %jit3A_761 : i32 to vector<1024x128xi32>
      %select_n3A_763 = arith.select %gt3A_759, %broadcast_in_dim3A_762, %select_n3A_744 : vector<1024x128xi1>, vector<1024x128xi32>
      %get3A_764 = arith.constant 0 : index
      %get3A_765 = arith.constant 3328 : index
      %get3A_766 = vector.load %arg6[%get3A_764, %get3A_765] : memref<1024x4096xf32, #tpu.memory_space<vmem>>, vector<1024x128xf32>
      %eq3A_767 = arith.constant 26 : i32
      %eq3A_768 = vector.broadcast %eq3A_767 : i32 to vector<1024x128xi32>
      %eq3A_769 = arith.cmpi eq, %while3A_223, %eq3A_768 : vector<1024x128xi32>
      %eq3A_770 = arith.cmpi eq, %add3A_232, %concatenate3A_265 : vector<1024x128xi32>
      %and3A_771 = arith.andi %eq3A_769, %eq3A_770 : vector<1024x128xi1>
      %jit3A_772 = arith.constant 0xFF800000 : f32
      %broadcast_in_dim3A_773 = vector.broadcast %jit3A_772 : f32 to vector<1024x128xf32>
      %select_n3A_774 = arith.select %and3A_771, %broadcast_in_dim3A_773, %get3A_766 : vector<1024x128xi1>, vector<1024x128xf32>
      %swap3A_775 = arith.constant 0 : index
      %swap3A_776 = arith.constant 3328 : index
      %swap3A_777 = vector.load %arg6[%swap3A_775, %swap3A_776] : memref<1024x4096xf32, #tpu.memory_space<vmem>>, vector<1024x128xf32>
      tpu.vector_store %arg6[%swap3A_775, %swap3A_776], %select_n3A_774 {strides = array<i32>} : memref<1024x4096xf32, #tpu.memory_space<vmem>>, vector<1024x128xf32>,
      %gt3A_778 = arith.cmpf ogt, %select_n3A_774, %select_n3A_760 : vector<1024x128xf32>
      %select_n3A_779 = arith.select %gt3A_778, %select_n3A_774, %select_n3A_760 : vector<1024x128xi1>, vector<1024x128xf32>
      %jit3A_780 = arith.constant 26 : i32
      %broadcast_in_dim3A_781 = vector.broadcast %jit3A_780 : i32 to vector<1024x128xi32>
      %select_n3A_782 = arith.select %gt3A_778, %broadcast_in_dim3A_781, %select_n3A_763 : vector<1024x128xi1>, vector<1024x128xi32>
      %get3A_783 = arith.constant 0 : index
      %get3A_784 = arith.constant 3456 : index
      %get3A_785 = vector.load %arg6[%get3A_783, %get3A_784] : memref<1024x4096xf32, #tpu.memory_space<vmem>>, vector<1024x128xf32>
      %eq3A_786 = arith.constant 27 : i32
      %eq3A_787 = vector.broadcast %eq3A_786 : i32 to vector<1024x128xi32>
      %eq3A_788 = arith.cmpi eq, %while3A_223, %eq3A_787 : vector<1024x128xi32>
      %eq3A_789 = arith.cmpi eq, %add3A_232, %concatenate3A_265 : vector<1024x128xi32>
      %and3A_790 = arith.andi %eq3A_788, %eq3A_789 : vector<1024x128xi1>
      %jit3A_791 = arith.constant 0xFF800000 : f32
      %broadcast_in_dim3A_792 = vector.broadcast %jit3A_791 : f32 to vector<1024x128xf32>
      %select_n3A_793 = arith.select %and3A_790, %broadcast_in_dim3A_792, %get3A_785 : vector<1024x128xi1>, vector<1024x128xf32>
      %swap3A_794 = arith.constant 0 : index
      %swap3A_795 = arith.constant 3456 : index
      %swap3A_796 = vector.load %arg6[%swap3A_794, %swap3A_795] : memref<1024x4096xf32, #tpu.memory_space<vmem>>, vector<1024x128xf32>
      tpu.vector_store %arg6[%swap3A_794, %swap3A_795], %select_n3A_793 {strides = array<i32>} : memref<1024x4096xf32, #tpu.memory_space<vmem>>, vector<1024x128xf32>,
      %gt3A_797 = arith.cmpf ogt, %select_n3A_793, %select_n3A_779 : vector<1024x128xf32>
      %select_n3A_798 = arith.select %gt3A_797, %select_n3A_793, %select_n3A_779 : vector<1024x128xi1>, vector<1024x128xf32>
      %jit3A_799 = arith.constant 27 : i32
      %broadcast_in_dim3A_800 = vector.broadcast %jit3A_799 : i32 to vector<1024x128xi32>
      %select_n3A_801 = arith.select %gt3A_797, %broadcast_in_dim3A_800, %select_n3A_782 : vector<1024x128xi1>, vector<1024x128xi32>
      %get3A_802 = arith.constant 0 : index
      %get3A_803 = arith.constant 3584 : index
      %get3A_804 = vector.load %arg6[%get3A_802, %get3A_803] : memref<1024x4096xf32, #tpu.memory_space<vmem>>, vector<1024x128xf32>
      %eq3A_805 = arith.constant 28 : i32
      %eq3A_806 = vector.broadcast %eq3A_805 : i32 to vector<1024x128xi32>
      %eq3A_807 = arith.cmpi eq, %while3A_223, %eq3A_806 : vector<1024x128xi32>
      %eq3A_808 = arith.cmpi eq, %add3A_232, %concatenate3A_265 : vector<1024x128xi32>
      %and3A_809 = arith.andi %eq3A_807, %eq3A_808 : vector<1024x128xi1>
      %jit3A_810 = arith.constant 0xFF800000 : f32
      %broadcast_in_dim3A_811 = vector.broadcast %jit3A_810 : f32 to vector<1024x128xf32>
      %select_n3A_812 = arith.select %and3A_809, %broadcast_in_dim3A_811, %get3A_804 : vector<1024x128xi1>, vector<1024x128xf32>
      %swap3A_813 = arith.constant 0 : index
      %swap3A_814 = arith.constant 3584 : index
      %swap3A_815 = vector.load %arg6[%swap3A_813, %swap3A_814] : memref<1024x4096xf32, #tpu.memory_space<vmem>>, vector<1024x128xf32>
      tpu.vector_store %arg6[%swap3A_813, %swap3A_814], %select_n3A_812 {strides = array<i32>} : memref<1024x4096xf32, #tpu.memory_space<vmem>>, vector<1024x128xf32>,
      %gt3A_816 = arith.cmpf ogt, %select_n3A_812, %select_n3A_798 : vector<1024x128xf32>
      %select_n3A_817 = arith.select %gt3A_816, %select_n3A_812, %select_n3A_798 : vector<1024x128xi1>, vector<1024x128xf32>
      %jit3A_818 = arith.constant 28 : i32
      %broadcast_in_dim3A_819 = vector.broadcast %jit3A_818 : i32 to vector<1024x128xi32>
      %select_n3A_820 = arith.select %gt3A_816, %broadcast_in_dim3A_819, %select_n3A_801 : vector<1024x128xi1>, vector<1024x128xi32>
      %get3A_821 = arith.constant 0 : index
      %get3A_822 = arith.constant 3712 : index
      %get3A_823 = vector.load %arg6[%get3A_821, %get3A_822] : memref<1024x4096xf32, #tpu.memory_space<vmem>>, vector<1024x128xf32>
      %eq3A_824 = arith.constant 29 : i32
      %eq3A_825 = vector.broadcast %eq3A_824 : i32 to vector<1024x128xi32>
      %eq3A_826 = arith.cmpi eq, %while3A_223, %eq3A_825 : vector<1024x128xi32>
      %eq3A_827 = arith.cmpi eq, %add3A_232, %concatenate3A_265 : vector<1024x128xi32>
      %and3A_828 = arith.andi %eq3A_826, %eq3A_827 : vector<1024x128xi1>
      %jit3A_829 = arith.constant 0xFF800000 : f32
      %broadcast_in_dim3A_830 = vector.broadcast %jit3A_829 : f32 to vector<1024x128xf32>
      %select_n3A_831 = arith.select %and3A_828, %broadcast_in_dim3A_830, %get3A_823 : vector<1024x128xi1>, vector<1024x128xf32>
      %swap3A_832 = arith.constant 0 : index
      %swap3A_833 = arith.constant 3712 : index
      %swap3A_834 = vector.load %arg6[%swap3A_832, %swap3A_833] : memref<1024x4096xf32, #tpu.memory_space<vmem>>, vector<1024x128xf32>
      tpu.vector_store %arg6[%swap3A_832, %swap3A_833], %select_n3A_831 {strides = array<i32>} : memref<1024x4096xf32, #tpu.memory_space<vmem>>, vector<1024x128xf32>,
      %gt3A_835 = arith.cmpf ogt, %select_n3A_831, %select_n3A_817 : vector<1024x128xf32>
      %select_n3A_836 = arith.select %gt3A_835, %select_n3A_831, %select_n3A_817 : vector<1024x128xi1>, vector<1024x128xf32>
      %jit3A_837 = arith.constant 29 : i32
      %broadcast_in_dim3A_838 = vector.broadcast %jit3A_837 : i32 to vector<1024x128xi32>
      %select_n3A_839 = arith.select %gt3A_835, %broadcast_in_dim3A_838, %select_n3A_820 : vector<1024x128xi1>, vector<1024x128xi32>
      %get3A_840 = arith.constant 0 : index
      %get3A_841 = arith.constant 3840 : index
      %get3A_842 = vector.load %arg6[%get3A_840, %get3A_841] : memref<1024x4096xf32, #tpu.memory_space<vmem>>, vector<1024x128xf32>
      %eq3A_843 = arith.constant 30 : i32
      %eq3A_844 = vector.broadcast %eq3A_843 : i32 to vector<1024x128xi32>
      %eq3A_845 = arith.cmpi eq, %while3A_223, %eq3A_844 : vector<1024x128xi32>
      %eq3A_846 = arith.cmpi eq, %add3A_232, %concatenate3A_265 : vector<1024x128xi32>
      %and3A_847 = arith.andi %eq3A_845, %eq3A_846 : vector<1024x128xi1>
      %jit3A_848 = arith.constant 0xFF800000 : f32
      %broadcast_in_dim3A_849 = vector.broadcast %jit3A_848 : f32 to vector<1024x128xf32>
      %select_n3A_850 = arith.select %and3A_847, %broadcast_in_dim3A_849, %get3A_842 : vector<1024x128xi1>, vector<1024x128xf32>
      %swap3A_851 = arith.constant 0 : index
      %swap3A_852 = arith.constant 3840 : index
      %swap3A_853 = vector.load %arg6[%swap3A_851, %swap3A_852] : memref<1024x4096xf32, #tpu.memory_space<vmem>>, vector<1024x128xf32>
      tpu.vector_store %arg6[%swap3A_851, %swap3A_852], %select_n3A_850 {strides = array<i32>} : memref<1024x4096xf32, #tpu.memory_space<vmem>>, vector<1024x128xf32>,
      %gt3A_854 = arith.cmpf ogt, %select_n3A_850, %select_n3A_836 : vector<1024x128xf32>
      %select_n3A_855 = arith.select %gt3A_854, %select_n3A_850, %select_n3A_836 : vector<1024x128xi1>, vector<1024x128xf32>
      %jit3A_856 = arith.constant 30 : i32
      %broadcast_in_dim3A_857 = vector.broadcast %jit3A_856 : i32 to vector<1024x128xi32>
      %select_n3A_858 = arith.select %gt3A_854, %broadcast_in_dim3A_857, %select_n3A_839 : vector<1024x128xi1>, vector<1024x128xi32>
      %get3A_859 = arith.constant 0 : index
      %get3A_860 = arith.constant 3968 : index
      %get3A_861 = vector.load %arg6[%get3A_859, %get3A_860] : memref<1024x4096xf32, #tpu.memory_space<vmem>>, vector<1024x128xf32>
      %eq3A_862 = arith.constant 31 : i32
      %eq3A_863 = vector.broadcast %eq3A_862 : i32 to vector<1024x128xi32>
      %eq3A_864 = arith.cmpi eq, %while3A_223, %eq3A_863 : vector<1024x128xi32>
      %eq3A_865 = arith.cmpi eq, %add3A_232, %concatenate3A_265 : vector<1024x128xi32>
      %and3A_866 = arith.andi %eq3A_864, %eq3A_865 : vector<1024x128xi1>
      %jit3A_867 = arith.constant 0xFF800000 : f32
      %broadcast_in_dim3A_868 = vector.broadcast %jit3A_867 : f32 to vector<1024x128xf32>
      %select_n3A_869 = arith.select %and3A_866, %broadcast_in_dim3A_868, %get3A_861 : vector<1024x128xi1>, vector<1024x128xf32>
      %swap3A_870 = arith.constant 0 : index
      %swap3A_871 = arith.constant 3968 : index
      %swap3A_872 = vector.load %arg6[%swap3A_870, %swap3A_871] : memref<1024x4096xf32, #tpu.memory_space<vmem>>, vector<1024x128xf32>
      tpu.vector_store %arg6[%swap3A_870, %swap3A_871], %select_n3A_869 {strides = array<i32>} : memref<1024x4096xf32, #tpu.memory_space<vmem>>, vector<1024x128xf32>,
      %gt3A_873 = arith.cmpf ogt, %select_n3A_869, %select_n3A_855 : vector<1024x128xf32>
      %select_n3A_874 = arith.select %gt3A_873, %select_n3A_869, %select_n3A_855 : vector<1024x128xi1>, vector<1024x128xf32>
      %jit3A_875 = arith.constant 31 : i32
      %broadcast_in_dim3A_876 = vector.broadcast %jit3A_875 : i32 to vector<1024x128xi32>
      %select_n3A_877 = arith.select %gt3A_873, %broadcast_in_dim3A_876, %select_n3A_858 : vector<1024x128xi1>, vector<1024x128xi32>
      %get3A_878 = arith.constant 0 : index
      %get3A_879 = arith.constant 0 : index
      %get3A_880 = vector.load %arg7[%get3A_878, %get3A_879] : memref<16x1024xf32, #tpu.memory_space<vmem>>, vector<16x1024xf32>
      %get3A_881 = arith.constant 0 : index
      %get3A_882 = arith.constant 0 : index
      %get3A_883 = vector.load %arg8[%get3A_881, %get3A_882] : memref<16x1024xi32, #tpu.memory_space<vmem>>, vector<16x1024xi32>
      %transpose3A = tpu.transpose %select_n3A_262, [1, 0] : vector<1024x16xf32> -> vector<16x1024xf32>
      %concatenate3A_884 = tpu.concatenate %get3A_880, %transpose3A in 0 : vector<16x1024xf32>, vector<16x1024xf32> -> vector<32x1024xf32>
      %transpose3A_885 = tpu.transpose %select_n3A_263, [1, 0] : vector<1024x16xi32> -> vector<16x1024xi32>
      %concatenate3A_886 = tpu.concatenate %get3A_883, %transpose3A_885 in 0 : vector<16x1024xi32>, vector<16x1024xi32> -> vector<32x1024xi32>
      %reduce_max3A = arith.constant dense<0xFF800000> : vector<1024xf32>
      %reduce_max3A_887 = vector.multi_reduction <maximumf>, %concatenate3A_884, %reduce_max3A [0] : vector<32x1024xf32> to vector<1024xf32>
      %broadcast_in_dim3A_888 = vector.shape_cast %reduce_max3A_887 : vector<1024xf32> to vector<1x1024xf32>
      %eq3A_889 = vector.broadcast %broadcast_in_dim3A_888 : vector<1x1024xf32> to vector<32x1024xf32>
      %eq3A_890 = arith.cmpf oeq, %concatenate3A_884, %eq3A_889 : vector<32x1024xf32>
      %jit3A_891 = arith.constant 1073741824 : i32
      %broadcast_in_dim3A_892 = vector.broadcast %jit3A_891 : i32 to vector<32x1024xi32>
      %select_n3A_893 = arith.select %eq3A_890, %concatenate3A_886, %broadcast_in_dim3A_892 : vector<32x1024xi1>, vector<32x1024xi32>
      %reduce_min3A = arith.constant dense<2147483647> : vector<1024xi32>
      %reduce_min3A_894 = vector.multi_reduction <minsi>, %select_n3A_893, %reduce_min3A [0] : vector<32x1024xi32> to vector<1024xi32>
      %broadcast_in_dim3A_895 = vector.shape_cast %reduce_min3A_894 : vector<1024xi32> to vector<1x1024xi32>
      %eq3A_896 = vector.broadcast %broadcast_in_dim3A_895 : vector<1x1024xi32> to vector<32x1024xi32>
      %eq3A_897 = arith.cmpi eq, %concatenate3A_886, %eq3A_896 : vector<32x1024xi32>
      %and3A_898 = arith.andi %eq3A_890, %eq3A_897 : vector<32x1024xi1>
      %jit3A_899 = arith.constant 0xFF800000 : f32
      %broadcast_in_dim3A_900 = vector.broadcast %jit3A_899 : f32 to vector<32x1024xf32>
      %select_n3A_901 = arith.select %and3A_898, %broadcast_in_dim3A_900, %concatenate3A_884 : vector<32x1024xi1>, vector<32x1024xf32>
      %reduce_max3A_902 = arith.constant dense<0xFF800000> : vector<1024xf32>
      %reduce_max3A_903 = vector.multi_reduction <maximumf>, %select_n3A_901, %reduce_max3A_902 [0] : vector<32x1024xf32> to vector<1024xf32>
      %broadcast_in_dim3A_904 = vector.shape_cast %reduce_max3A_903 : vector<1024xf32> to vector<1x1024xf32>
      %eq3A_905 = vector.broadcast %broadcast_in_dim3A_904 : vector<1x1024xf32> to vector<32x1024xf32>
      %eq3A_906 = arith.cmpf oeq, %select_n3A_901, %eq3A_905 : vector<32x1024xf32>
      %jit3A_907 = arith.constant 1073741824 : i32
      %broadcast_in_dim3A_908 = vector.broadcast %jit3A_907 : i32 to vector<32x1024xi32>
      %select_n3A_909 = arith.select %eq3A_906, %concatenate3A_886, %broadcast_in_dim3A_908 : vector<32x1024xi1>, vector<32x1024xi32>
      %reduce_min3A_910 = arith.constant dense<2147483647> : vector<1024xi32>
      %reduce_min3A_911 = vector.multi_reduction <minsi>, %select_n3A_909, %reduce_min3A_910 [0] : vector<32x1024xi32> to vector<1024xi32>
      %broadcast_in_dim3A_912 = vector.shape_cast %reduce_min3A_911 : vector<1024xi32> to vector<1x1024xi32>
      %eq3A_913 = vector.broadcast %broadcast_in_dim3A_912 : vector<1x1024xi32> to vector<32x1024xi32>
      %eq3A_914 = arith.cmpi eq, %concatenate3A_886, %eq3A_913 : vector<32x1024xi32>
      %and3A_915 = arith.andi %eq3A_906, %eq3A_914 : vector<32x1024xi1>
      %jit3A_916 = arith.constant 0xFF800000 : f32
      %broadcast_in_dim3A_917 = vector.broadcast %jit3A_916 : f32 to vector<32x1024xf32>
      %select_n3A_918 = arith.select %and3A_915, %broadcast_in_dim3A_917, %select_n3A_901 : vector<32x1024xi1>, vector<32x1024xf32>
      %reduce_max3A_919 = arith.constant dense<0xFF800000> : vector<1024xf32>
      %reduce_max3A_920 = vector.multi_reduction <maximumf>, %select_n3A_918, %reduce_max3A_919 [0] : vector<32x1024xf32> to vector<1024xf32>
      %broadcast_in_dim3A_921 = vector.shape_cast %reduce_max3A_920 : vector<1024xf32> to vector<1x1024xf32>
      %eq3A_922 = vector.broadcast %broadcast_in_dim3A_921 : vector<1x1024xf32> to vector<32x1024xf32>
      %eq3A_923 = arith.cmpf oeq, %select_n3A_918, %eq3A_922 : vector<32x1024xf32>
      %jit3A_924 = arith.constant 1073741824 : i32
      %broadcast_in_dim3A_925 = vector.broadcast %jit3A_924 : i32 to vector<32x1024xi32>
      %select_n3A_926 = arith.select %eq3A_923, %concatenate3A_886, %broadcast_in_dim3A_925 : vector<32x1024xi1>, vector<32x1024xi32>
      %reduce_min3A_927 = arith.constant dense<2147483647> : vector<1024xi32>
      %reduce_min3A_928 = vector.multi_reduction <minsi>, %select_n3A_926, %reduce_min3A_927 [0] : vector<32x1024xi32> to vector<1024xi32>
      %broadcast_in_dim3A_929 = vector.shape_cast %reduce_min3A_928 : vector<1024xi32> to vector<1x1024xi32>
      %eq3A_930 = vector.broadcast %broadcast_in_dim3A_929 : vector<1x1024xi32> to vector<32x1024xi32>
      %eq3A_931 = arith.cmpi eq, %concatenate3A_886, %eq3A_930 : vector<32x1024xi32>
      %and3A_932 = arith.andi %eq3A_923, %eq3A_931 : vector<32x1024xi1>
      %jit3A_933 = arith.constant 0xFF800000 : f32
      %broadcast_in_dim3A_934 = vector.broadcast %jit3A_933 : f32 to vector<32x1024xf32>
      %select_n3A_935 = arith.select %and3A_932, %broadcast_in_dim3A_934, %select_n3A_918 : vector<32x1024xi1>, vector<32x1024xf32>
      %reduce_max3A_936 = arith.constant dense<0xFF800000> : vector<1024xf32>
      %reduce_max3A_937 = vector.multi_reduction <maximumf>, %select_n3A_935, %reduce_max3A_936 [0] : vector<32x1024xf32> to vector<1024xf32>
      %broadcast_in_dim3A_938 = vector.shape_cast %reduce_max3A_937 : vector<1024xf32> to vector<1x1024xf32>
      %eq3A_939 = vector.broadcast %broadcast_in_dim3A_938 : vector<1x1024xf32> to vector<32x1024xf32>
      %eq3A_940 = arith.cmpf oeq, %select_n3A_935, %eq3A_939 : vector<32x1024xf32>
      %jit3A_941 = arith.constant 1073741824 : i32
      %broadcast_in_dim3A_942 = vector.broadcast %jit3A_941 : i32 to vector<32x1024xi32>
      %select_n3A_943 = arith.select %eq3A_940, %concatenate3A_886, %broadcast_in_dim3A_942 : vector<32x1024xi1>, vector<32x1024xi32>
      %reduce_min3A_944 = arith.constant dense<2147483647> : vector<1024xi32>
      %reduce_min3A_945 = vector.multi_reduction <minsi>, %select_n3A_943, %reduce_min3A_944 [0] : vector<32x1024xi32> to vector<1024xi32>
      %broadcast_in_dim3A_946 = vector.shape_cast %reduce_min3A_945 : vector<1024xi32> to vector<1x1024xi32>
      %eq3A_947 = vector.broadcast %broadcast_in_dim3A_946 : vector<1x1024xi32> to vector<32x1024xi32>
      %eq3A_948 = arith.cmpi eq, %concatenate3A_886, %eq3A_947 : vector<32x1024xi32>
      %and3A_949 = arith.andi %eq3A_940, %eq3A_948 : vector<32x1024xi1>
      %jit3A_950 = arith.constant 0xFF800000 : f32
      %broadcast_in_dim3A_951 = vector.broadcast %jit3A_950 : f32 to vector<32x1024xf32>
      %select_n3A_952 = arith.select %and3A_949, %broadcast_in_dim3A_951, %select_n3A_935 : vector<32x1024xi1>, vector<32x1024xf32>
      %reduce_max3A_953 = arith.constant dense<0xFF800000> : vector<1024xf32>
      %reduce_max3A_954 = vector.multi_reduction <maximumf>, %select_n3A_952, %reduce_max3A_953 [0] : vector<32x1024xf32> to vector<1024xf32>
      %broadcast_in_dim3A_955 = vector.shape_cast %reduce_max3A_954 : vector<1024xf32> to vector<1x1024xf32>
      %eq3A_956 = vector.broadcast %broadcast_in_dim3A_955 : vector<1x1024xf32> to vector<32x1024xf32>
      %eq3A_957 = arith.cmpf oeq, %select_n3A_952, %eq3A_956 : vector<32x1024xf32>
      %jit3A_958 = arith.constant 1073741824 : i32
      %broadcast_in_dim3A_959 = vector.broadcast %jit3A_958 : i32 to vector<32x1024xi32>
      %select_n3A_960 = arith.select %eq3A_957, %concatenate3A_886, %broadcast_in_dim3A_959 : vector<32x1024xi1>, vector<32x1024xi32>
      %reduce_min3A_961 = arith.constant dense<2147483647> : vector<1024xi32>
      %reduce_min3A_962 = vector.multi_reduction <minsi>, %select_n3A_960, %reduce_min3A_961 [0] : vector<32x1024xi32> to vector<1024xi32>
      %broadcast_in_dim3A_963 = vector.shape_cast %reduce_min3A_962 : vector<1024xi32> to vector<1x1024xi32>
      %eq3A_964 = vector.broadcast %broadcast_in_dim3A_963 : vector<1x1024xi32> to vector<32x1024xi32>
      %eq3A_965 = arith.cmpi eq, %concatenate3A_886, %eq3A_964 : vector<32x1024xi32>
      %and3A_966 = arith.andi %eq3A_957, %eq3A_965 : vector<32x1024xi1>
      %jit3A_967 = arith.constant 0xFF800000 : f32
      %broadcast_in_dim3A_968 = vector.broadcast %jit3A_967 : f32 to vector<32x1024xf32>
      %select_n3A_969 = arith.select %and3A_966, %broadcast_in_dim3A_968, %select_n3A_952 : vector<32x1024xi1>, vector<32x1024xf32>
      %reduce_max3A_970 = arith.constant dense<0xFF800000> : vector<1024xf32>
      %reduce_max3A_971 = vector.multi_reduction <maximumf>, %select_n3A_969, %reduce_max3A_970 [0] : vector<32x1024xf32> to vector<1024xf32>
      %broadcast_in_dim3A_972 = vector.shape_cast %reduce_max3A_971 : vector<1024xf32> to vector<1x1024xf32>
      %eq3A_973 = vector.broadcast %broadcast_in_dim3A_972 : vector<1x1024xf32> to vector<32x1024xf32>
      %eq3A_974 = arith.cmpf oeq, %select_n3A_969, %eq3A_973 : vector<32x1024xf32>
      %jit3A_975 = arith.constant 1073741824 : i32
      %broadcast_in_dim3A_976 = vector.broadcast %jit3A_975 : i32 to vector<32x1024xi32>
      %select_n3A_977 = arith.select %eq3A_974, %concatenate3A_886, %broadcast_in_dim3A_976 : vector<32x1024xi1>, vector<32x1024xi32>
      %reduce_min3A_978 = arith.constant dense<2147483647> : vector<1024xi32>
      %reduce_min3A_979 = vector.multi_reduction <minsi>, %select_n3A_977, %reduce_min3A_978 [0] : vector<32x1024xi32> to vector<1024xi32>
      %broadcast_in_dim3A_980 = vector.shape_cast %reduce_min3A_979 : vector<1024xi32> to vector<1x1024xi32>
      %eq3A_981 = vector.broadcast %broadcast_in_dim3A_980 : vector<1x1024xi32> to vector<32x1024xi32>
      %eq3A_982 = arith.cmpi eq, %concatenate3A_886, %eq3A_981 : vector<32x1024xi32>
      %and3A_983 = arith.andi %eq3A_974, %eq3A_982 : vector<32x1024xi1>
      %jit3A_984 = arith.constant 0xFF800000 : f32
      %broadcast_in_dim3A_985 = vector.broadcast %jit3A_984 : f32 to vector<32x1024xf32>
      %select_n3A_986 = arith.select %and3A_983, %broadcast_in_dim3A_985, %select_n3A_969 : vector<32x1024xi1>, vector<32x1024xf32>
      %reduce_max3A_987 = arith.constant dense<0xFF800000> : vector<1024xf32>
      %reduce_max3A_988 = vector.multi_reduction <maximumf>, %select_n3A_986, %reduce_max3A_987 [0] : vector<32x1024xf32> to vector<1024xf32>
      %broadcast_in_dim3A_989 = vector.shape_cast %reduce_max3A_988 : vector<1024xf32> to vector<1x1024xf32>
      %eq3A_990 = vector.broadcast %broadcast_in_dim3A_989 : vector<1x1024xf32> to vector<32x1024xf32>
      %eq3A_991 = arith.cmpf oeq, %select_n3A_986, %eq3A_990 : vector<32x1024xf32>
      %jit3A_992 = arith.constant 1073741824 : i32
      %broadcast_in_dim3A_993 = vector.broadcast %jit3A_992 : i32 to vector<32x1024xi32>
      %select_n3A_994 = arith.select %eq3A_991, %concatenate3A_886, %broadcast_in_dim3A_993 : vector<32x1024xi1>, vector<32x1024xi32>
      %reduce_min3A_995 = arith.constant dense<2147483647> : vector<1024xi32>
      %reduce_min3A_996 = vector.multi_reduction <minsi>, %select_n3A_994, %reduce_min3A_995 [0] : vector<32x1024xi32> to vector<1024xi32>
      %broadcast_in_dim3A_997 = vector.shape_cast %reduce_min3A_996 : vector<1024xi32> to vector<1x1024xi32>
      %eq3A_998 = vector.broadcast %broadcast_in_dim3A_997 : vector<1x1024xi32> to vector<32x1024xi32>
      %eq3A_999 = arith.cmpi eq, %concatenate3A_886, %eq3A_998 : vector<32x1024xi32>
      %and3A_1000 = arith.andi %eq3A_991, %eq3A_999 : vector<32x1024xi1>
      %jit3A_1001 = arith.constant 0xFF800000 : f32
      %broadcast_in_dim3A_1002 = vector.broadcast %jit3A_1001 : f32 to vector<32x1024xf32>
      %select_n3A_1003 = arith.select %and3A_1000, %broadcast_in_dim3A_1002, %select_n3A_986 : vector<32x1024xi1>, vector<32x1024xf32>
      %reduce_max3A_1004 = arith.constant dense<0xFF800000> : vector<1024xf32>
      %reduce_max3A_1005 = vector.multi_reduction <maximumf>, %select_n3A_1003, %reduce_max3A_1004 [0] : vector<32x1024xf32> to vector<1024xf32>
      %broadcast_in_dim3A_1006 = vector.shape_cast %reduce_max3A_1005 : vector<1024xf32> to vector<1x1024xf32>
      %eq3A_1007 = vector.broadcast %broadcast_in_dim3A_1006 : vector<1x1024xf32> to vector<32x1024xf32>
      %eq3A_1008 = arith.cmpf oeq, %select_n3A_1003, %eq3A_1007 : vector<32x1024xf32>
      %jit3A_1009 = arith.constant 1073741824 : i32
      %broadcast_in_dim3A_1010 = vector.broadcast %jit3A_1009 : i32 to vector<32x1024xi32>
      %select_n3A_1011 = arith.select %eq3A_1008, %concatenate3A_886, %broadcast_in_dim3A_1010 : vector<32x1024xi1>, vector<32x1024xi32>
      %reduce_min3A_1012 = arith.constant dense<2147483647> : vector<1024xi32>
      %reduce_min3A_1013 = vector.multi_reduction <minsi>, %select_n3A_1011, %reduce_min3A_1012 [0] : vector<32x1024xi32> to vector<1024xi32>
      %broadcast_in_dim3A_1014 = vector.shape_cast %reduce_min3A_1013 : vector<1024xi32> to vector<1x1024xi32>
      %eq3A_1015 = vector.broadcast %broadcast_in_dim3A_1014 : vector<1x1024xi32> to vector<32x1024xi32>
      %eq3A_1016 = arith.cmpi eq, %concatenate3A_886, %eq3A_1015 : vector<32x1024xi32>
      %and3A_1017 = arith.andi %eq3A_1008, %eq3A_1016 : vector<32x1024xi1>
      %jit3A_1018 = arith.constant 0xFF800000 : f32
      %broadcast_in_dim3A_1019 = vector.broadcast %jit3A_1018 : f32 to vector<32x1024xf32>
      %select_n3A_1020 = arith.select %and3A_1017, %broadcast_in_dim3A_1019, %select_n3A_1003 : vector<32x1024xi1>, vector<32x1024xf32>
      %reduce_max3A_1021 = arith.constant dense<0xFF800000> : vector<1024xf32>
      %reduce_max3A_1022 = vector.multi_reduction <maximumf>, %select_n3A_1020, %reduce_max3A_1021 [0] : vector<32x1024xf32> to vector<1024xf32>
      %broadcast_in_dim3A_1023 = vector.shape_cast %reduce_max3A_1022 : vector<1024xf32> to vector<1x1024xf32>
      %eq3A_1024 = vector.broadcast %broadcast_in_dim3A_1023 : vector<1x1024xf32> to vector<32x1024xf32>
      %eq3A_1025 = arith.cmpf oeq, %select_n3A_1020, %eq3A_1024 : vector<32x1024xf32>
      %jit3A_1026 = arith.constant 1073741824 : i32
      %broadcast_in_dim3A_1027 = vector.broadcast %jit3A_1026 : i32 to vector<32x1024xi32>
      %select_n3A_1028 = arith.select %eq3A_1025, %concatenate3A_886, %broadcast_in_dim3A_1027 : vector<32x1024xi1>, vector<32x1024xi32>
      %reduce_min3A_1029 = arith.constant dense<2147483647> : vector<1024xi32>
      %reduce_min3A_1030 = vector.multi_reduction <minsi>, %select_n3A_1028, %reduce_min3A_1029 [0] : vector<32x1024xi32> to vector<1024xi32>
      %broadcast_in_dim3A_1031 = vector.shape_cast %reduce_min3A_1030 : vector<1024xi32> to vector<1x1024xi32>
      %eq3A_1032 = vector.broadcast %broadcast_in_dim3A_1031 : vector<1x1024xi32> to vector<32x1024xi32>
      %eq3A_1033 = arith.cmpi eq, %concatenate3A_886, %eq3A_1032 : vector<32x1024xi32>
      %and3A_1034 = arith.andi %eq3A_1025, %eq3A_1033 : vector<32x1024xi1>
      %jit3A_1035 = arith.constant 0xFF800000 : f32
      %broadcast_in_dim3A_1036 = vector.broadcast %jit3A_1035 : f32 to vector<32x1024xf32>
      %select_n3A_1037 = arith.select %and3A_1034, %broadcast_in_dim3A_1036, %select_n3A_1020 : vector<32x1024xi1>, vector<32x1024xf32>
      %reduce_max3A_1038 = arith.constant dense<0xFF800000> : vector<1024xf32>
      %reduce_max3A_1039 = vector.multi_reduction <maximumf>, %select_n3A_1037, %reduce_max3A_1038 [0] : vector<32x1024xf32> to vector<1024xf32>
      %broadcast_in_dim3A_1040 = vector.shape_cast %reduce_max3A_1039 : vector<1024xf32> to vector<1x1024xf32>
      %eq3A_1041 = vector.broadcast %broadcast_in_dim3A_1040 : vector<1x1024xf32> to vector<32x1024xf32>
      %eq3A_1042 = arith.cmpf oeq, %select_n3A_1037, %eq3A_1041 : vector<32x1024xf32>
      %jit3A_1043 = arith.constant 1073741824 : i32
      %broadcast_in_dim3A_1044 = vector.broadcast %jit3A_1043 : i32 to vector<32x1024xi32>
      %select_n3A_1045 = arith.select %eq3A_1042, %concatenate3A_886, %broadcast_in_dim3A_1044 : vector<32x1024xi1>, vector<32x1024xi32>
      %reduce_min3A_1046 = arith.constant dense<2147483647> : vector<1024xi32>
      %reduce_min3A_1047 = vector.multi_reduction <minsi>, %select_n3A_1045, %reduce_min3A_1046 [0] : vector<32x1024xi32> to vector<1024xi32>
      %broadcast_in_dim3A_1048 = vector.shape_cast %reduce_min3A_1047 : vector<1024xi32> to vector<1x1024xi32>
      %eq3A_1049 = vector.broadcast %broadcast_in_dim3A_1048 : vector<1x1024xi32> to vector<32x1024xi32>
      %eq3A_1050 = arith.cmpi eq, %concatenate3A_886, %eq3A_1049 : vector<32x1024xi32>
      %and3A_1051 = arith.andi %eq3A_1042, %eq3A_1050 : vector<32x1024xi1>
      %jit3A_1052 = arith.constant 0xFF800000 : f32
      %broadcast_in_dim3A_1053 = vector.broadcast %jit3A_1052 : f32 to vector<32x1024xf32>
      %select_n3A_1054 = arith.select %and3A_1051, %broadcast_in_dim3A_1053, %select_n3A_1037 : vector<32x1024xi1>, vector<32x1024xf32>
      %reduce_max3A_1055 = arith.constant dense<0xFF800000> : vector<1024xf32>
      %reduce_max3A_1056 = vector.multi_reduction <maximumf>, %select_n3A_1054, %reduce_max3A_1055 [0] : vector<32x1024xf32> to vector<1024xf32>
      %broadcast_in_dim3A_1057 = vector.shape_cast %reduce_max3A_1056 : vector<1024xf32> to vector<1x1024xf32>
      %eq3A_1058 = vector.broadcast %broadcast_in_dim3A_1057 : vector<1x1024xf32> to vector<32x1024xf32>
      %eq3A_1059 = arith.cmpf oeq, %select_n3A_1054, %eq3A_1058 : vector<32x1024xf32>
      %jit3A_1060 = arith.constant 1073741824 : i32
      %broadcast_in_dim3A_1061 = vector.broadcast %jit3A_1060 : i32 to vector<32x1024xi32>
      %select_n3A_1062 = arith.select %eq3A_1059, %concatenate3A_886, %broadcast_in_dim3A_1061 : vector<32x1024xi1>, vector<32x1024xi32>
      %reduce_min3A_1063 = arith.constant dense<2147483647> : vector<1024xi32>
      %reduce_min3A_1064 = vector.multi_reduction <minsi>, %select_n3A_1062, %reduce_min3A_1063 [0] : vector<32x1024xi32> to vector<1024xi32>
      %broadcast_in_dim3A_1065 = vector.shape_cast %reduce_min3A_1064 : vector<1024xi32> to vector<1x1024xi32>
      %eq3A_1066 = vector.broadcast %broadcast_in_dim3A_1065 : vector<1x1024xi32> to vector<32x1024xi32>
      %eq3A_1067 = arith.cmpi eq, %concatenate3A_886, %eq3A_1066 : vector<32x1024xi32>
      %and3A_1068 = arith.andi %eq3A_1059, %eq3A_1067 : vector<32x1024xi1>
      %jit3A_1069 = arith.constant 0xFF800000 : f32
      %broadcast_in_dim3A_1070 = vector.broadcast %jit3A_1069 : f32 to vector<32x1024xf32>
      %select_n3A_1071 = arith.select %and3A_1068, %broadcast_in_dim3A_1070, %select_n3A_1054 : vector<32x1024xi1>, vector<32x1024xf32>
      %reduce_max3A_1072 = arith.constant dense<0xFF800000> : vector<1024xf32>
      %reduce_max3A_1073 = vector.multi_reduction <maximumf>, %select_n3A_1071, %reduce_max3A_1072 [0] : vector<32x1024xf32> to vector<1024xf32>
      %broadcast_in_dim3A_1074 = vector.shape_cast %reduce_max3A_1073 : vector<1024xf32> to vector<1x1024xf32>
      %eq3A_1075 = vector.broadcast %broadcast_in_dim3A_1074 : vector<1x1024xf32> to vector<32x1024xf32>
      %eq3A_1076 = arith.cmpf oeq, %select_n3A_1071, %eq3A_1075 : vector<32x1024xf32>
      %jit3A_1077 = arith.constant 1073741824 : i32
      %broadcast_in_dim3A_1078 = vector.broadcast %jit3A_1077 : i32 to vector<32x1024xi32>
      %select_n3A_1079 = arith.select %eq3A_1076, %concatenate3A_886, %broadcast_in_dim3A_1078 : vector<32x1024xi1>, vector<32x1024xi32>
      %reduce_min3A_1080 = arith.constant dense<2147483647> : vector<1024xi32>
      %reduce_min3A_1081 = vector.multi_reduction <minsi>, %select_n3A_1079, %reduce_min3A_1080 [0] : vector<32x1024xi32> to vector<1024xi32>
      %broadcast_in_dim3A_1082 = vector.shape_cast %reduce_min3A_1081 : vector<1024xi32> to vector<1x1024xi32>
      %eq3A_1083 = vector.broadcast %broadcast_in_dim3A_1082 : vector<1x1024xi32> to vector<32x1024xi32>
      %eq3A_1084 = arith.cmpi eq, %concatenate3A_886, %eq3A_1083 : vector<32x1024xi32>
      %and3A_1085 = arith.andi %eq3A_1076, %eq3A_1084 : vector<32x1024xi1>
      %jit3A_1086 = arith.constant 0xFF800000 : f32
      %broadcast_in_dim3A_1087 = vector.broadcast %jit3A_1086 : f32 to vector<32x1024xf32>
      %select_n3A_1088 = arith.select %and3A_1085, %broadcast_in_dim3A_1087, %select_n3A_1071 : vector<32x1024xi1>, vector<32x1024xf32>
      %reduce_max3A_1089 = arith.constant dense<0xFF800000> : vector<1024xf32>
      %reduce_max3A_1090 = vector.multi_reduction <maximumf>, %select_n3A_1088, %reduce_max3A_1089 [0] : vector<32x1024xf32> to vector<1024xf32>
      %broadcast_in_dim3A_1091 = vector.shape_cast %reduce_max3A_1090 : vector<1024xf32> to vector<1x1024xf32>
      %eq3A_1092 = vector.broadcast %broadcast_in_dim3A_1091 : vector<1x1024xf32> to vector<32x1024xf32>
      %eq3A_1093 = arith.cmpf oeq, %select_n3A_1088, %eq3A_1092 : vector<32x1024xf32>
      %jit3A_1094 = arith.constant 1073741824 : i32
      %broadcast_in_dim3A_1095 = vector.broadcast %jit3A_1094 : i32 to vector<32x1024xi32>
      %select_n3A_1096 = arith.select %eq3A_1093, %concatenate3A_886, %broadcast_in_dim3A_1095 : vector<32x1024xi1>, vector<32x1024xi32>
      %reduce_min3A_1097 = arith.constant dense<2147483647> : vector<1024xi32>
      %reduce_min3A_1098 = vector.multi_reduction <minsi>, %select_n3A_1096, %reduce_min3A_1097 [0] : vector<32x1024xi32> to vector<1024xi32>
      %broadcast_in_dim3A_1099 = vector.shape_cast %reduce_min3A_1098 : vector<1024xi32> to vector<1x1024xi32>
      %eq3A_1100 = vector.broadcast %broadcast_in_dim3A_1099 : vector<1x1024xi32> to vector<32x1024xi32>
      %eq3A_1101 = arith.cmpi eq, %concatenate3A_886, %eq3A_1100 : vector<32x1024xi32>
      %and3A_1102 = arith.andi %eq3A_1093, %eq3A_1101 : vector<32x1024xi1>
      %jit3A_1103 = arith.constant 0xFF800000 : f32
      %broadcast_in_dim3A_1104 = vector.broadcast %jit3A_1103 : f32 to vector<32x1024xf32>
      %select_n3A_1105 = arith.select %and3A_1102, %broadcast_in_dim3A_1104, %select_n3A_1088 : vector<32x1024xi1>, vector<32x1024xf32>
      %reduce_max3A_1106 = arith.constant dense<0xFF800000> : vector<1024xf32>
      %reduce_max3A_1107 = vector.multi_reduction <maximumf>, %select_n3A_1105, %reduce_max3A_1106 [0] : vector<32x1024xf32> to vector<1024xf32>
      %broadcast_in_dim3A_1108 = vector.shape_cast %reduce_max3A_1107 : vector<1024xf32> to vector<1x1024xf32>
      %eq3A_1109 = vector.broadcast %broadcast_in_dim3A_1108 : vector<1x1024xf32> to vector<32x1024xf32>
      %eq3A_1110 = arith.cmpf oeq, %select_n3A_1105, %eq3A_1109 : vector<32x1024xf32>
      %jit3A_1111 = arith.constant 1073741824 : i32
      %broadcast_in_dim3A_1112 = vector.broadcast %jit3A_1111 : i32 to vector<32x1024xi32>
      %select_n3A_1113 = arith.select %eq3A_1110, %concatenate3A_886, %broadcast_in_dim3A_1112 : vector<32x1024xi1>, vector<32x1024xi32>
      %reduce_min3A_1114 = arith.constant dense<2147483647> : vector<1024xi32>
      %reduce_min3A_1115 = vector.multi_reduction <minsi>, %select_n3A_1113, %reduce_min3A_1114 [0] : vector<32x1024xi32> to vector<1024xi32>
      %broadcast_in_dim3A_1116 = vector.shape_cast %reduce_min3A_1115 : vector<1024xi32> to vector<1x1024xi32>
      %eq3A_1117 = vector.broadcast %broadcast_in_dim3A_1116 : vector<1x1024xi32> to vector<32x1024xi32>
      %eq3A_1118 = arith.cmpi eq, %concatenate3A_886, %eq3A_1117 : vector<32x1024xi32>
      %and3A_1119 = arith.andi %eq3A_1110, %eq3A_1118 : vector<32x1024xi1>
      %jit3A_1120 = arith.constant 0xFF800000 : f32
      %broadcast_in_dim3A_1121 = vector.broadcast %jit3A_1120 : f32 to vector<32x1024xf32>
      %select_n3A_1122 = arith.select %and3A_1119, %broadcast_in_dim3A_1121, %select_n3A_1105 : vector<32x1024xi1>, vector<32x1024xf32>
      %reduce_max3A_1123 = arith.constant dense<0xFF800000> : vector<1024xf32>
      %reduce_max3A_1124 = vector.multi_reduction <maximumf>, %select_n3A_1122, %reduce_max3A_1123 [0] : vector<32x1024xf32> to vector<1024xf32>
      %broadcast_in_dim3A_1125 = vector.shape_cast %reduce_max3A_1124 : vector<1024xf32> to vector<1x1024xf32>
      %eq3A_1126 = vector.broadcast %broadcast_in_dim3A_1125 : vector<1x1024xf32> to vector<32x1024xf32>
      %eq3A_1127 = arith.cmpf oeq, %select_n3A_1122, %eq3A_1126 : vector<32x1024xf32>
      %jit3A_1128 = arith.constant 1073741824 : i32
      %broadcast_in_dim3A_1129 = vector.broadcast %jit3A_1128 : i32 to vector<32x1024xi32>
      %select_n3A_1130 = arith.select %eq3A_1127, %concatenate3A_886, %broadcast_in_dim3A_1129 : vector<32x1024xi1>, vector<32x1024xi32>
      %reduce_min3A_1131 = arith.constant dense<2147483647> : vector<1024xi32>
      %reduce_min3A_1132 = vector.multi_reduction <minsi>, %select_n3A_1130, %reduce_min3A_1131 [0] : vector<32x1024xi32> to vector<1024xi32>
      %broadcast_in_dim3A_1133 = vector.shape_cast %reduce_min3A_1132 : vector<1024xi32> to vector<1x1024xi32>
      %eq3A_1134 = vector.broadcast %broadcast_in_dim3A_1133 : vector<1x1024xi32> to vector<32x1024xi32>
      %eq3A_1135 = arith.cmpi eq, %concatenate3A_886, %eq3A_1134 : vector<32x1024xi32>
      %and3A_1136 = arith.andi %eq3A_1127, %eq3A_1135 : vector<32x1024xi1>
      %jit3A_1137 = arith.constant 0xFF800000 : f32
      %broadcast_in_dim3A_1138 = vector.broadcast %jit3A_1137 : f32 to vector<32x1024xf32>
      %select_n3A_1139 = arith.select %and3A_1136, %broadcast_in_dim3A_1138, %select_n3A_1122 : vector<32x1024xi1>, vector<32x1024xf32>
      %reduce_max3A_1140 = arith.constant dense<0xFF800000> : vector<1024xf32>
      %reduce_max3A_1141 = vector.multi_reduction <maximumf>, %select_n3A_1139, %reduce_max3A_1140 [0] : vector<32x1024xf32> to vector<1024xf32>
      %broadcast_in_dim3A_1142 = vector.shape_cast %reduce_max3A_1141 : vector<1024xf32> to vector<1x1024xf32>
      %eq3A_1143 = vector.broadcast %broadcast_in_dim3A_1142 : vector<1x1024xf32> to vector<32x1024xf32>
      %eq3A_1144 = arith.cmpf oeq, %select_n3A_1139, %eq3A_1143 : vector<32x1024xf32>
      %jit3A_1145 = arith.constant 1073741824 : i32
      %broadcast_in_dim3A_1146 = vector.broadcast %jit3A_1145 : i32 to vector<32x1024xi32>
      %select_n3A_1147 = arith.select %eq3A_1144, %concatenate3A_886, %broadcast_in_dim3A_1146 : vector<32x1024xi1>, vector<32x1024xi32>
      %reduce_min3A_1148 = arith.constant dense<2147483647> : vector<1024xi32>
      %reduce_min3A_1149 = vector.multi_reduction <minsi>, %select_n3A_1147, %reduce_min3A_1148 [0] : vector<32x1024xi32> to vector<1024xi32>
      %broadcast_in_dim3A_1150 = vector.shape_cast %reduce_min3A_1149 : vector<1024xi32> to vector<1x1024xi32>
      %eq3A_1151 = vector.broadcast %broadcast_in_dim3A_1150 : vector<1x1024xi32> to vector<32x1024xi32>
      %eq3A_1152 = arith.cmpi eq, %concatenate3A_886, %eq3A_1151 : vector<32x1024xi32>
      %and3A_1153 = arith.andi %eq3A_1144, %eq3A_1152 : vector<32x1024xi1>
      %jit3A_1154 = arith.constant 0xFF800000 : f32
      %broadcast_in_dim3A_1155 = vector.broadcast %jit3A_1154 : f32 to vector<32x1024xf32>
      %select_n3A_1156 = arith.select %and3A_1153, %broadcast_in_dim3A_1155, %select_n3A_1139 : vector<32x1024xi1>, vector<32x1024xf32>
      %concatenate3A_1157 = tpu.concatenate %broadcast_in_dim3A_888, %broadcast_in_dim3A_904, %broadcast_in_dim3A_921, %broadcast_in_dim3A_938, %broadcast_in_dim3A_955, %broadcast_in_dim3A_972, %broadcast_in_dim3A_989, %broadcast_in_dim3A_1006, %broadcast_in_dim3A_1023, %broadcast_in_dim3A_1040, %broadcast_in_dim3A_1057, %broadcast_in_dim3A_1074, %broadcast_in_dim3A_1091, %broadcast_in_dim3A_1108, %broadcast_in_dim3A_1125, %broadcast_in_dim3A_1142 in 0 : vector<1x1024xf32>, vector<1x1024xf32>, vector<1x1024xf32>, vector<1x1024xf32>, vector<1x1024xf32>, vector<1x1024xf32>, vector<1x1024xf32>, vector<1x1024xf32>, vector<1x1024xf32>, vector<1x1024xf32>, vector<1x1024xf32>, vector<1x1024xf32>, vector<1x1024xf32>, vector<1x1024xf32>, vector<1x1024xf32>, vector<1x1024xf32> -> vector<16x1024xf32>
      %concatenate3A_1158 = tpu.concatenate %broadcast_in_dim3A_895, %broadcast_in_dim3A_912, %broadcast_in_dim3A_929, %broadcast_in_dim3A_946, %broadcast_in_dim3A_963, %broadcast_in_dim3A_980, %broadcast_in_dim3A_997, %broadcast_in_dim3A_1014, %broadcast_in_dim3A_1031, %broadcast_in_dim3A_1048, %broadcast_in_dim3A_1065, %broadcast_in_dim3A_1082, %broadcast_in_dim3A_1099, %broadcast_in_dim3A_1116, %broadcast_in_dim3A_1133, %broadcast_in_dim3A_1150 in 0 : vector<1x1024xi32>, vector<1x1024xi32>, vector<1x1024xi32>, vector<1x1024xi32>, vector<1x1024xi32>, vector<1x1024xi32>, vector<1x1024xi32>, vector<1x1024xi32>, vector<1x1024xi32>, vector<1x1024xi32>, vector<1x1024xi32>, vector<1x1024xi32>, vector<1x1024xi32>, vector<1x1024xi32>, vector<1x1024xi32>, vector<1x1024xi32> -> vector<16x1024xi32>
      %swap3A_1159 = arith.constant 0 : index
      %swap3A_1160 = arith.constant 0 : index
      %swap3A_1161 = vector.load %arg7[%swap3A_1159, %swap3A_1160] : memref<16x1024xf32, #tpu.memory_space<vmem>>, vector<16x1024xf32>
      tpu.vector_store %arg7[%swap3A_1159, %swap3A_1160], %concatenate3A_1157 {strides = array<i32>} : memref<16x1024xf32, #tpu.memory_space<vmem>>, vector<16x1024xf32>,
      %swap3A_1162 = arith.constant 0 : index
      %swap3A_1163 = arith.constant 0 : index
      %swap3A_1164 = vector.load %arg8[%swap3A_1162, %swap3A_1163] : memref<16x1024xi32, #tpu.memory_space<vmem>>, vector<16x1024xi32>
      tpu.vector_store %arg8[%swap3A_1162, %swap3A_1163], %concatenate3A_1158 {strides = array<i32>} : memref<16x1024xi32, #tpu.memory_space<vmem>>, vector<16x1024xi32>,
      %slice3A_1165 = vector.extract_strided_slice %concatenate3A_1157 {offsets = [15, 0], sizes = [1, 1024], strides = [1, 1]} : vector<16x1024xf32> to vector<1x1024xf32>
      %transpose3A_1166 = tpu.transpose %slice3A_1165, [1, 0] : vector<1x1024xf32> -> vector<1024x1xf32>
      %swap3A_1167 = arith.constant 0 : index
      %swap3A_1168 = arith.constant 0 : index
      %swap3A_1169 = vector.load %arg9[%swap3A_1167, %swap3A_1168] : memref<1024x1xf32, #tpu.memory_space<vmem>>, vector<1024x1xf32>
      tpu.vector_store %arg9[%swap3A_1167, %swap3A_1168], %transpose3A_1166 {strides = array<i32>} : memref<1024x1xf32, #tpu.memory_space<vmem>>, vector<1024x1xf32>,
      %ge3A_1170 = vector.broadcast %transpose3A_1166 : vector<1024x1xf32> to vector<1024x128xf32>
      %ge3A_1171 = arith.cmpf oge, %select_n3A_874, %ge3A_1170 : vector<1024x128xf32>
      %reduce_or3A_1172 = arith.constant 1.000000e+00 : f32
      %reduce_or3A_1173 = arith.constant 0.000000e+00 : f32
      %reduce_or3A_1174 = vector.broadcast %reduce_or3A_1172 : f32 to vector<1024x128xf32>
      %reduce_or3A_1175 = vector.broadcast %reduce_or3A_1173 : f32 to vector<1024x128xf32>
      %reduce_or3A_1176 = arith.select %ge3A_1171, %reduce_or3A_1174, %reduce_or3A_1175 : vector<1024x128xi1>, vector<1024x128xf32>
      %reduce_or3A_1177 = vector.shape_cast %reduce_or3A_1176 : vector<1024x128xf32> to vector<1x1024x128xf32>
      %reduce_or3A_1178 = arith.constant dense<0xFF800000> : vector<1xf32>
      %reduce_or3A_1179 = vector.multi_reduction <maximumf>, %reduce_or3A_1177, %reduce_or3A_1178 [1, 2] : vector<1x1024x128xf32> to vector<1xf32>
      %reduce_or3A_1180 = vector.shape_cast %reduce_or3A_1179 : vector<1xf32> to vector<1x1x1xf32>
      %reduce_or3A_1181 = vector.extract %reduce_or3A_1180[0, 0, 0] : f32 from vector<1x1x1xf32>
      %reduce_or3A_1182 = arith.constant 0.000000e+00 : f32
      %reduce_or3A_1183 = arith.cmpf ogt, %reduce_or3A_1181, %reduce_or3A_1182 : f32
      scf.yield %select_n3A_874, %select_n3A_877, %reduce_or3A_1183 : vector<1024x128xf32>, vector<1024x128xi32>, i1
    }
    %eq3A_217 = arith.constant 24 : i32
    %eq3A_218 = arith.cmpi eq, %arg1, %eq3A_217 : i32
    %convert_element_type3A_219 = arith.extui %eq3A_218 : i1 to i32
    %cond3A_220 = arith.constant 0 : i32
    %cond3A_221 = arith.cmpi ne, %convert_element_type3A_219, %cond3A_220 : i32
    scf.if %cond3A_221 {
      %get3A_222 = arith.constant 0 : index
      %get3A_223 = arith.constant 0 : index
      %get3A_224 = vector.load %arg7[%get3A_222, %get3A_223] : memref<16x1024xf32, #tpu.memory_space<vmem>>, vector<16x1024xf32>
      %transpose3A = tpu.transpose %get3A_224, [1, 0] : vector<16x1024xf32> -> vector<1024x16xf32>
      %swap3A_225 = arith.constant 0 : index
      %swap3A_226 = arith.constant 0 : index
      %swap3A_227 = vector.load %arg4[%swap3A_225, %swap3A_226] : memref<1024x16xf32, #tpu.memory_space<vmem>>, vector<1024x16xf32>
      tpu.vector_store %arg4[%swap3A_225, %swap3A_226], %transpose3A {strides = array<i32>} : memref<1024x16xf32, #tpu.memory_space<vmem>>, vector<1024x16xf32>,
      %get3A_228 = arith.constant 0 : index
      %get3A_229 = arith.constant 0 : index
      %get3A_230 = vector.load %arg8[%get3A_228, %get3A_229] : memref<16x1024xi32, #tpu.memory_space<vmem>>, vector<16x1024xi32>
      %transpose3A_231 = tpu.transpose %get3A_230, [1, 0] : vector<16x1024xi32> -> vector<1024x16xi32>
      %swap3A_232 = arith.constant 0 : index
      %swap3A_233 = arith.constant 0 : index
      %swap3A_234 = vector.load %arg5[%swap3A_232, %swap3A_233] : memref<1024x16xi32, #tpu.memory_space<vmem>>, vector<1024x16xi32>
      tpu.vector_store %arg5[%swap3A_232, %swap3A_233], %transpose3A_231 {strides = array<i32>} : memref<1024x16xi32, #tpu.memory_space<vmem>>, vector<1024x16xi32>,
    } else {
    }
    return
  }
  func.func @transform_0(%arg0: i32, %arg1: i32) -> (i32, i32) {
    %c0_i32 = arith.constant 0 : i32
    %c0_i32_0 = arith.constant 0 : i32
    return %arg0, %c0_i32 : i32, i32
  }
  func.func @transform_1(%arg0: i32, %arg1: i32) -> (i32, i32) {
    %c0_i32 = arith.constant 0 : i32
    %c0_i32_0 = arith.constant 0 : i32
    return %arg1, %c0_i32 : i32, i32
  }
  func.func @transform_2(%arg0: i32, %arg1: i32) -> (i32, i32) {
    %c0_i32 = arith.constant 0 : i32
    %c0_i32_0 = arith.constant 0 : i32
    return %arg0, %c0_i32 : i32, i32
  }
  func.func @transform_3(%arg0: i32, %arg1: i32) -> (i32, i32) {
    %c0_i32 = arith.constant 0 : i32
    %c0_i32_0 = arith.constant 0 : i32
    return %arg0, %c0_i32 : i32, i32
  }
}

</mosaic_0001>

<sc_bundles>
// kernel: kernel.4.cloned.1.call-start
scs
__scs_entry_jumppad:
0x0: {  	(pc) =	sbr.rel $0x88, $3  }
0x1: {  	(tag) =	ssettag $0x0;
	lr =	simm.s32 $0x1  }
0x2: {  	[smem:$0x3F9C] =	sst lr;
	_ =	strace $0xD0000000  }
0x3: {  	_ = 	snop  }
0x4: {  	_ = 	snop  }
0x5: {  	_ = 	snop  }
0x6: {  	_ = 	snop  }
0x7: {  	_ = 	snop  }
__scs_overlays_trampoline_lowered:
0x8: {  	[smem:$0x3FAB] =	sst s0  }
0x9: {  	[smem:$0x3FAC] =	sst s1  }
0xa: {  	[smem:$0x3FAD] =	sst s2  }
0xb: {  	[smem:$0x3FAE] =	sst s3  }
0xc: {  	[smem:$0x3FAF] =	sst s4  }
0xd: {  	[smem:$0x3FB0] =	sst s5  }
0xe: {  	[smem:$0x3FB1] =	sst s6  }
0xf: {  	[smem:$0x3FB2] =	sst s7  }
0x10: {  	[smem:$0x3FB3] =	sst s8  }
0x11: {  	[smem:$0x3FB4] =	sst s9;
	s0 =	simm.s32 @!p0 $0x0  }
0x12: {  	s1 =	sld [smem:$0x3F9A];
	s0 =	simm.s32 @p0 $0x1  }
0x13: {  	[smem:$0x3FB5] =	sst s0;
	s0 =	simm.s32 @!p1 $0x0  }
0x14: {  	s2 =	sld [smem:$0x3F99];
	s0 =	simm.s32 @p1 $0x1  }
0x15: {  	[smem:$0x3FB6] =	sst s0;
	s0 =	simm.s32 @!p2 $0x0  }
0x16: {  	s3 =	sld [smem:$0x3FDB];
	s0 =	simm.s32 @p2 $0x1  }
0x17: {  	s4 =	simm.s32 $0x1BF5;
	[smem:$0x3FB8] =	sst s0  }
0x18: {  	s0 =	sld [smem:$0x3F9B];
	_ =	swait.ge [sflag:s4], $0x0  }
0x19: {  	s7 =	sld [smem:$0x3F9C]  }
0x1a: {  	s8 =	sadd.s32 $0xFFFFE003, lr  }
0x1b: {  	s9 =	sadd.s32 $0xFFFFFEF7, lr;
	s5 =	simm.s32 $0xFFFFFFFF;
	p2 =	slt.u32 s8, $0xFFFFF086  }
0x1c: {  	p1 =	slt.u32 s9, $0xF7A;
	s5 =	simm.s32 @!p2 $0x0  }
0x1d: {  	s5 =	simm.s32 @p1 $0x1;
	p0 =	seq.s32 s7, s2  }
0x1e: {  	s7 =	smul.u32 @!p0 $0xF7A, s2;
	p2 =	seq.s32 @!p0 s5, $0x0  }
0x1f: {  	s9 =	smul.u32 $0xF7A, s1;
	s8 =	simm.s32 @!p0 $0x1BF5;
	p2 =	por !p2, p0  }
0x20: {  	[sflag:s8] =	ssyncset.s32 @!p0 $0xFFFFF086;
	s6 =	sadd.s32 @!p0 s3, s7;
	s7 =	simm.s32 @!p0 $0x108  }
0x21: {  	s3 =	sadd.s32 s3, s9;
	s6 =	sadd.s32 @!p0 $0x88, s6;
	s7 =	simm.s32 @p2 $0x1082  }
0x22: {  	[simem:s7], [sflag:s8] =	dma.local @!p0 [hbm:s6], $0xF7A  }
0x23: {  	s9 =	sor.u32 $0xD0000000, s2;
	s6 =	simm.s32 $0x108;
	_ =	swait.ge @!p0 [sflag:s8], $0x0  }
0x24: {  	s3 =	sadd.s32 $0x88, s3;
	s6 =	simm.s32 @!p1 $0x1082;
	[sflag:s4] =	ssyncset.s32 $0xFFFFF086  }
0x25: {  	[simem:s6], [sflag:s4] =	dma.local [hbm:s3], $0xF7A  }
0x26: {  	[smem:$0x3F9C] =	sst s1;
	(tag) =	ssettag s2;
	_ =	strace s9  }
0x27: {  	s1 =	sld [smem:$0x3FAC]  }
0x28: {  	s2 =	sld [smem:$0x3FAD]  }
0x29: {  	s4 =	sld [smem:$0x3FAF]  }
0x2a: {  	p0 =	seq.s32 s5, $0x0;
	s5 =	sld [smem:$0x3FB0]  }
0x2b: {  	s6 =	sld [smem:$0x3FB1]  }
0x2c: {  	s7 =	sld [smem:$0x3FB2]  }
0x2d: {  	s3 =	simm.s32 $0x108;
	s8 =	sld [smem:$0x3FB3]  }
0x2e: {  	s3 =	simm.s32 @!p0 $0x1082;
	s9 =	sld [smem:$0x3FB4]  }
0x2f: {  	lr =	sadd.s32 s0, s3;
	s0 =	sld [smem:$0x3FAB]  }
0x30: {  	s3 =	sld [smem:$0x3FAE]  }
0x31: {  	[smem:$0x3FB7] =	sst s10  }
0x32: {  	s10 =	sld [smem:$0x3FB5];
	_ =	sdelay $0x3  }
0x33: {  	p0 =	seq.s32 s10, $0x1;
	s10 =	sld [smem:$0x3FB7];
	_ =	sdelay $0x3  }
0x34: {  	[smem:$0x3FB7] =	sst s10  }
0x35: {  	s10 =	sld [smem:$0x3FB6];
	_ =	sdelay $0x3  }
0x36: {  	p1 =	seq.s32 s10, $0x1;
	s10 =	sld [smem:$0x3FB7];
	_ =	sdelay $0x3  }
0x37: {  	[smem:$0x3FB7] =	sst s10  }
0x38: {  	s10 =	sld [smem:$0x3FB8]  }
0x39: {  	_ = 	snop;
	(pc) =	sbr.ind lr, $3  }
0x3a: {  	_ = 	snop  }
0x3b: {  	_ = 	snop  }
0x3c: {  	p2 =	seq.s32 s10, $0x1;
	s10 =	sld [smem:$0x3FB7]  }
0x3d: {  	_ =	shalt  }
0x3e: {  	_ =	shalt  }
0x3f: {  	_ =	shalt  }
0x40: {  	_ =	shalt  }
0x41: {  	_ =	shalt  }
0x42: {  	_ =	shalt  }
0x43: {  	_ =	shalt  }
0x44: {  	_ =	shalt  }
0x45: {  	_ =	shalt  }
0x46: {  	_ =	shalt  }
0x47: {  	_ =	shalt  }
0x48: {  	_ =	shalt  }
0x49: {  	_ =	shalt  }
0x4a: {  	_ =	shalt  }
0x4b: {  	_ =	shalt  }
0x4c: {  	_ =	shalt  }
0x4d: {  	_ =	shalt  }
0x4e: {  	_ =	shalt  }
0x4f: {  	_ =	shalt  }
0x50: {  	_ =	shalt  }
0x51: {  	_ =	shalt  }
0x52: {  	_ =	shalt  }
0x53: {  	_ =	shalt  }
0x54: {  	_ =	shalt  }
0x55: {  	_ =	shalt  }
0x56: {  	_ =	shalt  }
0x57: {  	_ =	shalt  }
0x58: {  	_ =	shalt  }
0x59: {  	_ =	shalt  }
0x5a: {  	_ =	shalt  }
0x5b: {  	_ =	shalt  }
0x5c: {  	_ =	shalt  }
0x5d: {  	_ =	shalt  }
0x5e: {  	_ =	shalt  }
0x5f: {  	_ =	shalt  }
0x60: {  	_ =	shalt  }
0x61: {  	_ =	shalt  }
0x62: {  	_ =	shalt  }
0x63: {  	_ =	shalt  }
0x64: {  	_ =	shalt  }
0x65: {  	_ =	shalt  }
0x66: {  	_ =	shalt  }
0x67: {  	_ =	shalt  }
0x68: {  	_ =	shalt  }
0x69: {  	_ =	shalt  }
0x6a: {  	_ =	shalt  }
0x6b: {  	_ =	shalt  }
0x6c: {  	_ =	shalt  }
0x6d: {  	_ =	shalt  }
0x6e: {  	_ =	shalt  }
0x6f: {  	_ =	shalt  }
0x70: {  	_ =	shalt  }
0x71: {  	_ =	shalt  }
0x72: {  	_ =	shalt  }
0x73: {  	_ =	shalt  }
0x74: {  	_ =	shalt  }
0x75: {  	_ =	shalt  }
0x76: {  	_ =	shalt  }
0x77: {  	_ =	shalt  }
0x78: {  	_ =	shalt  }
0x79: {  	_ =	shalt  }
0x7a: {  	_ =	shalt  }
0x7b: {  	_ =	shalt  }
0x7c: {  	_ =	shalt  }
0x7d: {  	_ =	shalt  }
0x7e: {  	_ =	shalt  }
0x7f: {  	_ =	shalt  }
0x80: {  	_ =	shalt  }
0x81: {  	_ =	shalt  }
0x82: {  	_ =	shalt  }
0x83: {  	_ =	shalt  }
0x84: {  	_ =	shalt  }
0x85: {  	_ =	shalt  }
0x86: {  	_ =	shalt  }
0x87: {  	_ =	shalt  }
.Lfunc_end0:
.L_simem_size_0:
called_computation_lowered:
.L_overlay_start_0:
0x88: {  	s2 =	sld [smem:$0x3FD9]  }
0x89: {  	s3 =	sld [smem:$0x3FFE];
	_ =	sdelay $0x1  }
0x8a: {  	s1 =	srdreg.scid  }
0x8b: {  	s0 =	sand.u32 $0x1, s1  }
0x8c: {  	s14 =	sshll.u32 s0, $0xA;
	s2 =	sadd.s32 s3, s2  }
0x8d: {  	s2 =	sadd.s32 s2, s14  }
0x8e: {  	[smem:$0x3FC3] =	sst s2  }
0x8f: {  	_ = 	snop  }
0x90: {  	s2 =	sld [smem:$0x3FD0];
	_ =	sdelay $0x2  }
0x91: {  	s15 =	simm.s32 $0xA;
	s4 =	simm.s32 $0x10  }
0x92: {  	[smem:s4], [sflag:s15] =	dma.local [hbm:s2], $0x1  }
0x93: {  	_ =	swait.eq [sflag:s15], $0x1  }
0x94: {  	[sflag:s15] =	ssyncset.done $0x0  }
0x95: {  	[sflag:s15] =	ssyncadd.s32 $0xFFFFFFFF  }
0x96: {  	s16 =	sld [smem:$0x10];
	(tm) =	ssettm $0x1  }
0x97: {  	s17 =	sld [smem:$0x3FFB];
	_ =	sdelay $0x3  }
0x98: {  	_ =	strace s17  }
0x99: {  	s3 =	sld [smem:$0x3FFC];
	_ =	sdelay $0x3  }
0x9a: {  	_ =	strace s3  }
0x9b: {  	s3 =	sld [smem:$0x3FFD];
	_ =	sdelay $0x3  }
0x9c: {  	_ =	strace s3  }
0x9d: {  	_ =	strace $0x8FFFFFFF  }
0x9e: {  	s18 =	sld [smem:$0x3FDB];
	_ =	sdelay $0x1  }
0x9f: {  	s19 =	simm.s32 $_scs_section_size  }
0xa0: {  	s5 =	simm.s32 $_size__tile_overlayer_lowered;
	s6 =	simm.s32 $_tile_overlayer_lowered  }
0xa1: {  	s22 =	simm.s32 $0x1BFF;
	s21 =	sshll.u32 s6, $0x1;
	s3 =	sadd.s32 s19, s18  }
0xa2: {  	s7 =	simm.s32 $0x0;
	s20 =	sshll.u32 s5, $0x1;
	s5 =	sadd.s32 s21, s3  }
0xa3: {  	[timem:s7], [sflag:s22] =	dma.local [hbm:s5], s20  }
0xa4: {  	_ =	swait.ge [sflag:s22], s20  }
0xa5: {  	s4 =	ssub.s32 $0x0, s20;
	[sflag:s22] =	ssyncset.done $0x0  }
0xa6: {  	[sflag:s22] =	ssyncadd.s32 s4;
	_ =	sdelay $0x1  }
0xa7: {  	s23 =	simm.s32 $0x1B8B  }
0xa8: {  	_ =	swait.ge [sflag:s23], $0x1  }
0xa9: {  	[sflag:s23] =	ssyncset.done $0x0  }
0xaa: {  	s25 =	simm.s32 $0x1B8E;
	s24 =	sld [smem:$0x3FFE];
	[sflag:s23] =	ssyncadd.s32 $0xFFFFFFFF  }
0xab: {  	s26 =	simm.s32 $execute0_lowered;
	[smem:$0x3FD2] =	sst s25  }
0xac: {  	s5 =	sshll.u32 s26, $0x1;
	_ =	strace $0x80000046;
	[dreg:$0x1] =	wrdreg $0xFFFFFFFF  }
0xad: {  	s28 =	simm.s32 $_size_execute0_lowered;
	s3 =	sadd.s32 s3, s5;
	[dreg:$0x0] =	wrdreg $0x0  }
0xae: {  	s5 =	sshll.u32 s28, $0x1;
	[dreg:$0x2] =	wrdreg s3  }
0xaf: {  	[dreg:$0x3] =	wrdreg s5  }
0xb0: {  	[dreg:$0x4] =	wrdreg $0xC0  }
0xb1: {  	_ =	task [dreg:s7], $0x5FFFF  }
0xb2: {  	[dreg:$0x1] =	wrdreg $0xFFFFFFFF  }
0xb3: {  	[dreg:$0x0] =	wrdreg $0x60  }
0xb4: {  	[dreg:$0x2] =	wrdreg s24  }
0xb5: {  	[dreg:$0x3] =	wrdreg s16  }
0xb6: {  	[dreg:$0x4] =	wrdreg $0x9  }
0xb7: {  	_ =	task.clear_ibuf [dreg:s7], $0x5FFFF;
	_ =	strace $0x90000046  }
0xb8: {  	s29 =	simm.s32 $0x9;
	_ =	strace $0x80000048  }
0xb9: {  	_ =	swait.ge [sflag:s29], $0x1  }
0xba: {  	[sflag:s29] =	ssyncadd.s32 $0xFFFFFFFF  }
0xbb: {  	_ =	strace $0x90000048  }
0xbc: {  	_ =	sfence  }
0xbd: {  	s30 =	sld [smem:$0x0];
	_ =	sdelay $0x2  }
0xbe: {  	s31 =	sshll.u32 s1, $0xD;
	s1 =	sshrl.u32 s1, $0x2  }
0xbf: {  	s3 =	sand.u32 $0x4000, s31;
	s1 =	sadd.s32 s1, s30  }
0xc0: {  	s0 =	sor.u32 s3, s0;
	s1 =	sshll.u32 s1, $0x11  }
0xc1: {  	s0 =	sor.u32 s1, s0  }
0xc2: {  	s0 =	sadd.s32 $0x8F2B, s0  }
0xc3: {  	[sflag:s0] =	ssyncadd.remote.s32 $0x1  }
0xc4: {  	_ =	sfence.sel $0xFFFF  }
0xc5: {  	[dreg:$0x0] =	wrdreg $0xFFFFFFFF;
	(pc) =	sbr.abs _section_cstart, $3  }
0xc6: {  	[dreg:$0x1] =	wrdreg $0xFFFFFFFF  }
0xc7: {  	_ =	task.clear_ibuf [dreg:s7], $0x2FFFF;
	_ =	strace $0x9FFFFFFF  }
0xc8: {  	(tm) =	ssettm $0x7FFFFFFF  }
0xc9: {  	_ =	shalt  }
tec
execute0_lowered:
.L_overlay_start_1:
0x0: {  	(tag) =	ssettag $0x1  }
0x1: {  	s0 =	srdreg.scid  }
0x2: {  	s4 =	rddreg [dreg:$0x0];
	s1 =	stileid.u32  }
0x3: {  	s31 =	rddreg [dreg:$0x1];
	s2 =	sand.u32 $0x1, s0;
	s7 =	sshll.u32 s1, $0xC  }
0x4: {  	s3 =	sshll.u32 s2, $0xB;
	s1 =	smov.u32 s2;
	s2 =	simm.s32 $0x0  }
0x5: {  	s30 =	sadd.s32 $0x2400, s4;
	s0 =	sor.u32 s3, s7;
	[smem:$0x7FF] =	sst s2  }
0x6: {  	s3 =	sshrl.u32 s0, $0x3;
	_ =	strace $0x80000047;
	s5 =	sshll.u32 s0, $0x3  }
0x7: {  	s9 =	sor.u32 $0x80, s0;
	s6 =	sor.u32 $0x100, s0;
	s3 =	sadd.s32 s30, s3  }
0x8: {  	s8 =	sadd.s32 s31, s5;
	s10 =	sshrl.u32 s9, $0x3;
	[dreg:$0x3] =	wrdreg s3  }
0x9: {  	s5 =	sshll.u32 s9, $0x3;
	[dreg:$0x4] =	wrdreg s8;
	s3 =	sadd.s32 s30, s10  }
0xa: {  	s12 =	sshrl.u32 s6, $0x3;
	s11 =	sadd.s32 s31, s5;
	[dreg:$0x5] =	wrdreg s3  }
0xb: {  	s14 =	sshll.u32 s6, $0x3;
	s13 =	sadd.s32 s30, s12;
	[dreg:$0x6] =	wrdreg s11  }
0xc: {  	s16 =	sor.u32 $0x180, s0;
	s15 =	sadd.s32 s31, s14;
	[dreg:$0x7] =	wrdreg s13  }
0xd: {  	s17 =	sshrl.u32 s16, $0x3;
	[dreg:$0x8] =	wrdreg s15  }
0xe: {  	s5 =	sshll.u32 s16, $0x3;
	s3 =	sadd.s32 s30, s17;
	s18 =	rddreg [dreg:$0x3]  }
0xf: {  	s19 =	sadd.s32 s31, s5;
	[dreg:$0x9] =	wrdreg s3  }
0x10: {  	[dreg:$0xa] =	wrdreg s19;
	s3 =	simm.s32 $0x2  }
0x11: {  	[tilespmem:s2], [sflag:$0x2] =	stream.linear.gather [hbm4b:s18+s2], $0x80, $0x38;
	[tilespmem:$0x2080] =	vst v63  }
0x12: {  	_ =	swait.ge [sflag:s3], $0x80  }
0x13: {  	s4 =	sadd.s32 $0x18AE00, s4;
	[sflag:s3] =	ssyncset.done $0x0  }
0x14: {  	s6 =	simm.s32 $0x1;
	s5 =	simm.s32 $0x80;
	[sflag:s3] =	ssyncadd.s32 $0xFFFFFF80  }
0x15: {  	[tilespmem:s5], [sflag:$0x1] =	stream.indirect.gather [hbm4b:s4+s5], $0x40, s2, s5, $0xb8;
	[tilespmem:$0x2080] =	vst v63  }
0x16: {  	_ =	swait.ge [sflag:s6], $0x2000  }
0x17: {  	[sflag:s6] =	ssyncset.done $0x0  }
0x18: {  	s7 =	rddreg [dreg:$0x4];
	[sflag:s6] =	ssyncadd.s32 $0xFFFFE000  }
0x19: {  	[hbm4b:s7+s2] =	stream.linear.scatter [tilespmem:s5], [sflag:$0x2], $0x2000, $0x38;
	[tilespmem:$0x2080] =	vst v63  }
0x1a: {  	_ =	swait.ge [sflag:s3], $0x2000  }
0x1b: {  	[sflag:s3] =	ssyncset.done $0x0  }
0x1c: {  	s20 =	rddreg [dreg:$0x5];
	[sflag:s3] =	ssyncadd.s32 $0xFFFFE000  }
0x1d: {  	[tilespmem:s2], [sflag:$0x2] =	stream.linear.gather [hbm4b:s20+s2], $0x80, $0x38;
	[tilespmem:$0x2080] =	vst v63  }
0x1e: {  	_ =	swait.ge [sflag:s3], $0x80  }
0x1f: {  	[sflag:s3] =	ssyncset.done $0x0  }
0x20: {  	[sflag:s3] =	ssyncadd.s32 $0xFFFFFF80  }
0x21: {  	[tilespmem:s5], [sflag:$0x1] =	stream.indirect.gather [hbm4b:s4+s5], $0x40, s2, s5, $0xb8;
	[tilespmem:$0x2080] =	vst v63  }
0x22: {  	_ =	swait.ge [sflag:s6], $0x2000  }
0x23: {  	[sflag:s6] =	ssyncset.done $0x0  }
0x24: {  	s21 =	rddreg [dreg:$0x6];
	[sflag:s6] =	ssyncadd.s32 $0xFFFFE000  }
0x25: {  	[hbm4b:s21+s2] =	stream.linear.scatter [tilespmem:s5], [sflag:$0x2], $0x2000, $0x38;
	[tilespmem:$0x2080] =	vst v63  }
0x26: {  	_ =	swait.ge [sflag:s3], $0x2000  }
0x27: {  	[sflag:s3] =	ssyncset.done $0x0  }
0x28: {  	s22 =	rddreg [dreg:$0x7];
	[sflag:s3] =	ssyncadd.s32 $0xFFFFE000  }
0x29: {  	[tilespmem:s2], [sflag:$0x2] =	stream.linear.gather [hbm4b:s22+s2], $0x80, $0x38;
	[tilespmem:$0x2080] =	vst v63  }
0x2a: {  	_ =	swait.ge [sflag:s3], $0x80  }
0x2b: {  	[sflag:s3] =	ssyncset.done $0x0  }
0x2c: {  	[sflag:s3] =	ssyncadd.s32 $0xFFFFFF80  }
0x2d: {  	[tilespmem:s5], [sflag:$0x1] =	stream.indirect.gather [hbm4b:s4+s5], $0x40, s2, s5, $0xb8;
	[tilespmem:$0x2080] =	vst v63  }
0x2e: {  	_ =	swait.ge [sflag:s6], $0x2000  }
0x2f: {  	[sflag:s6] =	ssyncset.done $0x0  }
0x30: {  	s23 =	rddreg [dreg:$0x8];
	[sflag:s6] =	ssyncadd.s32 $0xFFFFE000  }
0x31: {  	[hbm4b:s23+s2] =	stream.linear.scatter [tilespmem:s5], [sflag:$0x2], $0x2000, $0x38;
	[tilespmem:$0x2080] =	vst v63  }
0x32: {  	_ =	swait.ge [sflag:s3], $0x2000  }
0x33: {  	[sflag:s3] =	ssyncset.done $0x0  }
0x34: {  	s24 =	rddreg [dreg:$0x9];
	[sflag:s3] =	ssyncadd.s32 $0xFFFFE000  }
0x35: {  	[tilespmem:s2], [sflag:$0x2] =	stream.linear.gather [hbm4b:s24+s2], $0x80, $0x38;
	[tilespmem:$0x2080] =	vst v63  }
0x36: {  	_ =	swait.ge [sflag:s3], $0x80  }
0x37: {  	[sflag:s3] =	ssyncset.done $0x0  }
0x38: {  	[sflag:s3] =	ssyncadd.s32 $0xFFFFFF80  }
0x39: {  	[tilespmem:s5], [sflag:$0x1] =	stream.indirect.gather [hbm4b:s4+s5], $0x40, s2, s5, $0xb8;
	[tilespmem:$0x2080] =	vst v63  }
0x3a: {  	_ =	swait.ge [sflag:s6], $0x2000  }
0x3b: {  	[sflag:s6] =	ssyncset.done $0x0  }
0x3c: {  	s25 =	rddreg [dreg:$0xa];
	[sflag:s6] =	ssyncadd.s32 $0xFFFFE000  }
0x3d: {  	[hbm4b:s25+s2] =	stream.linear.scatter [tilespmem:s5], [sflag:$0x2], $0x2000, $0x38;
	[tilespmem:$0x2080] =	vst v63  }
0x3e: {  	s8 =	sor.u32 $0x200, s0;
	_ =	swait.ge [sflag:s3], $0x2000  }
0x3f: {  	s26 =	sshrl.u32 s8, $0x3;
	[sflag:s3] =	ssyncset.done $0x0  }
0x40: {  	s7 =	sadd.s32 s30, s26;
	[sflag:s3] =	ssyncadd.s32 $0xFFFFE000  }
0x41: {  	[tilespmem:s2], [sflag:$0x2] =	stream.linear.gather [hbm4b:s7+s2], $0x80, $0x38;
	[tilespmem:$0x2080] =	vst v63  }
0x42: {  	_ =	swait.ge [sflag:s3], $0x80  }
0x43: {  	[sflag:s3] =	ssyncset.done $0x0  }
0x44: {  	[sflag:s3] =	ssyncadd.s32 $0xFFFFFF80  }
0x45: {  	[tilespmem:s5], [sflag:$0x1] =	stream.indirect.gather [hbm4b:s4+s5], $0x40, s2, s5, $0xb8;
	[tilespmem:$0x2080] =	vst v63  }
0x46: {  	_ =	swait.ge [sflag:s6], $0x2000  }
0x47: {  	s8 =	sshll.u32 s8, $0x3;
	[sflag:s6] =	ssyncset.done $0x0  }
0x48: {  	s8 =	sadd.s32 s31, s8;
	[sflag:s6] =	ssyncadd.s32 $0xFFFFE000  }
0x49: {  	[hbm4b:s8+s2] =	stream.linear.scatter [tilespmem:s5], [sflag:$0x2], $0x2000, $0x38;
	[tilespmem:$0x2080] =	vst v63  }
0x4a: {  	s10 =	sor.u32 $0x280, s0;
	_ =	swait.ge [sflag:s3], $0x2000  }
0x4b: {  	s9 =	sshrl.u32 s10, $0x3;
	[sflag:s3] =	ssyncset.done $0x0  }
0x4c: {  	s9 =	sadd.s32 s30, s9;
	[sflag:s3] =	ssyncadd.s32 $0xFFFFE000  }
0x4d: {  	[tilespmem:s2], [sflag:$0x2] =	stream.linear.gather [hbm4b:s9+s2], $0x80, $0x38;
	[tilespmem:$0x2080] =	vst v63  }
0x4e: {  	_ =	swait.ge [sflag:s3], $0x80  }
0x4f: {  	[sflag:s3] =	ssyncset.done $0x0  }
0x50: {  	[sflag:s3] =	ssyncadd.s32 $0xFFFFFF80  }
0x51: {  	[tilespmem:s5], [sflag:$0x1] =	stream.indirect.gather [hbm4b:s4+s5], $0x40, s2, s5, $0xb8;
	[tilespmem:$0x2080] =	vst v63  }
0x52: {  	_ =	swait.ge [sflag:s6], $0x2000  }
0x53: {  	s10 =	sshll.u32 s10, $0x3;
	[sflag:s6] =	ssyncset.done $0x0  }
0x54: {  	s10 =	sadd.s32 s31, s10;
	[sflag:s6] =	ssyncadd.s32 $0xFFFFE000  }
0x55: {  	[hbm4b:s10+s2] =	stream.linear.scatter [tilespmem:s5], [sflag:$0x2], $0x2000, $0x38;
	[tilespmem:$0x2080] =	vst v63  }
0x56: {  	s12 =	sor.u32 $0x300, s0;
	_ =	swait.ge [sflag:s3], $0x2000  }
0x57: {  	s11 =	sshrl.u32 s12, $0x3;
	[sflag:s3] =	ssyncset.done $0x0  }
0x58: {  	s11 =	sadd.s32 s30, s11;
	[sflag:s3] =	ssyncadd.s32 $0xFFFFE000  }
0x59: {  	[tilespmem:s2], [sflag:$0x2] =	stream.linear.gather [hbm4b:s11+s2], $0x80, $0x38;
	[tilespmem:$0x2080] =	vst v63  }
0x5a: {  	_ =	swait.ge [sflag:s3], $0x80  }
0x5b: {  	[sflag:s3] =	ssyncset.done $0x0  }
0x5c: {  	[sflag:s3] =	ssyncadd.s32 $0xFFFFFF80  }
0x5d: {  	[tilespmem:s5], [sflag:$0x1] =	stream.indirect.gather [hbm4b:s4+s5], $0x40, s2, s5, $0xb8;
	[tilespmem:$0x2080] =	vst v63  }
0x5e: {  	_ =	swait.ge [sflag:s6], $0x2000  }
0x5f: {  	s12 =	sshll.u32 s12, $0x3;
	[sflag:s6] =	ssyncset.done $0x0  }
0x60: {  	s12 =	sadd.s32 s31, s12;
	[sflag:s6] =	ssyncadd.s32 $0xFFFFE000  }
0x61: {  	[hbm4b:s12+s2] =	stream.linear.scatter [tilespmem:s5], [sflag:$0x2], $0x2000, $0x38;
	[tilespmem:$0x2080] =	vst v63  }
0x62: {  	s14 =	sor.u32 $0x380, s0;
	_ =	swait.ge [sflag:s3], $0x2000  }
0x63: {  	s13 =	sshrl.u32 s14, $0x3;
	[sflag:s3] =	ssyncset.done $0x0  }
0x64: {  	s13 =	sadd.s32 s30, s13;
	[sflag:s3] =	ssyncadd.s32 $0xFFFFE000  }
0x65: {  	[tilespmem:s2], [sflag:$0x2] =	stream.linear.gather [hbm4b:s13+s2], $0x80, $0x38;
	[tilespmem:$0x2080] =	vst v63  }
0x66: {  	_ =	swait.ge [sflag:s3], $0x80  }
0x67: {  	[sflag:s3] =	ssyncset.done $0x0  }
0x68: {  	[sflag:s3] =	ssyncadd.s32 $0xFFFFFF80  }
0x69: {  	[tilespmem:s5], [sflag:$0x1] =	stream.indirect.gather [hbm4b:s4+s5], $0x40, s2, s5, $0xb8;
	[tilespmem:$0x2080] =	vst v63  }
0x6a: {  	_ =	swait.ge [sflag:s6], $0x2000  }
0x6b: {  	s14 =	sshll.u32 s14, $0x3;
	[sflag:s6] =	ssyncset.done $0x0  }
0x6c: {  	s14 =	sadd.s32 s31, s14;
	[sflag:s6] =	ssyncadd.s32 $0xFFFFE000  }
0x6d: {  	[hbm4b:s14+s2] =	stream.linear.scatter [tilespmem:s5], [sflag:$0x2], $0x2000, $0x38;
	[tilespmem:$0x2080] =	vst v63  }
0x6e: {  	s16 =	sor.u32 $0x400, s0;
	_ =	swait.ge [sflag:s3], $0x2000  }
0x6f: {  	s15 =	sshrl.u32 s16, $0x3;
	[sflag:s3] =	ssyncset.done $0x0  }
0x70: {  	s15 =	sadd.s32 s30, s15;
	[sflag:s3] =	ssyncadd.s32 $0xFFFFE000  }
0x71: {  	[tilespmem:s2], [sflag:$0x2] =	stream.linear.gather [hbm4b:s15+s2], $0x80, $0x38;
	[tilespmem:$0x2080] =	vst v63  }
0x72: {  	_ =	swait.ge [sflag:s3], $0x80  }
0x73: {  	[sflag:s3] =	ssyncset.done $0x0  }
0x74: {  	[sflag:s3] =	ssyncadd.s32 $0xFFFFFF80  }
0x75: {  	[tilespmem:s5], [sflag:$0x1] =	stream.indirect.gather [hbm4b:s4+s5], $0x40, s2, s5, $0xb8;
	[tilespmem:$0x2080] =	vst v63  }
0x76: {  	_ =	swait.ge [sflag:s6], $0x2000  }
0x77: {  	s16 =	sshll.u32 s16, $0x3;
	[sflag:s6] =	ssyncset.done $0x0  }
0x78: {  	s16 =	sadd.s32 s31, s16;
	[sflag:s6] =	ssyncadd.s32 $0xFFFFE000  }
0x79: {  	[hbm4b:s16+s2] =	stream.linear.scatter [tilespmem:s5], [sflag:$0x2], $0x2000, $0x38;
	[tilespmem:$0x2080] =	vst v63  }
0x7a: {  	s18 =	sor.u32 $0x480, s0;
	_ =	swait.ge [sflag:s3], $0x2000  }
0x7b: {  	s17 =	sshrl.u32 s18, $0x3;
	[sflag:s3] =	ssyncset.done $0x0  }
0x7c: {  	s17 =	sadd.s32 s30, s17;
	[sflag:s3] =	ssyncadd.s32 $0xFFFFE000  }
0x7d: {  	[tilespmem:s2], [sflag:$0x2] =	stream.linear.gather [hbm4b:s17+s2], $0x80, $0x38;
	[tilespmem:$0x2080] =	vst v63  }
0x7e: {  	_ =	swait.ge [sflag:s3], $0x80  }
0x7f: {  	[sflag:s3] =	ssyncset.done $0x0  }
0x80: {  	[sflag:s3] =	ssyncadd.s32 $0xFFFFFF80  }
0x81: {  	[tilespmem:s5], [sflag:$0x1] =	stream.indirect.gather [hbm4b:s4+s5], $0x40, s2, s5, $0xb8;
	[tilespmem:$0x2080] =	vst v63  }
0x82: {  	_ =	swait.ge [sflag:s6], $0x2000  }
0x83: {  	s18 =	sshll.u32 s18, $0x3;
	[sflag:s6] =	ssyncset.done $0x0  }
0x84: {  	s18 =	sadd.s32 s31, s18;
	[sflag:s6] =	ssyncadd.s32 $0xFFFFE000  }
0x85: {  	[hbm4b:s18+s2] =	stream.linear.scatter [tilespmem:s5], [sflag:$0x2], $0x2000, $0x38;
	[tilespmem:$0x2080] =	vst v63  }
0x86: {  	s20 =	sor.u32 $0x500, s0;
	_ =	swait.ge [sflag:s3], $0x2000  }
0x87: {  	s19 =	sshrl.u32 s20, $0x3;
	[sflag:s3] =	ssyncset.done $0x0  }
0x88: {  	s19 =	sadd.s32 s30, s19;
	[sflag:s3] =	ssyncadd.s32 $0xFFFFE000  }
0x89: {  	[tilespmem:s2], [sflag:$0x2] =	stream.linear.gather [hbm4b:s19+s2], $0x80, $0x38;
	[tilespmem:$0x2080] =	vst v63  }
0x8a: {  	_ =	swait.ge [sflag:s3], $0x80  }
0x8b: {  	[sflag:s3] =	ssyncset.done $0x0  }
0x8c: {  	[sflag:s3] =	ssyncadd.s32 $0xFFFFFF80  }
0x8d: {  	[tilespmem:s5], [sflag:$0x1] =	stream.indirect.gather [hbm4b:s4+s5], $0x40, s2, s5, $0xb8;
	[tilespmem:$0x2080] =	vst v63  }
0x8e: {  	_ =	swait.ge [sflag:s6], $0x2000  }
0x8f: {  	s20 =	sshll.u32 s20, $0x3;
	[sflag:s6] =	ssyncset.done $0x0  }
0x90: {  	s20 =	sadd.s32 s31, s20;
	[sflag:s6] =	ssyncadd.s32 $0xFFFFE000  }
0x91: {  	[hbm4b:s20+s2] =	stream.linear.scatter [tilespmem:s5], [sflag:$0x2], $0x2000, $0x38;
	[tilespmem:$0x2080] =	vst v63  }
0x92: {  	s22 =	sor.u32 $0x580, s0;
	_ =	swait.ge [sflag:s3], $0x2000  }
0x93: {  	s21 =	sshrl.u32 s22, $0x3;
	[sflag:s3] =	ssyncset.done $0x0  }
0x94: {  	s21 =	sadd.s32 s30, s21;
	[sflag:s3] =	ssyncadd.s32 $0xFFFFE000  }
0x95: {  	[tilespmem:s2], [sflag:$0x2] =	stream.linear.gather [hbm4b:s21+s2], $0x80, $0x38;
	[tilespmem:$0x2080] =	vst v63  }
0x96: {  	_ =	swait.ge [sflag:s3], $0x80  }
0x97: {  	[sflag:s3] =	ssyncset.done $0x0  }
0x98: {  	[sflag:s3] =	ssyncadd.s32 $0xFFFFFF80  }
0x99: {  	[tilespmem:s5], [sflag:$0x1] =	stream.indirect.gather [hbm4b:s4+s5], $0x40, s2, s5, $0xb8;
	[tilespmem:$0x2080] =	vst v63  }
0x9a: {  	_ =	swait.ge [sflag:s6], $0x2000  }
0x9b: {  	s22 =	sshll.u32 s22, $0x3;
	[sflag:s6] =	ssyncset.done $0x0  }
0x9c: {  	s22 =	sadd.s32 s31, s22;
	[sflag:s6] =	ssyncadd.s32 $0xFFFFE000  }
0x9d: {  	[hbm4b:s22+s2] =	stream.linear.scatter [tilespmem:s5], [sflag:$0x2], $0x2000, $0x38;
	[tilespmem:$0x2080] =	vst v63  }
0x9e: {  	s24 =	sor.u32 $0x600, s0;
	_ =	swait.ge [sflag:s3], $0x2000  }
0x9f: {  	s23 =	sshrl.u32 s24, $0x3;
	[sflag:s3] =	ssyncset.done $0x0  }
0xa0: {  	s23 =	sadd.s32 s30, s23;
	[sflag:s3] =	ssyncadd.s32 $0xFFFFE000  }
0xa1: {  	[tilespmem:s2], [sflag:$0x2] =	stream.linear.gather [hbm4b:s23+s2], $0x80, $0x38;
	[tilespmem:$0x2080] =	vst v63  }
0xa2: {  	_ =	swait.ge [sflag:s3], $0x80  }
0xa3: {  	[sflag:s3] =	ssyncset.done $0x0  }
0xa4: {  	[sflag:s3] =	ssyncadd.s32 $0xFFFFFF80  }
0xa5: {  	[tilespmem:s5], [sflag:$0x1] =	stream.indirect.gather [hbm4b:s4+s5], $0x40, s2, s5, $0xb8;
	[tilespmem:$0x2080] =	vst v63  }
0xa6: {  	_ =	swait.ge [sflag:s6], $0x2000  }
0xa7: {  	s24 =	sshll.u32 s24, $0x3;
	[sflag:s6] =	ssyncset.done $0x0  }
0xa8: {  	s24 =	sadd.s32 s31, s24;
	[sflag:s6] =	ssyncadd.s32 $0xFFFFE000  }
0xa9: {  	[hbm4b:s24+s2] =	stream.linear.scatter [tilespmem:s5], [sflag:$0x2], $0x2000, $0x38;
	[tilespmem:$0x2080] =	vst v63  }
0xaa: {  	s26 =	sor.u32 $0x680, s0;
	_ =	swait.ge [sflag:s3], $0x2000  }
0xab: {  	s25 =	sshrl.u32 s26, $0x3;
	[sflag:s3] =	ssyncset.done $0x0  }
0xac: {  	s25 =	sadd.s32 s30, s25;
	[sflag:s3] =	ssyncadd.s32 $0xFFFFE000  }
0xad: {  	[tilespmem:s2], [sflag:$0x2] =	stream.linear.gather [hbm4b:s25+s2], $0x80, $0x38;
	[tilespmem:$0x2080] =	vst v63  }
0xae: {  	_ =	swait.ge [sflag:s3], $0x80  }
0xaf: {  	[sflag:s3] =	ssyncset.done $0x0  }
0xb0: {  	[sflag:s3] =	ssyncadd.s32 $0xFFFFFF80  }
0xb1: {  	[tilespmem:s5], [sflag:$0x1] =	stream.indirect.gather [hbm4b:s4+s5], $0x40, s2, s5, $0xb8;
	[tilespmem:$0x2080] =	vst v63  }
0xb2: {  	_ =	swait.ge [sflag:s6], $0x2000  }
0xb3: {  	s26 =	sshll.u32 s26, $0x3;
	[sflag:s6] =	ssyncset.done $0x0  }
0xb4: {  	s26 =	sadd.s32 s31, s26;
	[sflag:s6] =	ssyncadd.s32 $0xFFFFE000  }
0xb5: {  	[hbm4b:s26+s2] =	stream.linear.scatter [tilespmem:s5], [sflag:$0x2], $0x2000, $0x38;
	[tilespmem:$0x2080] =	vst v63  }
0xb6: {  	s29 =	sor.u32 $0x700, s0;
	_ =	swait.ge [sflag:s3], $0x2000  }
0xb7: {  	s28 =	sshrl.u32 s29, $0x3;
	[sflag:s3] =	ssyncset.done $0x0  }
0xb8: {  	s28 =	sadd.s32 s30, s28;
	[sflag:s3] =	ssyncadd.s32 $0xFFFFE000  }
0xb9: {  	[tilespmem:s2], [sflag:$0x2] =	stream.linear.gather [hbm4b:s28+s2], $0x80, $0x38;
	[tilespmem:$0x2080] =	vst v63  }
0xba: {  	_ =	swait.ge [sflag:s3], $0x80  }
0xbb: {  	[sflag:s3] =	ssyncset.done $0x0  }
0xbc: {  	[sflag:s3] =	ssyncadd.s32 $0xFFFFFF80  }
0xbd: {  	[tilespmem:s5], [sflag:$0x1] =	stream.indirect.gather [hbm4b:s4+s5], $0x40, s2, s5, $0xb8;
	[tilespmem:$0x2080] =	vst v63  }
0xbe: {  	_ =	swait.ge [sflag:s6], $0x2000  }
0xbf: {  	s29 =	sshll.u32 s29, $0x3;
	[sflag:s6] =	ssyncset.done $0x0  }
0xc0: {  	s29 =	sadd.s32 s31, s29;
	[sflag:s6] =	ssyncadd.s32 $0xFFFFE000  }
0xc1: {  	[hbm4b:s29+s2] =	stream.linear.scatter [tilespmem:s5], [sflag:$0x2], $0x2000, $0x38;
	[tilespmem:$0x2080] =	vst v63  }
0xc2: {  	s0 =	sor.u32 $0x780, s0;
	_ =	swait.ge [sflag:s3], $0x2000  }
0xc3: {  	s31 =	sshrl.u32 s0, $0x3;
	[sflag:s3] =	ssyncset.done $0x0  }
0xc4: {  	s30 =	sadd.s32 s30, s31;
	s31 =	ssub.s32 $0x2, s1;
	[sflag:s3] =	ssyncadd.s32 $0xFFFFE000  }
0xc5: {  	[tilespmem:s2], [sflag:$0x2] =	stream.linear.gather [hbm4b:s30+s2], $0x80, $0x38;
	[tilespmem:$0x2080] =	vst v63  }
0xc6: {  	s1 =	sshrl.u32 s31, $0x1;
	_ =	swait.ge [sflag:s3], $0x80  }
0xc7: {  	s1 =	ssub.s32 s31, s1;
	[sflag:s3] =	ssyncset.done $0x0  }
0xc8: {  	s1 =	smax.u32 s1, $0x1;
	[sflag:s3] =	ssyncadd.s32 $0xFFFFFF80  }
0xc9: {  	[tilespmem:s5], [sflag:$0x1] =	stream.indirect.gather [hbm4b:s4+s5], $0x40, s2, s5, $0xb8;
	[tilespmem:$0x2080] =	vst v63  }
0xca: {  	p0 =	sne.s32 s1, $0x1;
	_ =	swait.ge [sflag:s6], $0x2000  }
.Ltmp0:
0xcb: {  	[sflag:s6] =	ssyncset.done $0x0;
	(pc) =	sbr.rel @!p0 .LBB2_2-.Ltmp0, $4  }
0xcc: {  	s0 =	sshll.u32 s0, $0x3;
	s31 =	rddreg [dreg:$0x1]  }
0xcd: {  	[sflag:s6] =	ssyncadd.s32 $0xFFFFE000;
	s31 =	sadd.s32 s31, s0  }
0xce: {  	[hbm4b:s31+s2] =	stream.linear.scatter [tilespmem:s5], [sflag:$0x2], $0x2000, $0x38;
	[tilespmem:$0x2080] =	vst v63  }
0xcf: {  	s1 =	sadd.s32 $0xFFFFFFFF, s1;
	_ =	swait.ge [sflag:s3], $0x2000  }
.LBB2_1:
0xd0: {  	[sflag:s3] =	ssyncset.done $0x0  }
0xd1: {  	s0 =	rddreg [dreg:$0x3];
	[sflag:s3] =	ssyncadd.s32 $0xFFFFE000  }
0xd2: {  	[tilespmem:s2], [sflag:$0x2] =	stream.linear.gather [hbm4b:s0+s2], $0x80, $0x38;
	[tilespmem:$0x2080] =	vst v63  }
0xd3: {  	_ =	swait.ge [sflag:s3], $0x80  }
0xd4: {  	[sflag:s3] =	ssyncset.done $0x0  }
0xd5: {  	[sflag:s3] =	ssyncadd.s32 $0xFFFFFF80  }
0xd6: {  	[tilespmem:s5], [sflag:$0x1] =	stream.indirect.gather [hbm4b:s4+s5], $0x40, s2, s5, $0xb8;
	[tilespmem:$0x2080] =	vst v63  }
0xd7: {  	_ =	swait.ge [sflag:s6], $0x2000  }
0xd8: {  	[sflag:s6] =	ssyncset.done $0x0  }
0xd9: {  	s0 =	rddreg [dreg:$0x4];
	[sflag:s6] =	ssyncadd.s32 $0xFFFFE000  }
0xda: {  	[hbm4b:s0+s2] =	stream.linear.scatter [tilespmem:s5], [sflag:$0x2], $0x2000, $0x38;
	[tilespmem:$0x2080] =	vst v63  }
0xdb: {  	_ =	swait.ge [sflag:s3], $0x2000  }
0xdc: {  	[sflag:s3] =	ssyncset.done $0x0  }
0xdd: {  	s0 =	rddreg [dreg:$0x5];
	[sflag:s3] =	ssyncadd.s32 $0xFFFFE000  }
0xde: {  	[tilespmem:s2], [sflag:$0x2] =	stream.linear.gather [hbm4b:s0+s2], $0x80, $0x38;
	[tilespmem:$0x2080] =	vst v63  }
0xdf: {  	_ =	swait.ge [sflag:s3], $0x80  }
0xe0: {  	[sflag:s3] =	ssyncset.done $0x0  }
0xe1: {  	[sflag:s3] =	ssyncadd.s32 $0xFFFFFF80  }
0xe2: {  	[tilespmem:s5], [sflag:$0x1] =	stream.indirect.gather [hbm4b:s4+s5], $0x40, s2, s5, $0xb8;
	[tilespmem:$0x2080] =	vst v63  }
0xe3: {  	_ =	swait.ge [sflag:s6], $0x2000  }
0xe4: {  	[sflag:s6] =	ssyncset.done $0x0  }
0xe5: {  	s0 =	rddreg [dreg:$0x6];
	[sflag:s6] =	ssyncadd.s32 $0xFFFFE000  }
0xe6: {  	[hbm4b:s0+s2] =	stream.linear.scatter [tilespmem:s5], [sflag:$0x2], $0x2000, $0x38;
	[tilespmem:$0x2080] =	vst v63  }
0xe7: {  	_ =	swait.ge [sflag:s3], $0x2000  }
0xe8: {  	[sflag:s3] =	ssyncset.done $0x0  }
0xe9: {  	s0 =	rddreg [dreg:$0x7];
	[sflag:s3] =	ssyncadd.s32 $0xFFFFE000  }
0xea: {  	[tilespmem:s2], [sflag:$0x2] =	stream.linear.gather [hbm4b:s0+s2], $0x80, $0x38;
	[tilespmem:$0x2080] =	vst v63  }
0xeb: {  	_ =	swait.ge [sflag:s3], $0x80  }
0xec: {  	[sflag:s3] =	ssyncset.done $0x0  }
0xed: {  	[sflag:s3] =	ssyncadd.s32 $0xFFFFFF80  }
0xee: {  	[tilespmem:s5], [sflag:$0x1] =	stream.indirect.gather [hbm4b:s4+s5], $0x40, s2, s5, $0xb8;
	[tilespmem:$0x2080] =	vst v63  }
0xef: {  	_ =	swait.ge [sflag:s6], $0x2000  }
0xf0: {  	[sflag:s6] =	ssyncset.done $0x0  }
0xf1: {  	s0 =	rddreg [dreg:$0x8];
	[sflag:s6] =	ssyncadd.s32 $0xFFFFE000  }
0xf2: {  	[hbm4b:s0+s2] =	stream.linear.scatter [tilespmem:s5], [sflag:$0x2], $0x2000, $0x38;
	[tilespmem:$0x2080] =	vst v63  }
0xf3: {  	_ =	swait.ge [sflag:s3], $0x2000  }
0xf4: {  	[sflag:s3] =	ssyncset.done $0x0  }
0xf5: {  	s0 =	rddreg [dreg:$0x9];
	[sflag:s3] =	ssyncadd.s32 $0xFFFFE000  }
0xf6: {  	[tilespmem:s2], [sflag:$0x2] =	stream.linear.gather [hbm4b:s0+s2], $0x80, $0x38;
	[tilespmem:$0x2080] =	vst v63  }
0xf7: {  	_ =	swait.ge [sflag:s3], $0x80  }
0xf8: {  	[sflag:s3] =	ssyncset.done $0x0  }
0xf9: {  	[sflag:s3] =	ssyncadd.s32 $0xFFFFFF80  }
0xfa: {  	[tilespmem:s5], [sflag:$0x1] =	stream.indirect.gather [hbm4b:s4+s5], $0x40, s2, s5, $0xb8;
	[tilespmem:$0x2080] =	vst v63  }
0xfb: {  	_ =	swait.ge [sflag:s6], $0x2000  }
0xfc: {  	[sflag:s6] =	ssyncset.done $0x0  }
0xfd: {  	s0 =	rddreg [dreg:$0xa];
	[sflag:s6] =	ssyncadd.s32 $0xFFFFE000  }
0xfe: {  	[hbm4b:s0+s2] =	stream.linear.scatter [tilespmem:s5], [sflag:$0x2], $0x2000, $0x38;
	[tilespmem:$0x2080] =	vst v63  }
0xff: {  	_ =	swait.ge [sflag:s3], $0x2000  }
0x100: {  	[sflag:s3] =	ssyncset.done $0x0  }
0x101: {  	[sflag:s3] =	ssyncadd.s32 $0xFFFFE000  }
0x102: {  	[tilespmem:s2], [sflag:$0x2] =	stream.linear.gather [hbm4b:s7+s2], $0x80, $0x38;
	[tilespmem:$0x2080] =	vst v63  }
0x103: {  	_ =	swait.ge [sflag:s3], $0x80  }
0x104: {  	[sflag:s3] =	ssyncset.done $0x0  }
0x105: {  	[sflag:s3] =	ssyncadd.s32 $0xFFFFFF80  }
0x106: {  	[tilespmem:s5], [sflag:$0x1] =	stream.indirect.gather [hbm4b:s4+s5], $0x40, s2, s5, $0xb8;
	[tilespmem:$0x2080] =	vst v63  }
0x107: {  	_ =	swait.ge [sflag:s6], $0x2000  }
0x108: {  	[sflag:s6] =	ssyncset.done $0x0  }
0x109: {  	[sflag:s6] =	ssyncadd.s32 $0xFFFFE000  }
0x10a: {  	[hbm4b:s8+s2] =	stream.linear.scatter [tilespmem:s5], [sflag:$0x2], $0x2000, $0x38;
	[tilespmem:$0x2080] =	vst v63  }
0x10b: {  	_ =	swait.ge [sflag:s3], $0x2000  }
0x10c: {  	[sflag:s3] =	ssyncset.done $0x0  }
0x10d: {  	[sflag:s3] =	ssyncadd.s32 $0xFFFFE000  }
0x10e: {  	[tilespmem:s2], [sflag:$0x2] =	stream.linear.gather [hbm4b:s9+s2], $0x80, $0x38;
	[tilespmem:$0x2080] =	vst v63  }
0x10f: {  	_ =	swait.ge [sflag:s3], $0x80  }
0x110: {  	[sflag:s3] =	ssyncset.done $0x0  }
0x111: {  	[sflag:s3] =	ssyncadd.s32 $0xFFFFFF80  }
0x112: {  	[tilespmem:s5], [sflag:$0x1] =	stream.indirect.gather [hbm4b:s4+s5], $0x40, s2, s5, $0xb8;
	[tilespmem:$0x2080] =	vst v63  }
0x113: {  	_ =	swait.ge [sflag:s6], $0x2000  }
0x114: {  	[sflag:s6] =	ssyncset.done $0x0  }
0x115: {  	[sflag:s6] =	ssyncadd.s32 $0xFFFFE000  }
0x116: {  	[hbm4b:s10+s2] =	stream.linear.scatter [tilespmem:s5], [sflag:$0x2], $0x2000, $0x38;
	[tilespmem:$0x2080] =	vst v63  }
0x117: {  	_ =	swait.ge [sflag:s3], $0x2000  }
0x118: {  	[sflag:s3] =	ssyncset.done $0x0  }
0x119: {  	[sflag:s3] =	ssyncadd.s32 $0xFFFFE000  }
0x11a: {  	[tilespmem:s2], [sflag:$0x2] =	stream.linear.gather [hbm4b:s11+s2], $0x80, $0x38;
	[tilespmem:$0x2080] =	vst v63  }
0x11b: {  	_ =	swait.ge [sflag:s3], $0x80  }
0x11c: {  	[sflag:s3] =	ssyncset.done $0x0  }
0x11d: {  	[sflag:s3] =	ssyncadd.s32 $0xFFFFFF80  }
0x11e: {  	[tilespmem:s5], [sflag:$0x1] =	stream.indirect.gather [hbm4b:s4+s5], $0x40, s2, s5, $0xb8;
	[tilespmem:$0x2080] =	vst v63  }
0x11f: {  	_ =	swait.ge [sflag:s6], $0x2000  }
0x120: {  	[sflag:s6] =	ssyncset.done $0x0  }
0x121: {  	[sflag:s6] =	ssyncadd.s32 $0xFFFFE000  }
0x122: {  	[hbm4b:s12+s2] =	stream.linear.scatter [tilespmem:s5], [sflag:$0x2], $0x2000, $0x38;
	[tilespmem:$0x2080] =	vst v63  }
0x123: {  	_ =	swait.ge [sflag:s3], $0x2000  }
0x124: {  	[sflag:s3] =	ssyncset.done $0x0  }
0x125: {  	[sflag:s3] =	ssyncadd.s32 $0xFFFFE000  }
0x126: {  	[tilespmem:s2], [sflag:$0x2] =	stream.linear.gather [hbm4b:s13+s2], $0x80, $0x38;
	[tilespmem:$0x2080] =	vst v63  }
0x127: {  	_ =	swait.ge [sflag:s3], $0x80  }
0x128: {  	[sflag:s3] =	ssyncset.done $0x0  }
0x129: {  	[sflag:s3] =	ssyncadd.s32 $0xFFFFFF80  }
0x12a: {  	[tilespmem:s5], [sflag:$0x1] =	stream.indirect.gather [hbm4b:s4+s5], $0x40, s2, s5, $0xb8;
	[tilespmem:$0x2080] =	vst v63  }
0x12b: {  	_ =	swait.ge [sflag:s6], $0x2000  }
0x12c: {  	[sflag:s6] =	ssyncset.done $0x0  }
0x12d: {  	[sflag:s6] =	ssyncadd.s32 $0xFFFFE000  }
0x12e: {  	[hbm4b:s14+s2] =	stream.linear.scatter [tilespmem:s5], [sflag:$0x2], $0x2000, $0x38;
	[tilespmem:$0x2080] =	vst v63  }
0x12f: {  	_ =	swait.ge [sflag:s3], $0x2000  }
0x130: {  	[sflag:s3] =	ssyncset.done $0x0  }
0x131: {  	[sflag:s3] =	ssyncadd.s32 $0xFFFFE000  }
0x132: {  	[tilespmem:s2], [sflag:$0x2] =	stream.linear.gather [hbm4b:s15+s2], $0x80, $0x38;
	[tilespmem:$0x2080] =	vst v63  }
0x133: {  	_ =	swait.ge [sflag:s3], $0x80  }
0x134: {  	[sflag:s3] =	ssyncset.done $0x0  }
0x135: {  	[sflag:s3] =	ssyncadd.s32 $0xFFFFFF80  }
0x136: {  	[tilespmem:s5], [sflag:$0x1] =	stream.indirect.gather [hbm4b:s4+s5], $0x40, s2, s5, $0xb8;
	[tilespmem:$0x2080] =	vst v63  }
0x137: {  	_ =	swait.ge [sflag:s6], $0x2000  }
0x138: {  	[sflag:s6] =	ssyncset.done $0x0  }
0x139: {  	[sflag:s6] =	ssyncadd.s32 $0xFFFFE000  }
0x13a: {  	[hbm4b:s16+s2] =	stream.linear.scatter [tilespmem:s5], [sflag:$0x2], $0x2000, $0x38;
	[tilespmem:$0x2080] =	vst v63  }
0x13b: {  	_ =	swait.ge [sflag:s3], $0x2000  }
0x13c: {  	[sflag:s3] =	ssyncset.done $0x0  }
0x13d: {  	[sflag:s3] =	ssyncadd.s32 $0xFFFFE000  }
0x13e: {  	[tilespmem:s2], [sflag:$0x2] =	stream.linear.gather [hbm4b:s17+s2], $0x80, $0x38;
	[tilespmem:$0x2080] =	vst v63  }
0x13f: {  	_ =	swait.ge [sflag:s3], $0x80  }
0x140: {  	[sflag:s3] =	ssyncset.done $0x0  }
0x141: {  	[sflag:s3] =	ssyncadd.s32 $0xFFFFFF80  }
0x142: {  	[tilespmem:s5], [sflag:$0x1] =	stream.indirect.gather [hbm4b:s4+s5], $0x40, s2, s5, $0xb8;
	[tilespmem:$0x2080] =	vst v63  }
0x143: {  	_ =	swait.ge [sflag:s6], $0x2000  }
0x144: {  	[sflag:s6] =	ssyncset.done $0x0  }
0x145: {  	[sflag:s6] =	ssyncadd.s32 $0xFFFFE000  }
0x146: {  	[hbm4b:s18+s2] =	stream.linear.scatter [tilespmem:s5], [sflag:$0x2], $0x2000, $0x38;
	[tilespmem:$0x2080] =	vst v63  }
0x147: {  	_ =	swait.ge [sflag:s3], $0x2000  }
0x148: {  	[sflag:s3] =	ssyncset.done $0x0  }
0x149: {  	[sflag:s3] =	ssyncadd.s32 $0xFFFFE000  }
0x14a: {  	[tilespmem:s2], [sflag:$0x2] =	stream.linear.gather [hbm4b:s19+s2], $0x80, $0x38;
	[tilespmem:$0x2080] =	vst v63  }
0x14b: {  	_ =	swait.ge [sflag:s3], $0x80  }
0x14c: {  	[sflag:s3] =	ssyncset.done $0x0  }
0x14d: {  	[sflag:s3] =	ssyncadd.s32 $0xFFFFFF80  }
0x14e: {  	[tilespmem:s5], [sflag:$0x1] =	stream.indirect.gather [hbm4b:s4+s5], $0x40, s2, s5, $0xb8;
	[tilespmem:$0x2080] =	vst v63  }
0x14f: {  	_ =	swait.ge [sflag:s6], $0x2000  }
0x150: {  	[sflag:s6] =	ssyncset.done $0x0  }
0x151: {  	[sflag:s6] =	ssyncadd.s32 $0xFFFFE000  }
0x152: {  	[hbm4b:s20+s2] =	stream.linear.scatter [tilespmem:s5], [sflag:$0x2], $0x2000, $0x38;
	[tilespmem:$0x2080] =	vst v63  }
0x153: {  	_ =	swait.ge [sflag:s3], $0x2000  }
0x154: {  	[sflag:s3] =	ssyncset.done $0x0  }
0x155: {  	[sflag:s3] =	ssyncadd.s32 $0xFFFFE000  }
0x156: {  	[tilespmem:s2], [sflag:$0x2] =	stream.linear.gather [hbm4b:s21+s2], $0x80, $0x38;
	[tilespmem:$0x2080] =	vst v63  }
0x157: {  	_ =	swait.ge [sflag:s3], $0x80  }
0x158: {  	[sflag:s3] =	ssyncset.done $0x0  }
0x159: {  	[sflag:s3] =	ssyncadd.s32 $0xFFFFFF80  }
0x15a: {  	[tilespmem:s5], [sflag:$0x1] =	stream.indirect.gather [hbm4b:s4+s5], $0x40, s2, s5, $0xb8;
	[tilespmem:$0x2080] =	vst v63  }
0x15b: {  	_ =	swait.ge [sflag:s6], $0x2000  }
0x15c: {  	[sflag:s6] =	ssyncset.done $0x0  }
0x15d: {  	[sflag:s6] =	ssyncadd.s32 $0xFFFFE000  }
0x15e: {  	[hbm4b:s22+s2] =	stream.linear.scatter [tilespmem:s5], [sflag:$0x2], $0x2000, $0x38;
	[tilespmem:$0x2080] =	vst v63  }
0x15f: {  	_ =	swait.ge [sflag:s3], $0x2000  }
0x160: {  	[sflag:s3] =	ssyncset.done $0x0  }
0x161: {  	[sflag:s3] =	ssyncadd.s32 $0xFFFFE000  }
0x162: {  	[tilespmem:s2], [sflag:$0x2] =	stream.linear.gather [hbm4b:s23+s2], $0x80, $0x38;
	[tilespmem:$0x2080] =	vst v63  }
0x163: {  	_ =	swait.ge [sflag:s3], $0x80  }
0x164: {  	[sflag:s3] =	ssyncset.done $0x0  }
0x165: {  	[sflag:s3] =	ssyncadd.s32 $0xFFFFFF80  }
0x166: {  	[tilespmem:s5], [sflag:$0x1] =	stream.indirect.gather [hbm4b:s4+s5], $0x40, s2, s5, $0xb8;
	[tilespmem:$0x2080] =	vst v63  }
0x167: {  	_ =	swait.ge [sflag:s6], $0x2000  }
0x168: {  	[sflag:s6] =	ssyncset.done $0x0  }
0x169: {  	[sflag:s6] =	ssyncadd.s32 $0xFFFFE000  }
0x16a: {  	[hbm4b:s24+s2] =	stream.linear.scatter [tilespmem:s5], [sflag:$0x2], $0x2000, $0x38;
	[tilespmem:$0x2080] =	vst v63  }
0x16b: {  	_ =	swait.ge [sflag:s3], $0x2000  }
0x16c: {  	[sflag:s3] =	ssyncset.done $0x0  }
0x16d: {  	[sflag:s3] =	ssyncadd.s32 $0xFFFFE000  }
0x16e: {  	[tilespmem:s2], [sflag:$0x2] =	stream.linear.gather [hbm4b:s25+s2], $0x80, $0x38;
	[tilespmem:$0x2080] =	vst v63  }
0x16f: {  	_ =	swait.ge [sflag:s3], $0x80  }
0x170: {  	[sflag:s3] =	ssyncset.done $0x0  }
0x171: {  	[sflag:s3] =	ssyncadd.s32 $0xFFFFFF80  }
0x172: {  	[tilespmem:s5], [sflag:$0x1] =	stream.indirect.gather [hbm4b:s4+s5], $0x40, s2, s5, $0xb8;
	[tilespmem:$0x2080] =	vst v63  }
0x173: {  	_ =	swait.ge [sflag:s6], $0x2000  }
0x174: {  	[sflag:s6] =	ssyncset.done $0x0  }
0x175: {  	[sflag:s6] =	ssyncadd.s32 $0xFFFFE000  }
0x176: {  	[hbm4b:s26+s2] =	stream.linear.scatter [tilespmem:s5], [sflag:$0x2], $0x2000, $0x38;
	[tilespmem:$0x2080] =	vst v63  }
0x177: {  	_ =	swait.ge [sflag:s3], $0x2000  }
0x178: {  	[sflag:s3] =	ssyncset.done $0x0  }
0x179: {  	[sflag:s3] =	ssyncadd.s32 $0xFFFFE000  }
0x17a: {  	[tilespmem:s2], [sflag:$0x2] =	stream.linear.gather [hbm4b:s28+s2], $0x80, $0x38;
	[tilespmem:$0x2080] =	vst v63  }
0x17b: {  	_ =	swait.ge [sflag:s3], $0x80  }
0x17c: {  	[sflag:s3] =	ssyncset.done $0x0  }
0x17d: {  	[sflag:s3] =	ssyncadd.s32 $0xFFFFFF80  }
0x17e: {  	[tilespmem:s5], [sflag:$0x1] =	stream.indirect.gather [hbm4b:s4+s5], $0x40, s2, s5, $0xb8;
	[tilespmem:$0x2080] =	vst v63  }
0x17f: {  	_ =	swait.ge [sflag:s6], $0x2000  }
0x180: {  	[sflag:s6] =	ssyncset.done $0x0  }
0x181: {  	[sflag:s6] =	ssyncadd.s32 $0xFFFFE000  }
0x182: {  	[hbm4b:s29+s2] =	stream.linear.scatter [tilespmem:s5], [sflag:$0x2], $0x2000, $0x38;
	[tilespmem:$0x2080] =	vst v63  }
0x183: {  	_ =	swait.ge [sflag:s3], $0x2000  }
0x184: {  	[sflag:s3] =	ssyncset.done $0x0  }
0x185: {  	[sflag:s3] =	ssyncadd.s32 $0xFFFFE000  }
0x186: {  	[tilespmem:s2], [sflag:$0x2] =	stream.linear.gather [hbm4b:s30+s2], $0x80, $0x38;
	[tilespmem:$0x2080] =	vst v63  }
0x187: {  	_ =	swait.ge [sflag:s3], $0x80  }
0x188: {  	[sflag:s3] =	ssyncset.done $0x0  }
0x189: {  	p0 =	sne.s32 s1, $0x1;
	[sflag:s3] =	ssyncadd.s32 $0xFFFFFF80  }
0x18a: {  	[tilespmem:s5], [sflag:$0x1] =	stream.indirect.gather [hbm4b:s4+s5], $0x40, s2, s5, $0xb8;
	[tilespmem:$0x2080] =	vst v63  }
.Ltmp1:
0x18b: {  	_ =	swait.ge [sflag:s6], $0x2000;
	(pc) =	sbr.rel @p0 .LBB2_1-.Ltmp1, $4  }
0x18c: {  	[sflag:s6] =	ssyncset.done $0x0  }
0x18d: {  	[sflag:s6] =	ssyncadd.s32 $0xFFFFE000  }
0x18e: {  	[hbm4b:s31+s2] =	stream.linear.scatter [tilespmem:s5], [sflag:$0x2], $0x2000, $0x38;
	[tilespmem:$0x2080] =	vst v63  }
0x18f: {  	s1 =	sadd.s32 $0xFFFFFFFF, s1;
	_ =	swait.ge [sflag:s3], $0x2000  }
.LBB2_2:
0x190: {  	[sflag:s3] =	ssyncset.done $0x0  }
0x191: {  	[sflag:s3] =	ssyncadd.s32 $0xFFFFE000  }
0x192: {  	_ =	sfence.sel $0x180000  }
0x193: {  	[bflag:$0x0] =	sbarrier.arrive $0xFFFF  }
0x194: {  	_ =	strace $0x90000047  }
0x195: {  	s0 =	stileid.u32;
	[bflag:$0x2] =	sbarrier.arrive $0xFFFF  }
0x196: {  	p0 =	sne.s32 s0, $0x0;
	s0 =	rddreg [dreg:$0x2]  }
0x197: {  	s0 =	sadd.s32 @!p0 $0x100000, s0  }
0x198: {  	[sflag:s0] =	ssyncadd.tile.s32 @!p0 $0x1;
	_ =	shalt  }
.Lfunc_end2:
_tile_overlayer_lowered:
.L_overlay_start_2:
0x199: {  	(tag) =	ssettag $0x2  }
0x19a: {  	s0 =	rddreg [dreg:$0x0];
	s2 =	stileid.u32  }
0x19b: {  	s1 =	rddreg [dreg:$0x1];
	p0 =	sne.s32 s2, $0x0  }
0x19c: {  	s3 =	rddreg [dreg:$0x2];
	[bflag:$0x3] =	sbarrier.arrive $0xFFFF;
	s2 =	simm.s32 @!p0 $0x1C02  }
0x19d: {  	[timem:s3], [sflag:s2] =	dma.local @!p0 [hbm:s0], s1  }
0x19e: {  	s0 =	simm.s32 @!p0 $0x2  }
0x19f: {  	_ =	swait.ge @!p0 [sflag:s0], s1  }
0x1a0: {  	s1 =	ssub.s32 @!p0 $0x0, s1;
	[sflag:s0] =	ssyncset.done @!p0 $0x0  }
0x1a1: {  	[sflag:s0] =	ssyncadd.s32 @!p0 s1  }
0x1a2: {  	[bflag:$0x3] =	sbarrier.arrive $0xFFFF  }
0x1a3: {  	_ =	shalt  }

</sc_bundles>
